<compile_context>
chip_gen: v7x
topology: tpu7x:2x2x1
jax: 0.10.2.dev20260603
libtpu: 0.0.44.dev20260713+nightly
codegen_flags: <defaults>
</compile_context>

<pallas_src>
import jax
import jax.numpy as jnp
from jax import lax
from jax.experimental import pallas as pl
from jax.experimental.pallas import tpu as pltpu
from jax.experimental.pallas import tpu_sc as plsc

B = 2048
OBS = 1024
ACT = 256
HID = 1024
E = 8
K = 2
NP = B * K
TILE = 256
PN = NP + E * TILE
NT = PN // TILE
NTPAD = 32
VP = 128

NC = 2
NS = 16
NW = NC * NS
SLOTS_W = PN // NW
PAIRS_S = NP // NS
TOK_W = B // NW


def _top2(logits):
    ef = lax.broadcasted_iota(jnp.int32, logits.shape, 1).astype(jnp.float32)
    m1 = jnp.max(logits, axis=-1, keepdims=True)
    i1 = jnp.min(jnp.where(logits == m1, ef, float(E)), axis=-1, keepdims=True)
    mask1 = ef == i1
    l2 = jnp.where(mask1, -1e30, logits)
    m2 = jnp.max(l2, axis=-1, keepdims=True)
    i2 = jnp.min(jnp.where(l2 == m2, ef, float(E)), axis=-1, keepdims=True)
    mask2 = ef == i2
    e2 = jnp.exp(m2 - m1)
    s = 1.0 + e2
    return mask1, mask2, 1.0 / s, e2 / s


def _router_head(x16, wg_ref, pos_ref, g_ref, tile_ref, ohs, gs, rs):
    dn = (((1,), (0,)), ((), ()))
    logits = lax.dot_general(x16, wg_ref[...].astype(jnp.bfloat16), dn,
                             preferred_element_type=jnp.float32)
    mask1, mask2, g1, g2 = _top2(logits)
    ohs[0:B, :] = mask1.astype(jnp.float32)
    ohs[B:NP, :] = mask2.astype(jnp.float32)
    gs[0:B, :] = g1
    gs[B:NP, :] = g2

    ri = lax.broadcasted_iota(jnp.int32, (128, 128), 0)
    ci = lax.broadcasted_iota(jnp.int32, (128, 128), 1)
    ltri = jnp.where(ci < ri, 1.0, 0.0).astype(jnp.bfloat16)

    def body(c, carry):
        chunk = ohs[pl.ds(c * 128, 128), :]
        excl = lax.dot_general(ltri, chunk.astype(jnp.bfloat16), dn,
                               preferred_element_type=jnp.float32)
        rs[pl.ds(c * 128, 128), :] = excl + carry
        return carry + jnp.sum(chunk, axis=0, keepdims=True)

    counts = lax.fori_loop(0, NP // 128, body, jnp.zeros((1, E), jnp.float32))
    pc = jnp.floor((counts + float(TILE - 1)) * (1.0 / TILE)) * float(TILE)
    ui = lax.broadcasted_iota(jnp.int32, (E, E), 0)
    uj = lax.broadcasted_iota(jnp.int32, (E, E), 1)
    utri = jnp.where(ui < uj, 1.0, 0.0).astype(jnp.bfloat16)
    off = lax.dot_general(pc.astype(jnp.bfloat16), utri, dn,
                          preferred_element_type=jnp.float32)
    posf = jnp.sum((rs[...] + off) * ohs[...], axis=1, keepdims=True)
    pos_ref[...] = posf.astype(jnp.int32)
    g_ref[...] = gs[...]
    tif = lax.broadcasted_iota(jnp.int32, (NTPAD, E), 0).astype(jnp.float32)
    ge = jnp.where(tif * float(TILE) >= (off + pc), 1.0, 0.0)
    te = jnp.minimum(jnp.sum(ge, axis=1, keepdims=True), float(E - 1))
    tile_ref[...] = te.astype(jnp.int32)


def _router_body(x_ref, pwg_ref, vwg_ref,
                 ppos_ref, pg_ref, ptile_ref, vpos_ref, vg_ref, vtile_ref,
                 ohs, gs, rs):
    x16 = x_ref[...].astype(jnp.bfloat16)
    _router_head(x16, pwg_ref, ppos_ref, pg_ref, ptile_ref, ohs, gs, rs)
    _router_head(x16, vwg_ref, vpos_ref, vg_ref, vtile_ref, ohs, gs, rs)


def _router(x, pw_gate, vw_gate):
    out = pl.pallas_call(
        _router_body,
        grid=(1,),
        in_specs=[
            pl.BlockSpec((B, OBS), lambda i: (0, 0)),
            pl.BlockSpec((OBS, E), lambda i: (0, 0)),
            pl.BlockSpec((OBS, E), lambda i: (0, 0)),
        ],
        out_specs=[
            pl.BlockSpec((NP, 1), lambda i: (0, 0)),
            pl.BlockSpec((NP, 1), lambda i: (0, 0)),
            pl.BlockSpec((NTPAD, 1), lambda i: (0, 0)),
            pl.BlockSpec((NP, 1), lambda i: (0, 0)),
            pl.BlockSpec((NP, 1), lambda i: (0, 0)),
            pl.BlockSpec((NTPAD, 1), lambda i: (0, 0)),
        ],
        out_shape=[
            jax.ShapeDtypeStruct((NP, 1), jnp.int32),
            jax.ShapeDtypeStruct((NP, 1), jnp.float32),
            jax.ShapeDtypeStruct((NTPAD, 1), jnp.int32),
            jax.ShapeDtypeStruct((NP, 1), jnp.int32),
            jax.ShapeDtypeStruct((NP, 1), jnp.float32),
            jax.ShapeDtypeStruct((NTPAD, 1), jnp.int32),
        ],
        scratch_shapes=[
            pltpu.VMEM((NP, E), jnp.float32),
            pltpu.VMEM((NP, 1), jnp.float32),
            pltpu.VMEM((NP, E), jnp.float32),
        ],
    )(x, pw_gate, vw_gate)
    return out


def _dispatch_body(xb_hbm, ppos_hbm, pg_hbm, vpos_hbm, vg_hbm,
                   xsp_hbm, gsp_hbm, xsv_hbm, gsv_hbm,
                   disp, gsb, posb, gb, rowsa, rowsb, rowsc, rowsd,
                   sem_l, sem_ga, sem_gb, sem_gc, sem_gd,
                   sem_oa, sem_ob, sem_oc, sem_od, sem_o):
    c = lax.axis_index("c")
    s = lax.axis_index("s")
    base = c * (PN // NC) + s * SLOTS_W
    lane = lax.iota(jnp.int32, 16)

    def zbody(j, _):
        disp[pl.ds(j * 16, 16)] = jnp.zeros((16,), jnp.int32)
        return 0
    l0 = pltpu.async_copy(ppos_hbm, posb, sem_l)
    l1 = pltpu.async_copy(pg_hbm, gb, sem_l)
    lax.fori_loop(0, PN // 16, zbody, 0)

    CH = SLOTS_W // 8
    for h in range(2):
        l0.wait()
        l1.wait()

        def sbody(i, _):
            pv = posb[pl.ds(i * 16, 16)]
            gv = gb[pl.ds(i * 16, 16)]
            tok = (i * 16 + lane) & (B - 1)
            plsc.store_scatter(disp, [pv], tok)
            plsc.store_scatter(gsb, [pv], gv)
            return 0
        lax.fori_loop(0, NP // 16, sbody, 0)
        if h == 0:
            l0 = pltpu.async_copy(vpos_hbm, posb, sem_l)
            l1 = pltpu.async_copy(vg_hbm, gb, sem_l)
        dst = xsp_hbm if h == 0 else xsv_hbm
        gdst = gsp_hbm if h == 0 else gsv_hbm
        og = pltpu.async_copy(gsb.at[pl.ds(base, SLOTS_W)],
                              gdst.at[pl.ds(base, SLOTS_W)], sem_o)
        bufs = (rowsa, rowsb, rowsc, rowsd)
        sems = (sem_ga, sem_gb, sem_gc, sem_gd)
        osems = (sem_oa, sem_ob, sem_oc, sem_od)
        pend_g = [None] * 4
        pend_w = [None] * 4
        for j in range(8):
            b = j % 4
            if pend_w[b] is not None:
                pend_w[b].wait()
            pend_g[b] = pltpu.async_copy(
                xb_hbm.at[disp.at[pl.ds(base + j * CH, CH)]], bufs[b], sems[b])
            if j >= 3:
                bw = (j - 3) % 4
                pend_g[bw].wait()
                pend_w[bw] = pltpu.async_copy(
                    bufs[bw], dst.at[pl.ds(base + (j - 3) * CH, CH)], osems[bw])
        for j in (5, 6, 7):
            b = j % 4
            pend_g[b].wait()
            pend_w[b] = pltpu.async_copy(
                bufs[b], dst.at[pl.ds(base + j * CH, CH)], osems[b])
        for b in range(4):
            pend_w[b].wait()
        og.wait()


def _dispatch(x, ppos, pg, vpos, vg):
    mesh = plsc.VectorSubcoreMesh(core_axis_name="c", subcore_axis_name="s")
    f = pl.kernel(
        _dispatch_body,
        out_type=[
            jax.ShapeDtypeStruct((PN, OBS), jnp.float32),
            jax.ShapeDtypeStruct((PN,), jnp.float32),
            jax.ShapeDtypeStruct((PN, OBS), jnp.float32),
            jax.ShapeDtypeStruct((PN,), jnp.float32),
        ],
        mesh=mesh,
        scratch_types=[
            pltpu.VMEM((PN,), jnp.int32),
            pltpu.VMEM((PN,), jnp.float32),
            pltpu.VMEM((NP,), jnp.int32),
            pltpu.VMEM((NP,), jnp.float32),
            pltpu.VMEM((SLOTS_W // 8, OBS), jnp.float32),
            pltpu.VMEM((SLOTS_W // 8, OBS), jnp.float32),
            pltpu.VMEM((SLOTS_W // 8, OBS), jnp.float32),
            pltpu.VMEM((SLOTS_W // 8, OBS), jnp.float32),
        ] + [pltpu.SemaphoreType.DMA] * 10,
        compiler_params=pltpu.CompilerParams(needs_layout_passes=False),
    )
    return f(x, ppos, pg, vpos, vg)


def _mm_body(tile_ref, xs_ref, w1_ref, b1_ref, w2_ref, b2_ref, gs_ref, out_ref):
    x16 = xs_ref[...].astype(jnp.bfloat16)
    w1 = w1_ref[0].astype(jnp.bfloat16)
    h = jnp.dot(x16, w1, preferred_element_type=jnp.float32)
    h = jnp.maximum(h + b1_ref[0], 0.0).astype(jnp.bfloat16)
    w2 = w2_ref[0].astype(jnp.bfloat16)
    y = jnp.dot(h, w2, preferred_element_type=jnp.float32) + b2_ref[0]
    out_ref[...] = y * gs_ref[...]


def _grouped_mm(xs2, gs2, tile_map, W1, b1, W2, b2, act):
    grid_spec = pltpu.PrefetchScalarGridSpec(
        num_scalar_prefetch=1,
        grid=(NT,),
        in_specs=[
            pl.BlockSpec((TILE, OBS), lambda t, tm: (t, 0)),
            pl.BlockSpec((1, OBS, HID), lambda t, tm: (tm[t], 0, 0)),
            pl.BlockSpec((1, 1, HID), lambda t, tm: (tm[t], 0, 0)),
            pl.BlockSpec((1, HID, act), lambda t, tm: (tm[t], 0, 0)),
            pl.BlockSpec((1, 1, act), lambda t, tm: (tm[t], 0, 0)),
            pl.BlockSpec((TILE, 1), lambda t, tm: (t, 0)),
        ],
        out_specs=pl.BlockSpec((TILE, act), lambda t, tm: (t, 0)),
    )
    return pl.pallas_call(
        _mm_body,
        grid_spec=grid_spec,
        out_shape=jax.ShapeDtypeStruct((PN, act), jnp.float32),
        compiler_params=pltpu.CompilerParams(
            dimension_semantics=("arbitrary",),
        ),
    )(tile_map, xs2, W1, b1.reshape(E, 1, HID), W2, b2.reshape(E, 1, act), gs2)


def _combine_body(ysp_hbm, ysv_hbm, ppos_hbm, vpos_hbm, outp_hbm, outv_hbm,
                  pb0, pb1, vb0, vb1, i00, i01, i10, i11,
                  bufa, bufb, bufv, sem_l, sem_g, sem_w):
    c = lax.axis_index("c")
    s = lax.axis_index("s")
    wid = s * NC + c
    base = wid * TOK_W
    l0 = pltpu.async_copy(ppos_hbm.at[pl.ds(base, TOK_W)], pb0, sem_l)
    l1 = pltpu.async_copy(ppos_hbm.at[pl.ds(B + base, TOK_W)], pb1, sem_l)
    l2 = pltpu.async_copy(vpos_hbm.at[pl.ds(base, TOK_W)], vb0, sem_l)
    l3 = pltpu.async_copy(vpos_hbm.at[pl.ds(B + base, TOK_W)], vb1, sem_l)
    for d in (l0, l1, l2, l3):
        d.wait()
    for j in range(TOK_W // 16):
        v0 = pb0[pl.ds(j * 16, 16)]
        i00[pl.ds(j * 16, 16)] = v0 + v0
        i01[pl.ds(j * 16, 16)] = v0 + v0 + 1
        v1 = pb1[pl.ds(j * 16, 16)]
        i10[pl.ds(j * 16, 16)] = v1 + v1
        i11[pl.ds(j * 16, 16)] = v1 + v1 + 1
    g0 = pltpu.async_copy(ysp_hbm.at[i00], bufa, sem_g)
    g1 = pltpu.async_copy(ysp_hbm.at[i01], bufb, sem_g)
    g2 = pltpu.async_copy(ysv_hbm.at[vb0], bufv, sem_g)
    for d in (g0, g1, g2):
        d.wait()
    a0 = pltpu.async_copy(ysp_hbm.at[i10], bufa, sem_g, add=True)
    a1 = pltpu.async_copy(ysp_hbm.at[i11], bufb, sem_g, add=True)
    a2 = pltpu.async_copy(ysv_hbm.at[vb1], bufv, sem_g, add=True)
    for d in (a0, a1, a2):
        d.wait()
    w0 = pltpu.async_copy(bufa, outp_hbm.at[pl.ds(base, TOK_W), 0], sem_w)
    w1 = pltpu.async_copy(bufb, outp_hbm.at[pl.ds(base, TOK_W), 1], sem_w)
    w2 = pltpu.async_copy(bufv, outv_hbm.at[pl.ds(base, TOK_W)], sem_w)
    for d in (w0, w1, w2):
        d.wait()


def _combine(ysp2, ysv, ppos, vpos):
    mesh = plsc.VectorSubcoreMesh(core_axis_name="c", subcore_axis_name="s")
    f = pl.kernel(
        _combine_body,
        out_type=[
            jax.ShapeDtypeStruct((B, ACT // 128, 128), jnp.float32),
            jax.ShapeDtypeStruct((B, VP), jnp.float32),
        ],
        mesh=mesh,
        scratch_types=[
            pltpu.VMEM((TOK_W,), jnp.int32),
            pltpu.VMEM((TOK_W,), jnp.int32),
            pltpu.VMEM((TOK_W,), jnp.int32),
            pltpu.VMEM((TOK_W,), jnp.int32),
            pltpu.VMEM((TOK_W,), jnp.int32),
            pltpu.VMEM((TOK_W,), jnp.int32),
            pltpu.VMEM((TOK_W,), jnp.int32),
            pltpu.VMEM((TOK_W,), jnp.int32),
            pltpu.VMEM((TOK_W, 128), jnp.float32),
            pltpu.VMEM((TOK_W, 128), jnp.float32),
            pltpu.VMEM((TOK_W, VP), jnp.float32),
            pltpu.SemaphoreType.DMA,
            pltpu.SemaphoreType.DMA,
            pltpu.SemaphoreType.DMA,
        ],
    )
    return f(ysp2, ysv, ppos, vpos)


def kernel(x, pw_gate, pW1, pb1, pW2, pb2, vw_gate, vW1, vb1, vW2, vb2):
    ppos, pg, ptile, vpos, vg, vtile = _router(x, pw_gate, vw_gate)
    ppos1 = ppos.reshape(NP)
    vpos1 = vpos.reshape(NP)
    xsp, gsp, xsv, gsv = _dispatch(x, ppos1, pg.reshape(NP),
                                   vpos1, vg.reshape(NP))
    ptm = ptile.reshape(NTPAD)[:NT]
    vtm = vtile.reshape(NTPAD)[:NT]
    ysp = _grouped_mm(xsp, gsp.reshape(PN, 1), ptm, pW1, pb1, pW2, pb2, ACT)
    vW2p = jnp.pad(vW2, ((0, 0), (0, 0), (0, VP - 1)))
    vb2p = jnp.pad(vb2, ((0, 0), (0, VP - 1)))
    ysv = _grouped_mm(xsv, gsv.reshape(PN, 1), vtm, vW1, vb1, vW2p, vb2p, VP)
    outp3, outv = _combine(ysp.reshape(PN * 2, 128), ysv, ppos1, vpos1)
    return (outp3.reshape(B, ACT), outv[:, 0])

# --- scband reference (transcript-rebuilt; emitter-appended) ---
"""Pipeline reference for scband-mo-epolicy-value-2173253451893 (READ-ONLY COPY).

The authoritative reference and input builder live on the scoring server;
editing this copy changes nothing except your own understanding.
"""

import jax, jax.numpy as jnp
import numpy as np

B = 2048
OBS = 1024
ACT = 256
HID = 1024
E = 8
K = 2


def setup_inputs(seed: int = 0) -> dict:
    key = jax.random.key(seed)
    ks = jax.random.split(key, 12)
    s_in = 1.0 / np.sqrt(OBS)
    s_hid = 1.0 / np.sqrt(HID)
    inp = {
        'x': jax.random.normal(ks[0], (B, OBS), dtype=jnp.float32),
        # policy MoE params
        'pw_gate': 0.02 * jax.random.normal(ks[1], (OBS, E), dtype=jnp.float32),
        'pW1': s_in * jax.random.normal(ks[2], (E, OBS, HID), dtype=jnp.float32),
        'pb1': jnp.zeros((E, HID), dtype=jnp.float32),
        'pW2': s_hid * jax.random.normal(ks[3], (E, HID, ACT), dtype=jnp.float32),
        'pb2': jnp.zeros((E, ACT), dtype=jnp.float32),
        # value MoE params
        'vw_gate': 0.02 * jax.random.normal(ks[4], (OBS, E), dtype=jnp.float32),
        'vW1': s_in * jax.random.normal(ks[5], (E, OBS, HID), dtype=jnp.float32),
        'vb1': jnp.zeros((E, HID), dtype=jnp.float32),
        'vW2': s_hid * jax.random.normal(ks[6], (E, HID, 1), dtype=jnp.float32),
        'vb2': jnp.zeros((E, 1), dtype=jnp.float32),
    }
    return inp


def _cv_squared(v):
    eps = 1e-10
    if v.shape[0] <= 1:
        return jnp.asarray(0.0, dtype=v.dtype)
    return jnp.var(v, ddof=1) / (jnp.mean(v) ** 2 + eps)


def _moe_forward(x, w_gate, W1, b1, W2, b2, k):
    # noisy top-k gating in eval mode (no noise): logits -> top-k -> softmax over kept experts
    clean_logits = x @ w_gate  # [B, E]
    top_vals, top_idx = jax.lax.top_k(clean_logits, k)  # [B, k]
    top_gates = jax.nn.softmax(top_vals, axis=-1)  # [B, k]
    n = x.shape[0]
    gates = jnp.zeros_like(clean_logits).at[jnp.arange(n)[:, None], top_idx].set(top_gates)  # [B, E]
    # experts: 2-layer MLP per expert; dense compute + gate combine is mathematically
    # identical to dispatch/combine in the torch SparseDispatcher implementation
    h = jax.nn.relu(jnp.einsum('bi,eih->beh', x, W1) + b1[None, :, :])  # [B, E, H]
    y = jnp.einsum('beh,eho->beo', h, W2) + b2[None, :, :]  # [B, E, O]
    out = jnp.einsum('be,beo->bo', gates, y)  # [B, O]
    importance = gates.sum(axis=0)
    load = (gates > 0).astype(jnp.float32).sum(axis=0)
    aux_loss = _cv_squared(importance) + _cv_squared(load)
    return out, aux_loss


def reference(x, pw_gate, pW1, pb1, pW2, pb2, vw_gate, vW1, vb1, vW2, vb2):
    policy_output, _ = _moe_forward(x, pw_gate, pW1, pb1, pW2, pb2, K)
    value_output, _ = _moe_forward(x, vw_gate, vW1, vb1, vW2, vb2, K)
    # torch returns dist.Categorical(logits=policy_output); represented here by its logits
    return (policy_output, jnp.squeeze(value_output, axis=-1))

if __name__ == "__main__":
    import jax
    _d = setup_inputs()
    print(jax.jit(kernel)(*tuple(_d.values())))

</pallas_src>

<mosaic_0001>
#map = affine_map<(d0, d1) -> (0, 0)>
#map1 = affine_map<(d0, d1) -> (0)>
#map2 = affine_map<(d0, d1) -> (0, 0, 0)>
module attributes {stable_mosaic.version = 14 : i64} {
  func.func @_combine_body(%arg0: i32, %arg1: i32, %arg2: memref<12288x128xf32, #tpu.memory_space<hbm>>, %arg3: memref<6144x128xf32, #tpu.memory_space<hbm>>, %arg4: memref<4096xi32, #tpu.memory_space<hbm>>, %arg5: memref<4096xi32, #tpu.memory_space<hbm>>, %arg6: memref<2048x2x128xf32, #tpu.memory_space<hbm>>, %arg7: memref<2048x128xf32, #tpu.memory_space<hbm>>, %arg8: memref<64xi32, #tpu.memory_space<vmem>>, %arg9: memref<64xi32, #tpu.memory_space<vmem>>, %arg10: memref<64xi32, #tpu.memory_space<vmem>>, %arg11: memref<64xi32, #tpu.memory_space<vmem>>, %arg12: memref<64xi32, #tpu.memory_space<vmem>>, %arg13: memref<64xi32, #tpu.memory_space<vmem>>, %arg14: memref<64xi32, #tpu.memory_space<vmem>>, %arg15: memref<64xi32, #tpu.memory_space<vmem>>, %arg16: memref<64x128xf32, #tpu.memory_space<vmem>>, %arg17: memref<64x128xf32, #tpu.memory_space<vmem>>, %arg18: memref<64x128xf32, #tpu.memory_space<vmem>>, %arg19: memref<!tpu.dma_semaphore, #tpu.memory_space<semaphore_mem>>, %arg20: memref<!tpu.dma_semaphore, #tpu.memory_space<semaphore_mem>>, %arg21: memref<!tpu.dma_semaphore, #tpu.memory_space<semaphore_mem>>) attributes {dimension_semantics = [#tpu.dimension_semantics<core_parallel>, #tpu.dimension_semantics<subcore_parallel>], iteration_bounds = array<i64: 2, 16>, scalar_prefetch = 0 : i64, scratch_operands = 14 : i64, tpu.core_type = #tpu.core_type<sc_vector_subcore>, window_params = [{transform_indices = #map}, {transform_indices = #map}, {transform_indices = #map1}, {transform_indices = #map1}, {transform_indices = #map2}, {transform_indices = #map}]} {
    %mul3A = arith.constant 2 : i32
    %mul3A_0 = arith.muli %arg1, %mul3A : i32
    %add3A = arith.addi %mul3A_0, %arg0 : i32
    %mul3A_1 = arith.constant 64 : i32
    %mul3A_2 = arith.muli %add3A, %mul3A_1 : i32
    %dma_start3A = tpu.memref_slice %arg4[%mul3A_2] : memref<4096xi32, #tpu.memory_space<hbm>> -> memref<64xi32, #tpu.memory_space<hbm>>
    %dma_start3A_3 = tpu.memref_slice %arg4[%mul3A_2] : memref<4096xi32, #tpu.memory_space<hbm>> -> memref<64xi32, #tpu.memory_space<hbm>>
    tpu.enqueue_dma source(%dma_start3A_3 : memref<64xi32, #tpu.memory_space<hbm>>) target(%arg8 : memref<64xi32, #tpu.memory_space<vmem>>) target_semaphore(%arg19 : memref<!tpu.dma_semaphore, #tpu.memory_space<semaphore_mem>>)
    %add3A_4 = arith.constant 2048 : i32
    %add3A_5 = arith.addi %add3A_4, %mul3A_2 : i32
    %dma_start3A_6 = tpu.memref_slice %arg4[%add3A_5] : memref<4096xi32, #tpu.memory_space<hbm>> -> memref<64xi32, #tpu.memory_space<hbm>>
    %dma_start3A_7 = tpu.memref_slice %arg4[%add3A_5] : memref<4096xi32, #tpu.memory_space<hbm>> -> memref<64xi32, #tpu.memory_space<hbm>>
    tpu.enqueue_dma source(%dma_start3A_7 : memref<64xi32, #tpu.memory_space<hbm>>) target(%arg9 : memref<64xi32, #tpu.memory_space<vmem>>) target_semaphore(%arg19 : memref<!tpu.dma_semaphore, #tpu.memory_space<semaphore_mem>>)
    %dma_start3A_8 = tpu.memref_slice %arg5[%mul3A_2] : memref<4096xi32, #tpu.memory_space<hbm>> -> memref<64xi32, #tpu.memory_space<hbm>>
    %dma_start3A_9 = tpu.memref_slice %arg5[%mul3A_2] : memref<4096xi32, #tpu.memory_space<hbm>> -> memref<64xi32, #tpu.memory_space<hbm>>
    tpu.enqueue_dma source(%dma_start3A_9 : memref<64xi32, #tpu.memory_space<hbm>>) target(%arg10 : memref<64xi32, #tpu.memory_space<vmem>>) target_semaphore(%arg19 : memref<!tpu.dma_semaphore, #tpu.memory_space<semaphore_mem>>)
    %add3A_10 = arith.constant 2048 : i32
    %add3A_11 = arith.addi %add3A_10, %mul3A_2 : i32
    %dma_start3A_12 = tpu.memref_slice %arg5[%add3A_11] : memref<4096xi32, #tpu.memory_space<hbm>> -> memref<64xi32, #tpu.memory_space<hbm>>
    %dma_start3A_13 = tpu.memref_slice %arg5[%add3A_11] : memref<4096xi32, #tpu.memory_space<hbm>> -> memref<64xi32, #tpu.memory_space<hbm>>
    tpu.enqueue_dma source(%dma_start3A_13 : memref<64xi32, #tpu.memory_space<hbm>>) target(%arg11 : memref<64xi32, #tpu.memory_space<vmem>>) target_semaphore(%arg19 : memref<!tpu.dma_semaphore, #tpu.memory_space<semaphore_mem>>)
    %dma_wait3A = tpu.memref_slice %arg4[%mul3A_2] : memref<4096xi32, #tpu.memory_space<hbm>> -> memref<64xi32, #tpu.memory_space<hbm>>
    %dma_wait3A_14 = tpu.memref_slice %arg4[%mul3A_2] : memref<4096xi32, #tpu.memory_space<hbm>> -> memref<64xi32, #tpu.memory_space<hbm>>
    tpu.wait_dma2 semaphore(%arg19 : memref<!tpu.dma_semaphore, #tpu.memory_space<semaphore_mem>>) src(%dma_wait3A_14 : memref<64xi32, #tpu.memory_space<hbm>>) dst(%arg8 : memref<64xi32, #tpu.memory_space<vmem>>)
    %dma_wait3A_15 = tpu.memref_slice %arg4[%add3A_5] : memref<4096xi32, #tpu.memory_space<hbm>> -> memref<64xi32, #tpu.memory_space<hbm>>
    %dma_wait3A_16 = tpu.memref_slice %arg4[%add3A_5] : memref<4096xi32, #tpu.memory_space<hbm>> -> memref<64xi32, #tpu.memory_space<hbm>>
    tpu.wait_dma2 semaphore(%arg19 : memref<!tpu.dma_semaphore, #tpu.memory_space<semaphore_mem>>) src(%dma_wait3A_16 : memref<64xi32, #tpu.memory_space<hbm>>) dst(%arg9 : memref<64xi32, #tpu.memory_space<vmem>>)
    %dma_wait3A_17 = tpu.memref_slice %arg5[%mul3A_2] : memref<4096xi32, #tpu.memory_space<hbm>> -> memref<64xi32, #tpu.memory_space<hbm>>
    %dma_wait3A_18 = tpu.memref_slice %arg5[%mul3A_2] : memref<4096xi32, #tpu.memory_space<hbm>> -> memref<64xi32, #tpu.memory_space<hbm>>
    tpu.wait_dma2 semaphore(%arg19 : memref<!tpu.dma_semaphore, #tpu.memory_space<semaphore_mem>>) src(%dma_wait3A_18 : memref<64xi32, #tpu.memory_space<hbm>>) dst(%arg10 : memref<64xi32, #tpu.memory_space<vmem>>)
    %dma_wait3A_19 = tpu.memref_slice %arg5[%add3A_11] : memref<4096xi32, #tpu.memory_space<hbm>> -> memref<64xi32, #tpu.memory_space<hbm>>
    %dma_wait3A_20 = tpu.memref_slice %arg5[%add3A_11] : memref<4096xi32, #tpu.memory_space<hbm>> -> memref<64xi32, #tpu.memory_space<hbm>>
    tpu.wait_dma2 semaphore(%arg19 : memref<!tpu.dma_semaphore, #tpu.memory_space<semaphore_mem>>) src(%dma_wait3A_20 : memref<64xi32, #tpu.memory_space<hbm>>) dst(%arg11 : memref<64xi32, #tpu.memory_space<vmem>>)
    %get3A = arith.constant 0 : index
    %get3A_21 = tpu.vector_load %arg8[%get3A] {strides = array<i32>} : memref<64xi32, #tpu.memory_space<vmem>>, vector<16xi32>,
    %get3A_22 = vector.shape_cast %get3A_21 : vector<16xi32> to vector<16xi32>
    %add3A_23 = arith.addi %get3A_22, %get3A_22 : vector<16xi32>
    %swap3A = arith.constant 0 : index
    %swap3A_24 = tpu.vector_load %arg12[%swap3A] {strides = array<i32>} : memref<64xi32, #tpu.memory_space<vmem>>, vector<16xi32>,
    %swap3A_25 = vector.shape_cast %swap3A_24 : vector<16xi32> to vector<16xi32>
    %swap3A_26 = vector.shape_cast %add3A_23 : vector<16xi32> to vector<16xi32>
    tpu.vector_store %arg12[%swap3A], %swap3A_26 {strides = array<i32>} : memref<64xi32, #tpu.memory_space<vmem>>, vector<16xi32>,
    %add3A_27 = arith.addi %get3A_22, %get3A_22 : vector<16xi32>
    %add3A_28 = arith.constant 1 : i32
    %add3A_29 = vector.broadcast %add3A_28 : i32 to vector<16xi32>
    %add3A_30 = arith.addi %add3A_27, %add3A_29 : vector<16xi32>
    %swap3A_31 = arith.constant 0 : index
    %swap3A_32 = tpu.vector_load %arg13[%swap3A_31] {strides = array<i32>} : memref<64xi32, #tpu.memory_space<vmem>>, vector<16xi32>,
    %swap3A_33 = vector.shape_cast %swap3A_32 : vector<16xi32> to vector<16xi32>
    %swap3A_34 = vector.shape_cast %add3A_30 : vector<16xi32> to vector<16xi32>
    tpu.vector_store %arg13[%swap3A_31], %swap3A_34 {strides = array<i32>} : memref<64xi32, #tpu.memory_space<vmem>>, vector<16xi32>,
    %get3A_35 = arith.constant 0 : index
    %get3A_36 = tpu.vector_load %arg9[%get3A_35] {strides = array<i32>} : memref<64xi32, #tpu.memory_space<vmem>>, vector<16xi32>,
    %get3A_37 = vector.shape_cast %get3A_36 : vector<16xi32> to vector<16xi32>
    %add3A_38 = arith.addi %get3A_37, %get3A_37 : vector<16xi32>
    %swap3A_39 = arith.constant 0 : index
    %swap3A_40 = tpu.vector_load %arg14[%swap3A_39] {strides = array<i32>} : memref<64xi32, #tpu.memory_space<vmem>>, vector<16xi32>,
    %swap3A_41 = vector.shape_cast %swap3A_40 : vector<16xi32> to vector<16xi32>
    %swap3A_42 = vector.shape_cast %add3A_38 : vector<16xi32> to vector<16xi32>
    tpu.vector_store %arg14[%swap3A_39], %swap3A_42 {strides = array<i32>} : memref<64xi32, #tpu.memory_space<vmem>>, vector<16xi32>,
    %add3A_43 = arith.addi %get3A_37, %get3A_37 : vector<16xi32>
    %add3A_44 = arith.constant 1 : i32
    %add3A_45 = vector.broadcast %add3A_44 : i32 to vector<16xi32>
    %add3A_46 = arith.addi %add3A_43, %add3A_45 : vector<16xi32>
    %swap3A_47 = arith.constant 0 : index
    %swap3A_48 = tpu.vector_load %arg15[%swap3A_47] {strides = array<i32>} : memref<64xi32, #tpu.memory_space<vmem>>, vector<16xi32>,
    %swap3A_49 = vector.shape_cast %swap3A_48 : vector<16xi32> to vector<16xi32>
    %swap3A_50 = vector.shape_cast %add3A_46 : vector<16xi32> to vector<16xi32>
    tpu.vector_store %arg15[%swap3A_47], %swap3A_50 {strides = array<i32>} : memref<64xi32, #tpu.memory_space<vmem>>, vector<16xi32>,
    %get3A_51 = arith.constant 16 : index
    %get3A_52 = tpu.vector_load %arg8[%get3A_51] {strides = array<i32>} : memref<64xi32, #tpu.memory_space<vmem>>, vector<16xi32>,
    %get3A_53 = vector.shape_cast %get3A_52 : vector<16xi32> to vector<16xi32>
    %add3A_54 = arith.addi %get3A_53, %get3A_53 : vector<16xi32>
    %swap3A_55 = arith.constant 16 : index
    %swap3A_56 = tpu.vector_load %arg12[%swap3A_55] {strides = array<i32>} : memref<64xi32, #tpu.memory_space<vmem>>, vector<16xi32>,
    %swap3A_57 = vector.shape_cast %swap3A_56 : vector<16xi32> to vector<16xi32>
    %swap3A_58 = vector.shape_cast %add3A_54 : vector<16xi32> to vector<16xi32>
    tpu.vector_store %arg12[%swap3A_55], %swap3A_58 {strides = array<i32>} : memref<64xi32, #tpu.memory_space<vmem>>, vector<16xi32>,
    %add3A_59 = arith.addi %get3A_53, %get3A_53 : vector<16xi32>
    %add3A_60 = arith.constant 1 : i32
    %add3A_61 = vector.broadcast %add3A_60 : i32 to vector<16xi32>
    %add3A_62 = arith.addi %add3A_59, %add3A_61 : vector<16xi32>
    %swap3A_63 = arith.constant 16 : index
    %swap3A_64 = tpu.vector_load %arg13[%swap3A_63] {strides = array<i32>} : memref<64xi32, #tpu.memory_space<vmem>>, vector<16xi32>,
    %swap3A_65 = vector.shape_cast %swap3A_64 : vector<16xi32> to vector<16xi32>
    %swap3A_66 = vector.shape_cast %add3A_62 : vector<16xi32> to vector<16xi32>
    tpu.vector_store %arg13[%swap3A_63], %swap3A_66 {strides = array<i32>} : memref<64xi32, #tpu.memory_space<vmem>>, vector<16xi32>,
    %get3A_67 = arith.constant 16 : index
    %get3A_68 = tpu.vector_load %arg9[%get3A_67] {strides = array<i32>} : memref<64xi32, #tpu.memory_space<vmem>>, vector<16xi32>,
    %get3A_69 = vector.shape_cast %get3A_68 : vector<16xi32> to vector<16xi32>
    %add3A_70 = arith.addi %get3A_69, %get3A_69 : vector<16xi32>
    %swap3A_71 = arith.constant 16 : index
    %swap3A_72 = tpu.vector_load %arg14[%swap3A_71] {strides = array<i32>} : memref<64xi32, #tpu.memory_space<vmem>>, vector<16xi32>,
    %swap3A_73 = vector.shape_cast %swap3A_72 : vector<16xi32> to vector<16xi32>
    %swap3A_74 = vector.shape_cast %add3A_70 : vector<16xi32> to vector<16xi32>
    tpu.vector_store %arg14[%swap3A_71], %swap3A_74 {strides = array<i32>} : memref<64xi32, #tpu.memory_space<vmem>>, vector<16xi32>,
    %add3A_75 = arith.addi %get3A_69, %get3A_69 : vector<16xi32>
    %add3A_76 = arith.constant 1 : i32
    %add3A_77 = vector.broadcast %add3A_76 : i32 to vector<16xi32>
    %add3A_78 = arith.addi %add3A_75, %add3A_77 : vector<16xi32>
    %swap3A_79 = arith.constant 16 : index
    %swap3A_80 = tpu.vector_load %arg15[%swap3A_79] {strides = array<i32>} : memref<64xi32, #tpu.memory_space<vmem>>, vector<16xi32>,
    %swap3A_81 = vector.shape_cast %swap3A_80 : vector<16xi32> to vector<16xi32>
    %swap3A_82 = vector.shape_cast %add3A_78 : vector<16xi32> to vector<16xi32>
    tpu.vector_store %arg15[%swap3A_79], %swap3A_82 {strides = array<i32>} : memref<64xi32, #tpu.memory_space<vmem>>, vector<16xi32>,
    %get3A_83 = arith.constant 32 : index
    %get3A_84 = tpu.vector_load %arg8[%get3A_83] {strides = array<i32>} : memref<64xi32, #tpu.memory_space<vmem>>, vector<16xi32>,
    %get3A_85 = vector.shape_cast %get3A_84 : vector<16xi32> to vector<16xi32>
    %add3A_86 = arith.addi %get3A_85, %get3A_85 : vector<16xi32>
    %swap3A_87 = arith.constant 32 : index
    %swap3A_88 = tpu.vector_load %arg12[%swap3A_87] {strides = array<i32>} : memref<64xi32, #tpu.memory_space<vmem>>, vector<16xi32>,
    %swap3A_89 = vector.shape_cast %swap3A_88 : vector<16xi32> to vector<16xi32>
    %swap3A_90 = vector.shape_cast %add3A_86 : vector<16xi32> to vector<16xi32>
    tpu.vector_store %arg12[%swap3A_87], %swap3A_90 {strides = array<i32>} : memref<64xi32, #tpu.memory_space<vmem>>, vector<16xi32>,
    %add3A_91 = arith.addi %get3A_85, %get3A_85 : vector<16xi32>
    %add3A_92 = arith.constant 1 : i32
    %add3A_93 = vector.broadcast %add3A_92 : i32 to vector<16xi32>
    %add3A_94 = arith.addi %add3A_91, %add3A_93 : vector<16xi32>
    %swap3A_95 = arith.constant 32 : index
    %swap3A_96 = tpu.vector_load %arg13[%swap3A_95] {strides = array<i32>} : memref<64xi32, #tpu.memory_space<vmem>>, vector<16xi32>,
    %swap3A_97 = vector.shape_cast %swap3A_96 : vector<16xi32> to vector<16xi32>
    %swap3A_98 = vector.shape_cast %add3A_94 : vector<16xi32> to vector<16xi32>
    tpu.vector_store %arg13[%swap3A_95], %swap3A_98 {strides = array<i32>} : memref<64xi32, #tpu.memory_space<vmem>>, vector<16xi32>,
    %get3A_99 = arith.constant 32 : index
    %get3A_100 = tpu.vector_load %arg9[%get3A_99] {strides = array<i32>} : memref<64xi32, #tpu.memory_space<vmem>>, vector<16xi32>,
    %get3A_101 = vector.shape_cast %get3A_100 : vector<16xi32> to vector<16xi32>
    %add3A_102 = arith.addi %get3A_101, %get3A_101 : vector<16xi32>
    %swap3A_103 = arith.constant 32 : index
    %swap3A_104 = tpu.vector_load %arg14[%swap3A_103] {strides = array<i32>} : memref<64xi32, #tpu.memory_space<vmem>>, vector<16xi32>,
    %swap3A_105 = vector.shape_cast %swap3A_104 : vector<16xi32> to vector<16xi32>
    %swap3A_106 = vector.shape_cast %add3A_102 : vector<16xi32> to vector<16xi32>
    tpu.vector_store %arg14[%swap3A_103], %swap3A_106 {strides = array<i32>} : memref<64xi32, #tpu.memory_space<vmem>>, vector<16xi32>,
    %add3A_107 = arith.addi %get3A_101, %get3A_101 : vector<16xi32>
    %add3A_108 = arith.constant 1 : i32
    %add3A_109 = vector.broadcast %add3A_108 : i32 to vector<16xi32>
    %add3A_110 = arith.addi %add3A_107, %add3A_109 : vector<16xi32>
    %swap3A_111 = arith.constant 32 : index
    %swap3A_112 = tpu.vector_load %arg15[%swap3A_111] {strides = array<i32>} : memref<64xi32, #tpu.memory_space<vmem>>, vector<16xi32>,
    %swap3A_113 = vector.shape_cast %swap3A_112 : vector<16xi32> to vector<16xi32>
    %swap3A_114 = vector.shape_cast %add3A_110 : vector<16xi32> to vector<16xi32>
    tpu.vector_store %arg15[%swap3A_111], %swap3A_114 {strides = array<i32>} : memref<64xi32, #tpu.memory_space<vmem>>, vector<16xi32>,
    %get3A_115 = arith.constant 48 : index
    %get3A_116 = tpu.vector_load %arg8[%get3A_115] {strides = array<i32>} : memref<64xi32, #tpu.memory_space<vmem>>, vector<16xi32>,
    %get3A_117 = vector.shape_cast %get3A_116 : vector<16xi32> to vector<16xi32>
    %add3A_118 = arith.addi %get3A_117, %get3A_117 : vector<16xi32>
    %swap3A_119 = arith.constant 48 : index
    %swap3A_120 = tpu.vector_load %arg12[%swap3A_119] {strides = array<i32>} : memref<64xi32, #tpu.memory_space<vmem>>, vector<16xi32>,
    %swap3A_121 = vector.shape_cast %swap3A_120 : vector<16xi32> to vector<16xi32>
    %swap3A_122 = vector.shape_cast %add3A_118 : vector<16xi32> to vector<16xi32>
    tpu.vector_store %arg12[%swap3A_119], %swap3A_122 {strides = array<i32>} : memref<64xi32, #tpu.memory_space<vmem>>, vector<16xi32>,
    %add3A_123 = arith.addi %get3A_117, %get3A_117 : vector<16xi32>
    %add3A_124 = arith.constant 1 : i32
    %add3A_125 = vector.broadcast %add3A_124 : i32 to vector<16xi32>
    %add3A_126 = arith.addi %add3A_123, %add3A_125 : vector<16xi32>
    %swap3A_127 = arith.constant 48 : index
    %swap3A_128 = tpu.vector_load %arg13[%swap3A_127] {strides = array<i32>} : memref<64xi32, #tpu.memory_space<vmem>>, vector<16xi32>,
    %swap3A_129 = vector.shape_cast %swap3A_128 : vector<16xi32> to vector<16xi32>
    %swap3A_130 = vector.shape_cast %add3A_126 : vector<16xi32> to vector<16xi32>
    tpu.vector_store %arg13[%swap3A_127], %swap3A_130 {strides = array<i32>} : memref<64xi32, #tpu.memory_space<vmem>>, vector<16xi32>,
    %get3A_131 = arith.constant 48 : index
    %get3A_132 = tpu.vector_load %arg9[%get3A_131] {strides = array<i32>} : memref<64xi32, #tpu.memory_space<vmem>>, vector<16xi32>,
    %get3A_133 = vector.shape_cast %get3A_132 : vector<16xi32> to vector<16xi32>
    %add3A_134 = arith.addi %get3A_133, %get3A_133 : vector<16xi32>
    %swap3A_135 = arith.constant 48 : index
    %swap3A_136 = tpu.vector_load %arg14[%swap3A_135] {strides = array<i32>} : memref<64xi32, #tpu.memory_space<vmem>>, vector<16xi32>,
    %swap3A_137 = vector.shape_cast %swap3A_136 : vector<16xi32> to vector<16xi32>
    %swap3A_138 = vector.shape_cast %add3A_134 : vector<16xi32> to vector<16xi32>
    tpu.vector_store %arg14[%swap3A_135], %swap3A_138 {strides = array<i32>} : memref<64xi32, #tpu.memory_space<vmem>>, vector<16xi32>,
    %add3A_139 = arith.addi %get3A_133, %get3A_133 : vector<16xi32>
    %add3A_140 = arith.constant 1 : i32
    %add3A_141 = vector.broadcast %add3A_140 : i32 to vector<16xi32>
    %add3A_142 = arith.addi %add3A_139, %add3A_141 : vector<16xi32>
    %swap3A_143 = arith.constant 48 : index
    %swap3A_144 = tpu.vector_load %arg15[%swap3A_143] {strides = array<i32>} : memref<64xi32, #tpu.memory_space<vmem>>, vector<16xi32>,
    %swap3A_145 = vector.shape_cast %swap3A_144 : vector<16xi32> to vector<16xi32>
    %swap3A_146 = vector.shape_cast %add3A_142 : vector<16xi32> to vector<16xi32>
    tpu.vector_store %arg15[%swap3A_143], %swap3A_146 {strides = array<i32>} : memref<64xi32, #tpu.memory_space<vmem>>, vector<16xi32>,
    %dma_start3A_147 = arith.constant 0 : i32
    %dma_start3A_148 = arith.constant 0 : i32
    %dma_start3A_149 = tpu.memref_slice %arg2[%dma_start3A_147, %dma_start3A_148] : memref<12288x128xf32, #tpu.memory_space<hbm>> -> memref<12288x128xf32, #tpu.memory_space<hbm>>
    tpu.enqueue_indirect_dma source(%dma_start3A_149 : memref<12288x128xf32, #tpu.memory_space<hbm>>) target(%arg16 : memref<64x128xf32, #tpu.memory_space<vmem>>) offsets(%arg12 : memref<64xi32, #tpu.memory_space<vmem>>) semaphore(%arg20 : memref<!tpu.dma_semaphore, #tpu.memory_space<semaphore_mem>>)
    %dma_start3A_150 = arith.constant 0 : i32
    %dma_start3A_151 = arith.constant 0 : i32
    %dma_start3A_152 = tpu.memref_slice %arg2[%dma_start3A_150, %dma_start3A_151] : memref<12288x128xf32, #tpu.memory_space<hbm>> -> memref<12288x128xf32, #tpu.memory_space<hbm>>
    tpu.enqueue_indirect_dma source(%dma_start3A_152 : memref<12288x128xf32, #tpu.memory_space<hbm>>) target(%arg17 : memref<64x128xf32, #tpu.memory_space<vmem>>) offsets(%arg13 : memref<64xi32, #tpu.memory_space<vmem>>) semaphore(%arg20 : memref<!tpu.dma_semaphore, #tpu.memory_space<semaphore_mem>>)
    %dma_start3A_153 = arith.constant 0 : i32
    %dma_start3A_154 = arith.constant 0 : i32
    %dma_start3A_155 = tpu.memref_slice %arg3[%dma_start3A_153, %dma_start3A_154] : memref<6144x128xf32, #tpu.memory_space<hbm>> -> memref<6144x128xf32, #tpu.memory_space<hbm>>
    tpu.enqueue_indirect_dma source(%dma_start3A_155 : memref<6144x128xf32, #tpu.memory_space<hbm>>) target(%arg18 : memref<64x128xf32, #tpu.memory_space<vmem>>) offsets(%arg10 : memref<64xi32, #tpu.memory_space<vmem>>) semaphore(%arg20 : memref<!tpu.dma_semaphore, #tpu.memory_space<semaphore_mem>>)
    %dma_wait3A_156 = arith.constant 0 : i32
    %dma_wait3A_157 = arith.constant 0 : i32
    %dma_wait3A_158 = tpu.memref_slice %arg2[%dma_wait3A_156, %dma_wait3A_157] : memref<12288x128xf32, #tpu.memory_space<hbm>> -> memref<12288x128xf32, #tpu.memory_space<hbm>>
    tpu.wait_indirect_dma semaphore(%arg20 : memref<!tpu.dma_semaphore, #tpu.memory_space<semaphore_mem>>) src(%dma_wait3A_158 : memref<12288x128xf32, #tpu.memory_space<hbm>>) dst(%arg16 : memref<64x128xf32, #tpu.memory_space<vmem>>)
    %dma_wait3A_159 = arith.constant 0 : i32
    %dma_wait3A_160 = arith.constant 0 : i32
    %dma_wait3A_161 = tpu.memref_slice %arg2[%dma_wait3A_159, %dma_wait3A_160] : memref<12288x128xf32, #tpu.memory_space<hbm>> -> memref<12288x128xf32, #tpu.memory_space<hbm>>
    tpu.wait_indirect_dma semaphore(%arg20 : memref<!tpu.dma_semaphore, #tpu.memory_space<semaphore_mem>>) src(%dma_wait3A_161 : memref<12288x128xf32, #tpu.memory_space<hbm>>) dst(%arg17 : memref<64x128xf32, #tpu.memory_space<vmem>>)
    %dma_wait3A_162 = arith.constant 0 : i32
    %dma_wait3A_163 = arith.constant 0 : i32
    %dma_wait3A_164 = tpu.memref_slice %arg3[%dma_wait3A_162, %dma_wait3A_163] : memref<6144x128xf32, #tpu.memory_space<hbm>> -> memref<6144x128xf32, #tpu.memory_space<hbm>>
    tpu.wait_indirect_dma semaphore(%arg20 : memref<!tpu.dma_semaphore, #tpu.memory_space<semaphore_mem>>) src(%dma_wait3A_164 : memref<6144x128xf32, #tpu.memory_space<hbm>>) dst(%arg18 : memref<64x128xf32, #tpu.memory_space<vmem>>)
    %dma_start3A_165 = arith.constant 0 : i32
    %dma_start3A_166 = arith.constant 0 : i32
    %dma_start3A_167 = tpu.memref_slice %arg2[%dma_start3A_165, %dma_start3A_166] : memref<12288x128xf32, #tpu.memory_space<hbm>> -> memref<12288x128xf32, #tpu.memory_space<hbm>>
    tpu.enqueue_indirect_dma source(%dma_start3A_167 : memref<12288x128xf32, #tpu.memory_space<hbm>>) target(%arg16 : memref<64x128xf32, #tpu.memory_space<vmem>>) offsets(%arg14 : memref<64xi32, #tpu.memory_space<vmem>>) semaphore(%arg20 : memref<!tpu.dma_semaphore, #tpu.memory_space<semaphore_mem>>) {add = true}
    %dma_start3A_168 = arith.constant 0 : i32
    %dma_start3A_169 = arith.constant 0 : i32
    %dma_start3A_170 = tpu.memref_slice %arg2[%dma_start3A_168, %dma_start3A_169] : memref<12288x128xf32, #tpu.memory_space<hbm>> -> memref<12288x128xf32, #tpu.memory_space<hbm>>
    tpu.enqueue_indirect_dma source(%dma_start3A_170 : memref<12288x128xf32, #tpu.memory_space<hbm>>) target(%arg17 : memref<64x128xf32, #tpu.memory_space<vmem>>) offsets(%arg15 : memref<64xi32, #tpu.memory_space<vmem>>) semaphore(%arg20 : memref<!tpu.dma_semaphore, #tpu.memory_space<semaphore_mem>>) {add = true}
    %dma_start3A_171 = arith.constant 0 : i32
    %dma_start3A_172 = arith.constant 0 : i32
    %dma_start3A_173 = tpu.memref_slice %arg3[%dma_start3A_171, %dma_start3A_172] : memref<6144x128xf32, #tpu.memory_space<hbm>> -> memref<6144x128xf32, #tpu.memory_space<hbm>>
    tpu.enqueue_indirect_dma source(%dma_start3A_173 : memref<6144x128xf32, #tpu.memory_space<hbm>>) target(%arg18 : memref<64x128xf32, #tpu.memory_space<vmem>>) offsets(%arg11 : memref<64xi32, #tpu.memory_space<vmem>>) semaphore(%arg20 : memref<!tpu.dma_semaphore, #tpu.memory_space<semaphore_mem>>) {add = true}
    %dma_wait3A_174 = arith.constant 0 : i32
    %dma_wait3A_175 = arith.constant 0 : i32
    %dma_wait3A_176 = tpu.memref_slice %arg2[%dma_wait3A_174, %dma_wait3A_175] : memref<12288x128xf32, #tpu.memory_space<hbm>> -> memref<12288x128xf32, #tpu.memory_space<hbm>>
    tpu.wait_indirect_dma semaphore(%arg20 : memref<!tpu.dma_semaphore, #tpu.memory_space<semaphore_mem>>) src(%dma_wait3A_176 : memref<12288x128xf32, #tpu.memory_space<hbm>>) dst(%arg16 : memref<64x128xf32, #tpu.memory_space<vmem>>)
    %dma_wait3A_177 = arith.constant 0 : i32
    %dma_wait3A_178 = arith.constant 0 : i32
    %dma_wait3A_179 = tpu.memref_slice %arg2[%dma_wait3A_177, %dma_wait3A_178] : memref<12288x128xf32, #tpu.memory_space<hbm>> -> memref<12288x128xf32, #tpu.memory_space<hbm>>
    tpu.wait_indirect_dma semaphore(%arg20 : memref<!tpu.dma_semaphore, #tpu.memory_space<semaphore_mem>>) src(%dma_wait3A_179 : memref<12288x128xf32, #tpu.memory_space<hbm>>) dst(%arg17 : memref<64x128xf32, #tpu.memory_space<vmem>>)
    %dma_wait3A_180 = arith.constant 0 : i32
    %dma_wait3A_181 = arith.constant 0 : i32
    %dma_wait3A_182 = tpu.memref_slice %arg3[%dma_wait3A_180, %dma_wait3A_181] : memref<6144x128xf32, #tpu.memory_space<hbm>> -> memref<6144x128xf32, #tpu.memory_space<hbm>>
    tpu.wait_indirect_dma semaphore(%arg20 : memref<!tpu.dma_semaphore, #tpu.memory_space<semaphore_mem>>) src(%dma_wait3A_182 : memref<6144x128xf32, #tpu.memory_space<hbm>>) dst(%arg18 : memref<64x128xf32, #tpu.memory_space<vmem>>)
    %dma_start3A_183 = arith.constant 0 : i32
    %dma_start3A_184 = arith.constant 0 : i32
    %dma_start3A_185 = tpu.memref_slice %arg6[%mul3A_2, %dma_start3A_183, %dma_start3A_184] : memref<2048x2x128xf32, #tpu.memory_space<hbm>> -> memref<64x1x128xf32, #tpu.memory_space<hbm>>
    %dma_start3A_186 = tpu.memref_squeeze %dma_start3A_185 : memref<64x1x128xf32, #tpu.memory_space<hbm>> -> memref<64x128xf32, #tpu.memory_space<hbm>>
    %dma_start3A_187 = arith.constant 0 : i32
    %dma_start3A_188 = tpu.memref_slice %arg6[%mul3A_2, %dma_start3A_183, %dma_start3A_187] : memref<2048x2x128xf32, #tpu.memory_space<hbm>> -> memref<64x1x128xf32, #tpu.memory_space<hbm>>
    %dma_start3A_189 = tpu.memref_squeeze %dma_start3A_188 : memref<64x1x128xf32, #tpu.memory_space<hbm>> -> memref<64x128xf32, #tpu.memory_space<hbm>>
    tpu.enqueue_dma source(%arg16 : memref<64x128xf32, #tpu.memory_space<vmem>>) target(%dma_start3A_189 : memref<64x128xf32, #tpu.memory_space<hbm>>) target_semaphore(%arg21 : memref<!tpu.dma_semaphore, #tpu.memory_space<semaphore_mem>>)
    %dma_start3A_190 = arith.constant 1 : i32
    %dma_start3A_191 = arith.constant 0 : i32
    %dma_start3A_192 = tpu.memref_slice %arg6[%mul3A_2, %dma_start3A_190, %dma_start3A_191] : memref<2048x2x128xf32, #tpu.memory_space<hbm>> -> memref<64x1x128xf32, #tpu.memory_space<hbm>>
    %dma_start3A_193 = tpu.memref_squeeze %dma_start3A_192 : memref<64x1x128xf32, #tpu.memory_space<hbm>> -> memref<64x128xf32, #tpu.memory_space<hbm>>
    %dma_start3A_194 = arith.constant 0 : i32
    %dma_start3A_195 = tpu.memref_slice %arg6[%mul3A_2, %dma_start3A_190, %dma_start3A_194] : memref<2048x2x128xf32, #tpu.memory_space<hbm>> -> memref<64x1x128xf32, #tpu.memory_space<hbm>>
    %dma_start3A_196 = tpu.memref_squeeze %dma_start3A_195 : memref<64x1x128xf32, #tpu.memory_space<hbm>> -> memref<64x128xf32, #tpu.memory_space<hbm>>
    tpu.enqueue_dma source(%arg17 : memref<64x128xf32, #tpu.memory_space<vmem>>) target(%dma_start3A_196 : memref<64x128xf32, #tpu.memory_space<hbm>>) target_semaphore(%arg21 : memref<!tpu.dma_semaphore, #tpu.memory_space<semaphore_mem>>)
    %dma_start3A_197 = arith.constant 0 : i32
    %dma_start3A_198 = tpu.memref_slice %arg7[%mul3A_2, %dma_start3A_197] : memref<2048x128xf32, #tpu.memory_space<hbm>> -> memref<64x128xf32, #tpu.memory_space<hbm>>
    %dma_start3A_199 = arith.constant 0 : i32
    %dma_start3A_200 = tpu.memref_slice %arg7[%mul3A_2, %dma_start3A_199] : memref<2048x128xf32, #tpu.memory_space<hbm>> -> memref<64x128xf32, #tpu.memory_space<hbm>>
    tpu.enqueue_dma source(%arg18 : memref<64x128xf32, #tpu.memory_space<vmem>>) target(%dma_start3A_200 : memref<64x128xf32, #tpu.memory_space<hbm>>) target_semaphore(%arg21 : memref<!tpu.dma_semaphore, #tpu.memory_space<semaphore_mem>>)
    %dma_wait3A_201 = arith.constant 0 : i32
    %dma_wait3A_202 = arith.constant 0 : i32
    %dma_wait3A_203 = tpu.memref_slice %arg6[%mul3A_2, %dma_wait3A_201, %dma_wait3A_202] : memref<2048x2x128xf32, #tpu.memory_space<hbm>> -> memref<64x1x128xf32, #tpu.memory_space<hbm>>
    %dma_wait3A_204 = tpu.memref_squeeze %dma_wait3A_203 : memref<64x1x128xf32, #tpu.memory_space<hbm>> -> memref<64x128xf32, #tpu.memory_space<hbm>>
    %dma_wait3A_205 = arith.constant 0 : i32
    %dma_wait3A_206 = tpu.memref_slice %arg6[%mul3A_2, %dma_wait3A_201, %dma_wait3A_205] : memref<2048x2x128xf32, #tpu.memory_space<hbm>> -> memref<64x1x128xf32, #tpu.memory_space<hbm>>
    %dma_wait3A_207 = tpu.memref_squeeze %dma_wait3A_206 : memref<64x1x128xf32, #tpu.memory_space<hbm>> -> memref<64x128xf32, #tpu.memory_space<hbm>>
    tpu.wait_dma2 semaphore(%arg21 : memref<!tpu.dma_semaphore, #tpu.memory_space<semaphore_mem>>) src(%arg16 : memref<64x128xf32, #tpu.memory_space<vmem>>) dst(%dma_wait3A_207 : memref<64x128xf32, #tpu.memory_space<hbm>>)
    %dma_wait3A_208 = arith.constant 1 : i32
    %dma_wait3A_209 = arith.constant 0 : i32
    %dma_wait3A_210 = tpu.memref_slice %arg6[%mul3A_2, %dma_wait3A_208, %dma_wait3A_209] : memref<2048x2x128xf32, #tpu.memory_space<hbm>> -> memref<64x1x128xf32, #tpu.memory_space<hbm>>
    %dma_wait3A_211 = tpu.memref_squeeze %dma_wait3A_210 : memref<64x1x128xf32, #tpu.memory_space<hbm>> -> memref<64x128xf32, #tpu.memory_space<hbm>>
    %dma_wait3A_212 = arith.constant 0 : i32
    %dma_wait3A_213 = tpu.memref_slice %arg6[%mul3A_2, %dma_wait3A_208, %dma_wait3A_212] : memref<2048x2x128xf32, #tpu.memory_space<hbm>> -> memref<64x1x128xf32, #tpu.memory_space<hbm>>
    %dma_wait3A_214 = tpu.memref_squeeze %dma_wait3A_213 : memref<64x1x128xf32, #tpu.memory_space<hbm>> -> memref<64x128xf32, #tpu.memory_space<hbm>>
    tpu.wait_dma2 semaphore(%arg21 : memref<!tpu.dma_semaphore, #tpu.memory_space<semaphore_mem>>) src(%arg17 : memref<64x128xf32, #tpu.memory_space<vmem>>) dst(%dma_wait3A_214 : memref<64x128xf32, #tpu.memory_space<hbm>>)
    %dma_wait3A_215 = arith.constant 0 : i32
    %dma_wait3A_216 = tpu.memref_slice %arg7[%mul3A_2, %dma_wait3A_215] : memref<2048x128xf32, #tpu.memory_space<hbm>> -> memref<64x128xf32, #tpu.memory_space<hbm>>
    %dma_wait3A_217 = arith.constant 0 : i32
    %dma_wait3A_218 = tpu.memref_slice %arg7[%mul3A_2, %dma_wait3A_217] : memref<2048x128xf32, #tpu.memory_space<hbm>> -> memref<64x128xf32, #tpu.memory_space<hbm>>
    tpu.wait_dma2 semaphore(%arg21 : memref<!tpu.dma_semaphore, #tpu.memory_space<semaphore_mem>>) src(%arg18 : memref<64x128xf32, #tpu.memory_space<vmem>>) dst(%dma_wait3A_218 : memref<64x128xf32, #tpu.memory_space<hbm>>)
    return
  }
}

#map = affine_map<(d0, d1) -> (0, 0)>
#map1 = affine_map<(d0, d1) -> (0)>
module attributes {stable_mosaic.version = 14 : i64} {
  func.func @_dispatch_body(%arg0: i32, %arg1: i32, %arg2: memref<2048x1024xf32, #tpu.memory_space<hbm>>, %arg3: memref<4096xi32, #tpu.memory_space<hbm>>, %arg4: memref<4096xf32, #tpu.memory_space<hbm>>, %arg5: memref<4096xi32, #tpu.memory_space<hbm>>, %arg6: memref<4096xf32, #tpu.memory_space<hbm>>, %arg7: memref<6144x1024xf32, #tpu.memory_space<hbm>>, %arg8: memref<6144xf32, #tpu.memory_space<hbm>>, %arg9: memref<6144x1024xf32, #tpu.memory_space<hbm>>, %arg10: memref<6144xf32, #tpu.memory_space<hbm>>, %arg11: memref<6144xi32, #tpu.memory_space<vmem>>, %arg12: memref<6144xf32, #tpu.memory_space<vmem>>, %arg13: memref<4096xi32, #tpu.memory_space<vmem>>, %arg14: memref<4096xf32, #tpu.memory_space<vmem>>, %arg15: memref<24x1024xf32, #tpu.memory_space<vmem>>, %arg16: memref<24x1024xf32, #tpu.memory_space<vmem>>, %arg17: memref<24x1024xf32, #tpu.memory_space<vmem>>, %arg18: memref<24x1024xf32, #tpu.memory_space<vmem>>, %arg19: memref<!tpu.dma_semaphore, #tpu.memory_space<semaphore_mem>>, %arg20: memref<!tpu.dma_semaphore, #tpu.memory_space<semaphore_mem>>, %arg21: memref<!tpu.dma_semaphore, #tpu.memory_space<semaphore_mem>>, %arg22: memref<!tpu.dma_semaphore, #tpu.memory_space<semaphore_mem>>, %arg23: memref<!tpu.dma_semaphore, #tpu.memory_space<semaphore_mem>>, %arg24: memref<!tpu.dma_semaphore, #tpu.memory_space<semaphore_mem>>, %arg25: memref<!tpu.dma_semaphore, #tpu.memory_space<semaphore_mem>>, %arg26: memref<!tpu.dma_semaphore, #tpu.memory_space<semaphore_mem>>, %arg27: memref<!tpu.dma_semaphore, #tpu.memory_space<semaphore_mem>>, %arg28: memref<!tpu.dma_semaphore, #tpu.memory_space<semaphore_mem>>) attributes {dimension_semantics = [#tpu.dimension_semantics<core_parallel>, #tpu.dimension_semantics<subcore_parallel>], iteration_bounds = array<i64: 2, 16>, scalar_prefetch = 0 : i64, scratch_operands = 18 : i64, tpu.core_type = #tpu.core_type<sc_vector_subcore>, window_params = [{transform_indices = #map}, {transform_indices = #map1}, {transform_indices = #map1}, {transform_indices = #map1}, {transform_indices = #map1}, {transform_indices = #map}, {transform_indices = #map1}, {transform_indices = #map}, {transform_indices = #map1}]} {
    %mul3A = arith.constant 3072 : i32
    %mul3A_0 = arith.muli %arg0, %mul3A : i32
    %mul3A_1 = arith.constant 192 : i32
    %mul3A_2 = arith.muli %arg1, %mul3A_1 : i32
    %add3A = arith.addi %mul3A_0, %mul3A_2 : i32
    %iota3A = tpu.iota {dimensions = array<i32: 0>} : vector<16xi32>
    tpu.enqueue_dma source(%arg3 : memref<4096xi32, #tpu.memory_space<hbm>>) target(%arg13 : memref<4096xi32, #tpu.memory_space<vmem>>) target_semaphore(%arg19 : memref<!tpu.dma_semaphore, #tpu.memory_space<semaphore_mem>>)
    tpu.enqueue_dma source(%arg4 : memref<4096xf32, #tpu.memory_space<hbm>>) target(%arg14 : memref<4096xf32, #tpu.memory_space<vmem>>) target_semaphore(%arg19 : memref<!tpu.dma_semaphore, #tpu.memory_space<semaphore_mem>>)
    %scan3A = arith.constant 0 : i32
    %scan3A_3 = arith.constant 0 : i32
    %scan3A_4 = arith.constant 384 : i32
    %scan3A_5 = arith.addi %scan3A_3, %scan3A_4 : i32
    %scan3A_6 = arith.constant 1 : i32
    %scan3A_7 = scf.for %scan3A_357 = %scan3A_3 to %scan3A_5 step %scan3A_6 iter_args(%scan3A_358 = %scan3A) -> (i32)  : i32 {
      %broadcast_in_dim3A = arith.constant 0 : i32
      %broadcast_in_dim3A_359 = vector.broadcast %broadcast_in_dim3A : i32 to vector<16xi32>
      %mul3A_360 = arith.constant 16 : i32
      %mul3A_361 = arith.muli %scan3A_357, %mul3A_360 : i32
      %swap3A = arith.index_cast %mul3A_361 : i32 to index
      %swap3A_362 = tpu.vector_load %arg11[%swap3A] {strides = array<i32>} : memref<6144xi32, #tpu.memory_space<vmem>>, vector<16xi32>,
      tpu.vector_store %arg11[%swap3A], %broadcast_in_dim3A_359 {strides = array<i32>} : memref<6144xi32, #tpu.memory_space<vmem>>, vector<16xi32>,
      %scan3A_363 = arith.constant 0 : i32
      scf.yield %scan3A_363 : i32
    }
    %scan3A_8 = arith.constant 384 : i32
    tpu.wait_dma2 semaphore(%arg19 : memref<!tpu.dma_semaphore, #tpu.memory_space<semaphore_mem>>) src(%arg3 : memref<4096xi32, #tpu.memory_space<hbm>>) dst(%arg13 : memref<4096xi32, #tpu.memory_space<vmem>>)
    tpu.wait_dma2 semaphore(%arg19 : memref<!tpu.dma_semaphore, #tpu.memory_space<semaphore_mem>>) src(%arg4 : memref<4096xf32, #tpu.memory_space<hbm>>) dst(%arg14 : memref<4096xf32, #tpu.memory_space<vmem>>)
    %scan3A_9 = arith.constant 0 : i32
    %scan3A_10 = arith.constant 0 : i32
    %scan3A_11 = arith.constant 256 : i32
    %scan3A_12 = arith.addi %scan3A_10, %scan3A_11 : i32
    %scan3A_13 = arith.constant 1 : i32
    %scan3A_14 = scf.for %scan3A_357 = %scan3A_10 to %scan3A_12 step %scan3A_13 iter_args(%scan3A_358 = %scan3A_9) -> (i32)  : i32 {
      %mul3A_359 = arith.constant 16 : i32
      %mul3A_360 = arith.muli %scan3A_357, %mul3A_359 : i32
      %get3A = arith.index_cast %mul3A_360 : i32 to index
      %get3A_361 = tpu.vector_load %arg13[%get3A] {strides = array<i32>} : memref<4096xi32, #tpu.memory_space<vmem>>, vector<16xi32>,
      %mul3A_362 = arith.constant 16 : i32
      %mul3A_363 = arith.muli %scan3A_357, %mul3A_362 : i32
      %get3A_364 = arith.index_cast %mul3A_363 : i32 to index
      %get3A_365 = tpu.vector_load %arg14[%get3A_364] {strides = array<i32>} : memref<4096xf32, #tpu.memory_space<vmem>>, vector<16xf32>,
      %mul3A_366 = arith.constant 16 : i32
      %mul3A_367 = arith.muli %scan3A_357, %mul3A_366 : i32
      %add3A_368 = vector.broadcast %mul3A_367 : i32 to vector<16xi32>
      %add3A_369 = arith.addi %add3A_368, %iota3A : vector<16xi32>
      %and3A = arith.constant 2047 : i32
      %and3A_370 = vector.broadcast %and3A : i32 to vector<16xi32>
      %and3A_371 = arith.andi %add3A_369, %and3A_370 : vector<16xi32>
      tpu.vector_store_idx %arg11[%get3A_361], %and3A_371 : memref<6144xi32, #tpu.memory_space<vmem>>[vector<16xi32>], vector<16xi32>,
      tpu.vector_store_idx %arg12[%get3A_361], %get3A_365 : memref<6144xf32, #tpu.memory_space<vmem>>[vector<16xi32>], vector<16xf32>,
      %scan3A_372 = arith.constant 0 : i32
      scf.yield %scan3A_372 : i32
    }
    %scan3A_15 = arith.constant 256 : i32
    tpu.enqueue_dma source(%arg5 : memref<4096xi32, #tpu.memory_space<hbm>>) target(%arg13 : memref<4096xi32, #tpu.memory_space<vmem>>) target_semaphore(%arg19 : memref<!tpu.dma_semaphore, #tpu.memory_space<semaphore_mem>>)
    tpu.enqueue_dma source(%arg6 : memref<4096xf32, #tpu.memory_space<hbm>>) target(%arg14 : memref<4096xf32, #tpu.memory_space<vmem>>) target_semaphore(%arg19 : memref<!tpu.dma_semaphore, #tpu.memory_space<semaphore_mem>>)
    %dma_start3A = tpu.memref_slice %arg12[%add3A] : memref<6144xf32, #tpu.memory_space<vmem>> -> memref<192xf32, #tpu.memory_space<vmem>>
    %dma_start3A_16 = tpu.memref_slice %arg8[%add3A] : memref<6144xf32, #tpu.memory_space<hbm>> -> memref<192xf32, #tpu.memory_space<hbm>>
    %dma_start3A_17 = tpu.memref_slice %arg8[%add3A] : memref<6144xf32, #tpu.memory_space<hbm>> -> memref<192xf32, #tpu.memory_space<hbm>>
    %dma_start3A_18 = tpu.memref_slice %arg12[%add3A] : memref<6144xf32, #tpu.memory_space<vmem>> -> memref<192xf32, #tpu.memory_space<vmem>>
    tpu.enqueue_dma source(%dma_start3A_18 : memref<192xf32, #tpu.memory_space<vmem>>) target(%dma_start3A_17 : memref<192xf32, #tpu.memory_space<hbm>>) target_semaphore(%arg28 : memref<!tpu.dma_semaphore, #tpu.memory_space<semaphore_mem>>)
    %add3A_19 = arith.constant 0 : i32
    %add3A_20 = arith.addi %add3A, %add3A_19 : i32
    %dma_start3A_21 = tpu.memref_slice %arg11[%add3A_20] : memref<6144xi32, #tpu.memory_space<vmem>> -> memref<24xi32, #tpu.memory_space<vmem>>
    %dma_start3A_22 = arith.constant 0 : i32
    %dma_start3A_23 = arith.constant 0 : i32
    %dma_start3A_24 = tpu.memref_slice %arg2[%dma_start3A_22, %dma_start3A_23] : memref<2048x1024xf32, #tpu.memory_space<hbm>> -> memref<2048x1024xf32, #tpu.memory_space<hbm>>
    tpu.enqueue_indirect_dma source(%dma_start3A_24 : memref<2048x1024xf32, #tpu.memory_space<hbm>>) target(%arg15 : memref<24x1024xf32, #tpu.memory_space<vmem>>) offsets(%dma_start3A_21 : memref<24xi32, #tpu.memory_space<vmem>>) semaphore(%arg20 : memref<!tpu.dma_semaphore, #tpu.memory_space<semaphore_mem>>)
    %add3A_25 = arith.constant 24 : i32
    %add3A_26 = arith.addi %add3A, %add3A_25 : i32
    %dma_start3A_27 = tpu.memref_slice %arg11[%add3A_26] : memref<6144xi32, #tpu.memory_space<vmem>> -> memref<24xi32, #tpu.memory_space<vmem>>
    %dma_start3A_28 = arith.constant 0 : i32
    %dma_start3A_29 = arith.constant 0 : i32
    %dma_start3A_30 = tpu.memref_slice %arg2[%dma_start3A_28, %dma_start3A_29] : memref<2048x1024xf32, #tpu.memory_space<hbm>> -> memref<2048x1024xf32, #tpu.memory_space<hbm>>
    tpu.enqueue_indirect_dma source(%dma_start3A_30 : memref<2048x1024xf32, #tpu.memory_space<hbm>>) target(%arg16 : memref<24x1024xf32, #tpu.memory_space<vmem>>) offsets(%dma_start3A_27 : memref<24xi32, #tpu.memory_space<vmem>>) semaphore(%arg21 : memref<!tpu.dma_semaphore, #tpu.memory_space<semaphore_mem>>)
    %add3A_31 = arith.constant 48 : i32
    %add3A_32 = arith.addi %add3A, %add3A_31 : i32
    %dma_start3A_33 = tpu.memref_slice %arg11[%add3A_32] : memref<6144xi32, #tpu.memory_space<vmem>> -> memref<24xi32, #tpu.memory_space<vmem>>
    %dma_start3A_34 = arith.constant 0 : i32
    %dma_start3A_35 = arith.constant 0 : i32
    %dma_start3A_36 = tpu.memref_slice %arg2[%dma_start3A_34, %dma_start3A_35] : memref<2048x1024xf32, #tpu.memory_space<hbm>> -> memref<2048x1024xf32, #tpu.memory_space<hbm>>
    tpu.enqueue_indirect_dma source(%dma_start3A_36 : memref<2048x1024xf32, #tpu.memory_space<hbm>>) target(%arg17 : memref<24x1024xf32, #tpu.memory_space<vmem>>) offsets(%dma_start3A_33 : memref<24xi32, #tpu.memory_space<vmem>>) semaphore(%arg22 : memref<!tpu.dma_semaphore, #tpu.memory_space<semaphore_mem>>)
    %add3A_37 = arith.constant 72 : i32
    %add3A_38 = arith.addi %add3A, %add3A_37 : i32
    %dma_start3A_39 = tpu.memref_slice %arg11[%add3A_38] : memref<6144xi32, #tpu.memory_space<vmem>> -> memref<24xi32, #tpu.memory_space<vmem>>
    %dma_start3A_40 = arith.constant 0 : i32
    %dma_start3A_41 = arith.constant 0 : i32
    %dma_start3A_42 = tpu.memref_slice %arg2[%dma_start3A_40, %dma_start3A_41] : memref<2048x1024xf32, #tpu.memory_space<hbm>> -> memref<2048x1024xf32, #tpu.memory_space<hbm>>
    tpu.enqueue_indirect_dma source(%dma_start3A_42 : memref<2048x1024xf32, #tpu.memory_space<hbm>>) target(%arg18 : memref<24x1024xf32, #tpu.memory_space<vmem>>) offsets(%dma_start3A_39 : memref<24xi32, #tpu.memory_space<vmem>>) semaphore(%arg23 : memref<!tpu.dma_semaphore, #tpu.memory_space<semaphore_mem>>)
    %dma_wait3A = tpu.memref_slice %arg11[%add3A_20] : memref<6144xi32, #tpu.memory_space<vmem>> -> memref<24xi32, #tpu.memory_space<vmem>>
    %dma_wait3A_43 = arith.constant 0 : i32
    %dma_wait3A_44 = arith.constant 0 : i32
    %dma_wait3A_45 = tpu.memref_slice %arg2[%dma_wait3A_43, %dma_wait3A_44] : memref<2048x1024xf32, #tpu.memory_space<hbm>> -> memref<2048x1024xf32, #tpu.memory_space<hbm>>
    tpu.wait_indirect_dma semaphore(%arg20 : memref<!tpu.dma_semaphore, #tpu.memory_space<semaphore_mem>>) src(%dma_wait3A_45 : memref<2048x1024xf32, #tpu.memory_space<hbm>>) dst(%arg15 : memref<24x1024xf32, #tpu.memory_space<vmem>>)
    %add3A_46 = arith.constant 0 : i32
    %add3A_47 = arith.addi %add3A, %add3A_46 : i32
    %dma_start3A_48 = arith.constant 0 : i32
    %dma_start3A_49 = tpu.memref_slice %arg7[%add3A_47, %dma_start3A_48] : memref<6144x1024xf32, #tpu.memory_space<hbm>> -> memref<24x1024xf32, #tpu.memory_space<hbm>>
    %dma_start3A_50 = arith.constant 0 : i32
    %dma_start3A_51 = tpu.memref_slice %arg7[%add3A_47, %dma_start3A_50] : memref<6144x1024xf32, #tpu.memory_space<hbm>> -> memref<24x1024xf32, #tpu.memory_space<hbm>>
    tpu.enqueue_dma source(%arg15 : memref<24x1024xf32, #tpu.memory_space<vmem>>) target(%dma_start3A_51 : memref<24x1024xf32, #tpu.memory_space<hbm>>) target_semaphore(%arg24 : memref<!tpu.dma_semaphore, #tpu.memory_space<semaphore_mem>>)
    %dma_wait3A_52 = arith.constant 0 : i32
    %dma_wait3A_53 = tpu.memref_slice %arg7[%add3A_47, %dma_wait3A_52] : memref<6144x1024xf32, #tpu.memory_space<hbm>> -> memref<24x1024xf32, #tpu.memory_space<hbm>>
    %dma_wait3A_54 = arith.constant 0 : i32
    %dma_wait3A_55 = tpu.memref_slice %arg7[%add3A_47, %dma_wait3A_54] : memref<6144x1024xf32, #tpu.memory_space<hbm>> -> memref<24x1024xf32, #tpu.memory_space<hbm>>
    tpu.wait_dma2 semaphore(%arg24 : memref<!tpu.dma_semaphore, #tpu.memory_space<semaphore_mem>>) src(%arg15 : memref<24x1024xf32, #tpu.memory_space<vmem>>) dst(%dma_wait3A_55 : memref<24x1024xf32, #tpu.memory_space<hbm>>)
    %add3A_56 = arith.constant 96 : i32
    %add3A_57 = arith.addi %add3A, %add3A_56 : i32
    %dma_start3A_58 = tpu.memref_slice %arg11[%add3A_57] : memref<6144xi32, #tpu.memory_space<vmem>> -> memref<24xi32, #tpu.memory_space<vmem>>
    %dma_start3A_59 = arith.constant 0 : i32
    %dma_start3A_60 = arith.constant 0 : i32
    %dma_start3A_61 = tpu.memref_slice %arg2[%dma_start3A_59, %dma_start3A_60] : memref<2048x1024xf32, #tpu.memory_space<hbm>> -> memref<2048x1024xf32, #tpu.memory_space<hbm>>
    tpu.enqueue_indirect_dma source(%dma_start3A_61 : memref<2048x1024xf32, #tpu.memory_space<hbm>>) target(%arg15 : memref<24x1024xf32, #tpu.memory_space<vmem>>) offsets(%dma_start3A_58 : memref<24xi32, #tpu.memory_space<vmem>>) semaphore(%arg20 : memref<!tpu.dma_semaphore, #tpu.memory_space<semaphore_mem>>)
    %dma_wait3A_62 = tpu.memref_slice %arg11[%add3A_26] : memref<6144xi32, #tpu.memory_space<vmem>> -> memref<24xi32, #tpu.memory_space<vmem>>
    %dma_wait3A_63 = arith.constant 0 : i32
    %dma_wait3A_64 = arith.constant 0 : i32
    %dma_wait3A_65 = tpu.memref_slice %arg2[%dma_wait3A_63, %dma_wait3A_64] : memref<2048x1024xf32, #tpu.memory_space<hbm>> -> memref<2048x1024xf32, #tpu.memory_space<hbm>>
    tpu.wait_indirect_dma semaphore(%arg21 : memref<!tpu.dma_semaphore, #tpu.memory_space<semaphore_mem>>) src(%dma_wait3A_65 : memref<2048x1024xf32, #tpu.memory_space<hbm>>) dst(%arg16 : memref<24x1024xf32, #tpu.memory_space<vmem>>)
    %add3A_66 = arith.constant 24 : i32
    %add3A_67 = arith.addi %add3A, %add3A_66 : i32
    %dma_start3A_68 = arith.constant 0 : i32
    %dma_start3A_69 = tpu.memref_slice %arg7[%add3A_67, %dma_start3A_68] : memref<6144x1024xf32, #tpu.memory_space<hbm>> -> memref<24x1024xf32, #tpu.memory_space<hbm>>
    %dma_start3A_70 = arith.constant 0 : i32
    %dma_start3A_71 = tpu.memref_slice %arg7[%add3A_67, %dma_start3A_70] : memref<6144x1024xf32, #tpu.memory_space<hbm>> -> memref<24x1024xf32, #tpu.memory_space<hbm>>
    tpu.enqueue_dma source(%arg16 : memref<24x1024xf32, #tpu.memory_space<vmem>>) target(%dma_start3A_71 : memref<24x1024xf32, #tpu.memory_space<hbm>>) target_semaphore(%arg25 : memref<!tpu.dma_semaphore, #tpu.memory_space<semaphore_mem>>)
    %dma_wait3A_72 = arith.constant 0 : i32
    %dma_wait3A_73 = tpu.memref_slice %arg7[%add3A_67, %dma_wait3A_72] : memref<6144x1024xf32, #tpu.memory_space<hbm>> -> memref<24x1024xf32, #tpu.memory_space<hbm>>
    %dma_wait3A_74 = arith.constant 0 : i32
    %dma_wait3A_75 = tpu.memref_slice %arg7[%add3A_67, %dma_wait3A_74] : memref<6144x1024xf32, #tpu.memory_space<hbm>> -> memref<24x1024xf32, #tpu.memory_space<hbm>>
    tpu.wait_dma2 semaphore(%arg25 : memref<!tpu.dma_semaphore, #tpu.memory_space<semaphore_mem>>) src(%arg16 : memref<24x1024xf32, #tpu.memory_space<vmem>>) dst(%dma_wait3A_75 : memref<24x1024xf32, #tpu.memory_space<hbm>>)
    %add3A_76 = arith.constant 120 : i32
    %add3A_77 = arith.addi %add3A, %add3A_76 : i32
    %dma_start3A_78 = tpu.memref_slice %arg11[%add3A_77] : memref<6144xi32, #tpu.memory_space<vmem>> -> memref<24xi32, #tpu.memory_space<vmem>>
    %dma_start3A_79 = arith.constant 0 : i32
    %dma_start3A_80 = arith.constant 0 : i32
    %dma_start3A_81 = tpu.memref_slice %arg2[%dma_start3A_79, %dma_start3A_80] : memref<2048x1024xf32, #tpu.memory_space<hbm>> -> memref<2048x1024xf32, #tpu.memory_space<hbm>>
    tpu.enqueue_indirect_dma source(%dma_start3A_81 : memref<2048x1024xf32, #tpu.memory_space<hbm>>) target(%arg16 : memref<24x1024xf32, #tpu.memory_space<vmem>>) offsets(%dma_start3A_78 : memref<24xi32, #tpu.memory_space<vmem>>) semaphore(%arg21 : memref<!tpu.dma_semaphore, #tpu.memory_space<semaphore_mem>>)
    %dma_wait3A_82 = tpu.memref_slice %arg11[%add3A_32] : memref<6144xi32, #tpu.memory_space<vmem>> -> memref<24xi32, #tpu.memory_space<vmem>>
    %dma_wait3A_83 = arith.constant 0 : i32
    %dma_wait3A_84 = arith.constant 0 : i32
    %dma_wait3A_85 = tpu.memref_slice %arg2[%dma_wait3A_83, %dma_wait3A_84] : memref<2048x1024xf32, #tpu.memory_space<hbm>> -> memref<2048x1024xf32, #tpu.memory_space<hbm>>
    tpu.wait_indirect_dma semaphore(%arg22 : memref<!tpu.dma_semaphore, #tpu.memory_space<semaphore_mem>>) src(%dma_wait3A_85 : memref<2048x1024xf32, #tpu.memory_space<hbm>>) dst(%arg17 : memref<24x1024xf32, #tpu.memory_space<vmem>>)
    %add3A_86 = arith.constant 48 : i32
    %add3A_87 = arith.addi %add3A, %add3A_86 : i32
    %dma_start3A_88 = arith.constant 0 : i32
    %dma_start3A_89 = tpu.memref_slice %arg7[%add3A_87, %dma_start3A_88] : memref<6144x1024xf32, #tpu.memory_space<hbm>> -> memref<24x1024xf32, #tpu.memory_space<hbm>>
    %dma_start3A_90 = arith.constant 0 : i32
    %dma_start3A_91 = tpu.memref_slice %arg7[%add3A_87, %dma_start3A_90] : memref<6144x1024xf32, #tpu.memory_space<hbm>> -> memref<24x1024xf32, #tpu.memory_space<hbm>>
    tpu.enqueue_dma source(%arg17 : memref<24x1024xf32, #tpu.memory_space<vmem>>) target(%dma_start3A_91 : memref<24x1024xf32, #tpu.memory_space<hbm>>) target_semaphore(%arg26 : memref<!tpu.dma_semaphore, #tpu.memory_space<semaphore_mem>>)
    %dma_wait3A_92 = arith.constant 0 : i32
    %dma_wait3A_93 = tpu.memref_slice %arg7[%add3A_87, %dma_wait3A_92] : memref<6144x1024xf32, #tpu.memory_space<hbm>> -> memref<24x1024xf32, #tpu.memory_space<hbm>>
    %dma_wait3A_94 = arith.constant 0 : i32
    %dma_wait3A_95 = tpu.memref_slice %arg7[%add3A_87, %dma_wait3A_94] : memref<6144x1024xf32, #tpu.memory_space<hbm>> -> memref<24x1024xf32, #tpu.memory_space<hbm>>
    tpu.wait_dma2 semaphore(%arg26 : memref<!tpu.dma_semaphore, #tpu.memory_space<semaphore_mem>>) src(%arg17 : memref<24x1024xf32, #tpu.memory_space<vmem>>) dst(%dma_wait3A_95 : memref<24x1024xf32, #tpu.memory_space<hbm>>)
    %add3A_96 = arith.constant 144 : i32
    %add3A_97 = arith.addi %add3A, %add3A_96 : i32
    %dma_start3A_98 = tpu.memref_slice %arg11[%add3A_97] : memref<6144xi32, #tpu.memory_space<vmem>> -> memref<24xi32, #tpu.memory_space<vmem>>
    %dma_start3A_99 = arith.constant 0 : i32
    %dma_start3A_100 = arith.constant 0 : i32
    %dma_start3A_101 = tpu.memref_slice %arg2[%dma_start3A_99, %dma_start3A_100] : memref<2048x1024xf32, #tpu.memory_space<hbm>> -> memref<2048x1024xf32, #tpu.memory_space<hbm>>
    tpu.enqueue_indirect_dma source(%dma_start3A_101 : memref<2048x1024xf32, #tpu.memory_space<hbm>>) target(%arg17 : memref<24x1024xf32, #tpu.memory_space<vmem>>) offsets(%dma_start3A_98 : memref<24xi32, #tpu.memory_space<vmem>>) semaphore(%arg22 : memref<!tpu.dma_semaphore, #tpu.memory_space<semaphore_mem>>)
    %dma_wait3A_102 = tpu.memref_slice %arg11[%add3A_38] : memref<6144xi32, #tpu.memory_space<vmem>> -> memref<24xi32, #tpu.memory_space<vmem>>
    %dma_wait3A_103 = arith.constant 0 : i32
    %dma_wait3A_104 = arith.constant 0 : i32
    %dma_wait3A_105 = tpu.memref_slice %arg2[%dma_wait3A_103, %dma_wait3A_104] : memref<2048x1024xf32, #tpu.memory_space<hbm>> -> memref<2048x1024xf32, #tpu.memory_space<hbm>>
    tpu.wait_indirect_dma semaphore(%arg23 : memref<!tpu.dma_semaphore, #tpu.memory_space<semaphore_mem>>) src(%dma_wait3A_105 : memref<2048x1024xf32, #tpu.memory_space<hbm>>) dst(%arg18 : memref<24x1024xf32, #tpu.memory_space<vmem>>)
    %add3A_106 = arith.constant 72 : i32
    %add3A_107 = arith.addi %add3A, %add3A_106 : i32
    %dma_start3A_108 = arith.constant 0 : i32
    %dma_start3A_109 = tpu.memref_slice %arg7[%add3A_107, %dma_start3A_108] : memref<6144x1024xf32, #tpu.memory_space<hbm>> -> memref<24x1024xf32, #tpu.memory_space<hbm>>
    %dma_start3A_110 = arith.constant 0 : i32
    %dma_start3A_111 = tpu.memref_slice %arg7[%add3A_107, %dma_start3A_110] : memref<6144x1024xf32, #tpu.memory_space<hbm>> -> memref<24x1024xf32, #tpu.memory_space<hbm>>
    tpu.enqueue_dma source(%arg18 : memref<24x1024xf32, #tpu.memory_space<vmem>>) target(%dma_start3A_111 : memref<24x1024xf32, #tpu.memory_space<hbm>>) target_semaphore(%arg27 : memref<!tpu.dma_semaphore, #tpu.memory_space<semaphore_mem>>)
    %dma_wait3A_112 = arith.constant 0 : i32
    %dma_wait3A_113 = tpu.memref_slice %arg7[%add3A_107, %dma_wait3A_112] : memref<6144x1024xf32, #tpu.memory_space<hbm>> -> memref<24x1024xf32, #tpu.memory_space<hbm>>
    %dma_wait3A_114 = arith.constant 0 : i32
    %dma_wait3A_115 = tpu.memref_slice %arg7[%add3A_107, %dma_wait3A_114] : memref<6144x1024xf32, #tpu.memory_space<hbm>> -> memref<24x1024xf32, #tpu.memory_space<hbm>>
    tpu.wait_dma2 semaphore(%arg27 : memref<!tpu.dma_semaphore, #tpu.memory_space<semaphore_mem>>) src(%arg18 : memref<24x1024xf32, #tpu.memory_space<vmem>>) dst(%dma_wait3A_115 : memref<24x1024xf32, #tpu.memory_space<hbm>>)
    %add3A_116 = arith.constant 168 : i32
    %add3A_117 = arith.addi %add3A, %add3A_116 : i32
    %dma_start3A_118 = tpu.memref_slice %arg11[%add3A_117] : memref<6144xi32, #tpu.memory_space<vmem>> -> memref<24xi32, #tpu.memory_space<vmem>>
    %dma_start3A_119 = arith.constant 0 : i32
    %dma_start3A_120 = arith.constant 0 : i32
    %dma_start3A_121 = tpu.memref_slice %arg2[%dma_start3A_119, %dma_start3A_120] : memref<2048x1024xf32, #tpu.memory_space<hbm>> -> memref<2048x1024xf32, #tpu.memory_space<hbm>>
    tpu.enqueue_indirect_dma source(%dma_start3A_121 : memref<2048x1024xf32, #tpu.memory_space<hbm>>) target(%arg18 : memref<24x1024xf32, #tpu.memory_space<vmem>>) offsets(%dma_start3A_118 : memref<24xi32, #tpu.memory_space<vmem>>) semaphore(%arg23 : memref<!tpu.dma_semaphore, #tpu.memory_space<semaphore_mem>>)
    %dma_wait3A_122 = tpu.memref_slice %arg11[%add3A_57] : memref<6144xi32, #tpu.memory_space<vmem>> -> memref<24xi32, #tpu.memory_space<vmem>>
    %dma_wait3A_123 = arith.constant 0 : i32
    %dma_wait3A_124 = arith.constant 0 : i32
    %dma_wait3A_125 = tpu.memref_slice %arg2[%dma_wait3A_123, %dma_wait3A_124] : memref<2048x1024xf32, #tpu.memory_space<hbm>> -> memref<2048x1024xf32, #tpu.memory_space<hbm>>
    tpu.wait_indirect_dma semaphore(%arg20 : memref<!tpu.dma_semaphore, #tpu.memory_space<semaphore_mem>>) src(%dma_wait3A_125 : memref<2048x1024xf32, #tpu.memory_space<hbm>>) dst(%arg15 : memref<24x1024xf32, #tpu.memory_space<vmem>>)
    %add3A_126 = arith.constant 96 : i32
    %add3A_127 = arith.addi %add3A, %add3A_126 : i32
    %dma_start3A_128 = arith.constant 0 : i32
    %dma_start3A_129 = tpu.memref_slice %arg7[%add3A_127, %dma_start3A_128] : memref<6144x1024xf32, #tpu.memory_space<hbm>> -> memref<24x1024xf32, #tpu.memory_space<hbm>>
    %dma_start3A_130 = arith.constant 0 : i32
    %dma_start3A_131 = tpu.memref_slice %arg7[%add3A_127, %dma_start3A_130] : memref<6144x1024xf32, #tpu.memory_space<hbm>> -> memref<24x1024xf32, #tpu.memory_space<hbm>>
    tpu.enqueue_dma source(%arg15 : memref<24x1024xf32, #tpu.memory_space<vmem>>) target(%dma_start3A_131 : memref<24x1024xf32, #tpu.memory_space<hbm>>) target_semaphore(%arg24 : memref<!tpu.dma_semaphore, #tpu.memory_space<semaphore_mem>>)
    %dma_wait3A_132 = tpu.memref_slice %arg11[%add3A_77] : memref<6144xi32, #tpu.memory_space<vmem>> -> memref<24xi32, #tpu.memory_space<vmem>>
    %dma_wait3A_133 = arith.constant 0 : i32
    %dma_wait3A_134 = arith.constant 0 : i32
    %dma_wait3A_135 = tpu.memref_slice %arg2[%dma_wait3A_133, %dma_wait3A_134] : memref<2048x1024xf32, #tpu.memory_space<hbm>> -> memref<2048x1024xf32, #tpu.memory_space<hbm>>
    tpu.wait_indirect_dma semaphore(%arg21 : memref<!tpu.dma_semaphore, #tpu.memory_space<semaphore_mem>>) src(%dma_wait3A_135 : memref<2048x1024xf32, #tpu.memory_space<hbm>>) dst(%arg16 : memref<24x1024xf32, #tpu.memory_space<vmem>>)
    %add3A_136 = arith.constant 120 : i32
    %add3A_137 = arith.addi %add3A, %add3A_136 : i32
    %dma_start3A_138 = arith.constant 0 : i32
    %dma_start3A_139 = tpu.memref_slice %arg7[%add3A_137, %dma_start3A_138] : memref<6144x1024xf32, #tpu.memory_space<hbm>> -> memref<24x1024xf32, #tpu.memory_space<hbm>>
    %dma_start3A_140 = arith.constant 0 : i32
    %dma_start3A_141 = tpu.memref_slice %arg7[%add3A_137, %dma_start3A_140] : memref<6144x1024xf32, #tpu.memory_space<hbm>> -> memref<24x1024xf32, #tpu.memory_space<hbm>>
    tpu.enqueue_dma source(%arg16 : memref<24x1024xf32, #tpu.memory_space<vmem>>) target(%dma_start3A_141 : memref<24x1024xf32, #tpu.memory_space<hbm>>) target_semaphore(%arg25 : memref<!tpu.dma_semaphore, #tpu.memory_space<semaphore_mem>>)
    %dma_wait3A_142 = tpu.memref_slice %arg11[%add3A_97] : memref<6144xi32, #tpu.memory_space<vmem>> -> memref<24xi32, #tpu.memory_space<vmem>>
    %dma_wait3A_143 = arith.constant 0 : i32
    %dma_wait3A_144 = arith.constant 0 : i32
    %dma_wait3A_145 = tpu.memref_slice %arg2[%dma_wait3A_143, %dma_wait3A_144] : memref<2048x1024xf32, #tpu.memory_space<hbm>> -> memref<2048x1024xf32, #tpu.memory_space<hbm>>
    tpu.wait_indirect_dma semaphore(%arg22 : memref<!tpu.dma_semaphore, #tpu.memory_space<semaphore_mem>>) src(%dma_wait3A_145 : memref<2048x1024xf32, #tpu.memory_space<hbm>>) dst(%arg17 : memref<24x1024xf32, #tpu.memory_space<vmem>>)
    %add3A_146 = arith.constant 144 : i32
    %add3A_147 = arith.addi %add3A, %add3A_146 : i32
    %dma_start3A_148 = arith.constant 0 : i32
    %dma_start3A_149 = tpu.memref_slice %arg7[%add3A_147, %dma_start3A_148] : memref<6144x1024xf32, #tpu.memory_space<hbm>> -> memref<24x1024xf32, #tpu.memory_space<hbm>>
    %dma_start3A_150 = arith.constant 0 : i32
    %dma_start3A_151 = tpu.memref_slice %arg7[%add3A_147, %dma_start3A_150] : memref<6144x1024xf32, #tpu.memory_space<hbm>> -> memref<24x1024xf32, #tpu.memory_space<hbm>>
    tpu.enqueue_dma source(%arg17 : memref<24x1024xf32, #tpu.memory_space<vmem>>) target(%dma_start3A_151 : memref<24x1024xf32, #tpu.memory_space<hbm>>) target_semaphore(%arg26 : memref<!tpu.dma_semaphore, #tpu.memory_space<semaphore_mem>>)
    %dma_wait3A_152 = tpu.memref_slice %arg11[%add3A_117] : memref<6144xi32, #tpu.memory_space<vmem>> -> memref<24xi32, #tpu.memory_space<vmem>>
    %dma_wait3A_153 = arith.constant 0 : i32
    %dma_wait3A_154 = arith.constant 0 : i32
    %dma_wait3A_155 = tpu.memref_slice %arg2[%dma_wait3A_153, %dma_wait3A_154] : memref<2048x1024xf32, #tpu.memory_space<hbm>> -> memref<2048x1024xf32, #tpu.memory_space<hbm>>
    tpu.wait_indirect_dma semaphore(%arg23 : memref<!tpu.dma_semaphore, #tpu.memory_space<semaphore_mem>>) src(%dma_wait3A_155 : memref<2048x1024xf32, #tpu.memory_space<hbm>>) dst(%arg18 : memref<24x1024xf32, #tpu.memory_space<vmem>>)
    %add3A_156 = arith.constant 168 : i32
    %add3A_157 = arith.addi %add3A, %add3A_156 : i32
    %dma_start3A_158 = arith.constant 0 : i32
    %dma_start3A_159 = tpu.memref_slice %arg7[%add3A_157, %dma_start3A_158] : memref<6144x1024xf32, #tpu.memory_space<hbm>> -> memref<24x1024xf32, #tpu.memory_space<hbm>>
    %dma_start3A_160 = arith.constant 0 : i32
    %dma_start3A_161 = tpu.memref_slice %arg7[%add3A_157, %dma_start3A_160] : memref<6144x1024xf32, #tpu.memory_space<hbm>> -> memref<24x1024xf32, #tpu.memory_space<hbm>>
    tpu.enqueue_dma source(%arg18 : memref<24x1024xf32, #tpu.memory_space<vmem>>) target(%dma_start3A_161 : memref<24x1024xf32, #tpu.memory_space<hbm>>) target_semaphore(%arg27 : memref<!tpu.dma_semaphore, #tpu.memory_space<semaphore_mem>>)
    %dma_wait3A_162 = arith.constant 0 : i32
    %dma_wait3A_163 = tpu.memref_slice %arg7[%add3A_127, %dma_wait3A_162] : memref<6144x1024xf32, #tpu.memory_space<hbm>> -> memref<24x1024xf32, #tpu.memory_space<hbm>>
    %dma_wait3A_164 = arith.constant 0 : i32
    %dma_wait3A_165 = tpu.memref_slice %arg7[%add3A_127, %dma_wait3A_164] : memref<6144x1024xf32, #tpu.memory_space<hbm>> -> memref<24x1024xf32, #tpu.memory_space<hbm>>
    tpu.wait_dma2 semaphore(%arg24 : memref<!tpu.dma_semaphore, #tpu.memory_space<semaphore_mem>>) src(%arg15 : memref<24x1024xf32, #tpu.memory_space<vmem>>) dst(%dma_wait3A_165 : memref<24x1024xf32, #tpu.memory_space<hbm>>)
    %dma_wait3A_166 = arith.constant 0 : i32
    %dma_wait3A_167 = tpu.memref_slice %arg7[%add3A_137, %dma_wait3A_166] : memref<6144x1024xf32, #tpu.memory_space<hbm>> -> memref<24x1024xf32, #tpu.memory_space<hbm>>
    %dma_wait3A_168 = arith.constant 0 : i32
    %dma_wait3A_169 = tpu.memref_slice %arg7[%add3A_137, %dma_wait3A_168] : memref<6144x1024xf32, #tpu.memory_space<hbm>> -> memref<24x1024xf32, #tpu.memory_space<hbm>>
    tpu.wait_dma2 semaphore(%arg25 : memref<!tpu.dma_semaphore, #tpu.memory_space<semaphore_mem>>) src(%arg16 : memref<24x1024xf32, #tpu.memory_space<vmem>>) dst(%dma_wait3A_169 : memref<24x1024xf32, #tpu.memory_space<hbm>>)
    %dma_wait3A_170 = arith.constant 0 : i32
    %dma_wait3A_171 = tpu.memref_slice %arg7[%add3A_147, %dma_wait3A_170] : memref<6144x1024xf32, #tpu.memory_space<hbm>> -> memref<24x1024xf32, #tpu.memory_space<hbm>>
    %dma_wait3A_172 = arith.constant 0 : i32
    %dma_wait3A_173 = tpu.memref_slice %arg7[%add3A_147, %dma_wait3A_172] : memref<6144x1024xf32, #tpu.memory_space<hbm>> -> memref<24x1024xf32, #tpu.memory_space<hbm>>
    tpu.wait_dma2 semaphore(%arg26 : memref<!tpu.dma_semaphore, #tpu.memory_space<semaphore_mem>>) src(%arg17 : memref<24x1024xf32, #tpu.memory_space<vmem>>) dst(%dma_wait3A_173 : memref<24x1024xf32, #tpu.memory_space<hbm>>)
    %dma_wait3A_174 = arith.constant 0 : i32
    %dma_wait3A_175 = tpu.memref_slice %arg7[%add3A_157, %dma_wait3A_174] : memref<6144x1024xf32, #tpu.memory_space<hbm>> -> memref<24x1024xf32, #tpu.memory_space<hbm>>
    %dma_wait3A_176 = arith.constant 0 : i32
    %dma_wait3A_177 = tpu.memref_slice %arg7[%add3A_157, %dma_wait3A_176] : memref<6144x1024xf32, #tpu.memory_space<hbm>> -> memref<24x1024xf32, #tpu.memory_space<hbm>>
    tpu.wait_dma2 semaphore(%arg27 : memref<!tpu.dma_semaphore, #tpu.memory_space<semaphore_mem>>) src(%arg18 : memref<24x1024xf32, #tpu.memory_space<vmem>>) dst(%dma_wait3A_177 : memref<24x1024xf32, #tpu.memory_space<hbm>>)
    %dma_wait3A_178 = tpu.memref_slice %arg12[%add3A] : memref<6144xf32, #tpu.memory_space<vmem>> -> memref<192xf32, #tpu.memory_space<vmem>>
    %dma_wait3A_179 = tpu.memref_slice %arg8[%add3A] : memref<6144xf32, #tpu.memory_space<hbm>> -> memref<192xf32, #tpu.memory_space<hbm>>
    %dma_wait3A_180 = tpu.memref_slice %arg8[%add3A] : memref<6144xf32, #tpu.memory_space<hbm>> -> memref<192xf32, #tpu.memory_space<hbm>>
    %dma_wait3A_181 = tpu.memref_slice %arg12[%add3A] : memref<6144xf32, #tpu.memory_space<vmem>> -> memref<192xf32, #tpu.memory_space<vmem>>
    tpu.wait_dma2 semaphore(%arg28 : memref<!tpu.dma_semaphore, #tpu.memory_space<semaphore_mem>>) src(%dma_wait3A_181 : memref<192xf32, #tpu.memory_space<vmem>>) dst(%dma_wait3A_180 : memref<192xf32, #tpu.memory_space<hbm>>)
    tpu.wait_dma2 semaphore(%arg19 : memref<!tpu.dma_semaphore, #tpu.memory_space<semaphore_mem>>) src(%arg5 : memref<4096xi32, #tpu.memory_space<hbm>>) dst(%arg13 : memref<4096xi32, #tpu.memory_space<vmem>>)
    tpu.wait_dma2 semaphore(%arg19 : memref<!tpu.dma_semaphore, #tpu.memory_space<semaphore_mem>>) src(%arg6 : memref<4096xf32, #tpu.memory_space<hbm>>) dst(%arg14 : memref<4096xf32, #tpu.memory_space<vmem>>)
    %scan3A_182 = arith.constant 0 : i32
    %scan3A_183 = arith.constant 0 : i32
    %scan3A_184 = arith.constant 256 : i32
    %scan3A_185 = arith.addi %scan3A_183, %scan3A_184 : i32
    %scan3A_186 = arith.constant 1 : i32
    %scan3A_187 = scf.for %scan3A_357 = %scan3A_183 to %scan3A_185 step %scan3A_186 iter_args(%scan3A_358 = %scan3A_182) -> (i32)  : i32 {
      %mul3A_359 = arith.constant 16 : i32
      %mul3A_360 = arith.muli %scan3A_357, %mul3A_359 : i32
      %get3A = arith.index_cast %mul3A_360 : i32 to index
      %get3A_361 = tpu.vector_load %arg13[%get3A] {strides = array<i32>} : memref<4096xi32, #tpu.memory_space<vmem>>, vector<16xi32>,
      %mul3A_362 = arith.constant 16 : i32
      %mul3A_363 = arith.muli %scan3A_357, %mul3A_362 : i32
      %get3A_364 = arith.index_cast %mul3A_363 : i32 to index
      %get3A_365 = tpu.vector_load %arg14[%get3A_364] {strides = array<i32>} : memref<4096xf32, #tpu.memory_space<vmem>>, vector<16xf32>,
      %mul3A_366 = arith.constant 16 : i32
      %mul3A_367 = arith.muli %scan3A_357, %mul3A_366 : i32
      %add3A_368 = vector.broadcast %mul3A_367 : i32 to vector<16xi32>
      %add3A_369 = arith.addi %add3A_368, %iota3A : vector<16xi32>
      %and3A = arith.constant 2047 : i32
      %and3A_370 = vector.broadcast %and3A : i32 to vector<16xi32>
      %and3A_371 = arith.andi %add3A_369, %and3A_370 : vector<16xi32>
      tpu.vector_store_idx %arg11[%get3A_361], %and3A_371 : memref<6144xi32, #tpu.memory_space<vmem>>[vector<16xi32>], vector<16xi32>,
      tpu.vector_store_idx %arg12[%get3A_361], %get3A_365 : memref<6144xf32, #tpu.memory_space<vmem>>[vector<16xi32>], vector<16xf32>,
      %scan3A_372 = arith.constant 0 : i32
      scf.yield %scan3A_372 : i32
    }
    %scan3A_188 = arith.constant 256 : i32
    %dma_start3A_189 = tpu.memref_slice %arg12[%add3A] : memref<6144xf32, #tpu.memory_space<vmem>> -> memref<192xf32, #tpu.memory_space<vmem>>
    %dma_start3A_190 = tpu.memref_slice %arg10[%add3A] : memref<6144xf32, #tpu.memory_space<hbm>> -> memref<192xf32, #tpu.memory_space<hbm>>
    %dma_start3A_191 = tpu.memref_slice %arg10[%add3A] : memref<6144xf32, #tpu.memory_space<hbm>> -> memref<192xf32, #tpu.memory_space<hbm>>
    %dma_start3A_192 = tpu.memref_slice %arg12[%add3A] : memref<6144xf32, #tpu.memory_space<vmem>> -> memref<192xf32, #tpu.memory_space<vmem>>
    tpu.enqueue_dma source(%dma_start3A_192 : memref<192xf32, #tpu.memory_space<vmem>>) target(%dma_start3A_191 : memref<192xf32, #tpu.memory_space<hbm>>) target_semaphore(%arg28 : memref<!tpu.dma_semaphore, #tpu.memory_space<semaphore_mem>>)
    %add3A_193 = arith.constant 0 : i32
    %add3A_194 = arith.addi %add3A, %add3A_193 : i32
    %dma_start3A_195 = tpu.memref_slice %arg11[%add3A_194] : memref<6144xi32, #tpu.memory_space<vmem>> -> memref<24xi32, #tpu.memory_space<vmem>>
    %dma_start3A_196 = arith.constant 0 : i32
    %dma_start3A_197 = arith.constant 0 : i32
    %dma_start3A_198 = tpu.memref_slice %arg2[%dma_start3A_196, %dma_start3A_197] : memref<2048x1024xf32, #tpu.memory_space<hbm>> -> memref<2048x1024xf32, #tpu.memory_space<hbm>>
    tpu.enqueue_indirect_dma source(%dma_start3A_198 : memref<2048x1024xf32, #tpu.memory_space<hbm>>) target(%arg15 : memref<24x1024xf32, #tpu.memory_space<vmem>>) offsets(%dma_start3A_195 : memref<24xi32, #tpu.memory_space<vmem>>) semaphore(%arg20 : memref<!tpu.dma_semaphore, #tpu.memory_space<semaphore_mem>>)
    %add3A_199 = arith.constant 24 : i32
    %add3A_200 = arith.addi %add3A, %add3A_199 : i32
    %dma_start3A_201 = tpu.memref_slice %arg11[%add3A_200] : memref<6144xi32, #tpu.memory_space<vmem>> -> memref<24xi32, #tpu.memory_space<vmem>>
    %dma_start3A_202 = arith.constant 0 : i32
    %dma_start3A_203 = arith.constant 0 : i32
    %dma_start3A_204 = tpu.memref_slice %arg2[%dma_start3A_202, %dma_start3A_203] : memref<2048x1024xf32, #tpu.memory_space<hbm>> -> memref<2048x1024xf32, #tpu.memory_space<hbm>>
    tpu.enqueue_indirect_dma source(%dma_start3A_204 : memref<2048x1024xf32, #tpu.memory_space<hbm>>) target(%arg16 : memref<24x1024xf32, #tpu.memory_space<vmem>>) offsets(%dma_start3A_201 : memref<24xi32, #tpu.memory_space<vmem>>) semaphore(%arg21 : memref<!tpu.dma_semaphore, #tpu.memory_space<semaphore_mem>>)
    %add3A_205 = arith.constant 48 : i32
    %add3A_206 = arith.addi %add3A, %add3A_205 : i32
    %dma_start3A_207 = tpu.memref_slice %arg11[%add3A_206] : memref<6144xi32, #tpu.memory_space<vmem>> -> memref<24xi32, #tpu.memory_space<vmem>>
    %dma_start3A_208 = arith.constant 0 : i32
    %dma_start3A_209 = arith.constant 0 : i32
    %dma_start3A_210 = tpu.memref_slice %arg2[%dma_start3A_208, %dma_start3A_209] : memref<2048x1024xf32, #tpu.memory_space<hbm>> -> memref<2048x1024xf32, #tpu.memory_space<hbm>>
    tpu.enqueue_indirect_dma source(%dma_start3A_210 : memref<2048x1024xf32, #tpu.memory_space<hbm>>) target(%arg17 : memref<24x1024xf32, #tpu.memory_space<vmem>>) offsets(%dma_start3A_207 : memref<24xi32, #tpu.memory_space<vmem>>) semaphore(%arg22 : memref<!tpu.dma_semaphore, #tpu.memory_space<semaphore_mem>>)
    %add3A_211 = arith.constant 72 : i32
    %add3A_212 = arith.addi %add3A, %add3A_211 : i32
    %dma_start3A_213 = tpu.memref_slice %arg11[%add3A_212] : memref<6144xi32, #tpu.memory_space<vmem>> -> memref<24xi32, #tpu.memory_space<vmem>>
    %dma_start3A_214 = arith.constant 0 : i32
    %dma_start3A_215 = arith.constant 0 : i32
    %dma_start3A_216 = tpu.memref_slice %arg2[%dma_start3A_214, %dma_start3A_215] : memref<2048x1024xf32, #tpu.memory_space<hbm>> -> memref<2048x1024xf32, #tpu.memory_space<hbm>>
    tpu.enqueue_indirect_dma source(%dma_start3A_216 : memref<2048x1024xf32, #tpu.memory_space<hbm>>) target(%arg18 : memref<24x1024xf32, #tpu.memory_space<vmem>>) offsets(%dma_start3A_213 : memref<24xi32, #tpu.memory_space<vmem>>) semaphore(%arg23 : memref<!tpu.dma_semaphore, #tpu.memory_space<semaphore_mem>>)
    %dma_wait3A_217 = tpu.memref_slice %arg11[%add3A_194] : memref<6144xi32, #tpu.memory_space<vmem>> -> memref<24xi32, #tpu.memory_space<vmem>>
    %dma_wait3A_218 = arith.constant 0 : i32
    %dma_wait3A_219 = arith.constant 0 : i32
    %dma_wait3A_220 = tpu.memref_slice %arg2[%dma_wait3A_218, %dma_wait3A_219] : memref<2048x1024xf32, #tpu.memory_space<hbm>> -> memref<2048x1024xf32, #tpu.memory_space<hbm>>
    tpu.wait_indirect_dma semaphore(%arg20 : memref<!tpu.dma_semaphore, #tpu.memory_space<semaphore_mem>>) src(%dma_wait3A_220 : memref<2048x1024xf32, #tpu.memory_space<hbm>>) dst(%arg15 : memref<24x1024xf32, #tpu.memory_space<vmem>>)
    %add3A_221 = arith.constant 0 : i32
    %add3A_222 = arith.addi %add3A, %add3A_221 : i32
    %dma_start3A_223 = arith.constant 0 : i32
    %dma_start3A_224 = tpu.memref_slice %arg9[%add3A_222, %dma_start3A_223] : memref<6144x1024xf32, #tpu.memory_space<hbm>> -> memref<24x1024xf32, #tpu.memory_space<hbm>>
    %dma_start3A_225 = arith.constant 0 : i32
    %dma_start3A_226 = tpu.memref_slice %arg9[%add3A_222, %dma_start3A_225] : memref<6144x1024xf32, #tpu.memory_space<hbm>> -> memref<24x1024xf32, #tpu.memory_space<hbm>>
    tpu.enqueue_dma source(%arg15 : memref<24x1024xf32, #tpu.memory_space<vmem>>) target(%dma_start3A_226 : memref<24x1024xf32, #tpu.memory_space<hbm>>) target_semaphore(%arg24 : memref<!tpu.dma_semaphore, #tpu.memory_space<semaphore_mem>>)
    %dma_wait3A_227 = arith.constant 0 : i32
    %dma_wait3A_228 = tpu.memref_slice %arg9[%add3A_222, %dma_wait3A_227] : memref<6144x1024xf32, #tpu.memory_space<hbm>> -> memref<24x1024xf32, #tpu.memory_space<hbm>>
    %dma_wait3A_229 = arith.constant 0 : i32
    %dma_wait3A_230 = tpu.memref_slice %arg9[%add3A_222, %dma_wait3A_229] : memref<6144x1024xf32, #tpu.memory_space<hbm>> -> memref<24x1024xf32, #tpu.memory_space<hbm>>
    tpu.wait_dma2 semaphore(%arg24 : memref<!tpu.dma_semaphore, #tpu.memory_space<semaphore_mem>>) src(%arg15 : memref<24x1024xf32, #tpu.memory_space<vmem>>) dst(%dma_wait3A_230 : memref<24x1024xf32, #tpu.memory_space<hbm>>)
    %add3A_231 = arith.constant 96 : i32
    %add3A_232 = arith.addi %add3A, %add3A_231 : i32
    %dma_start3A_233 = tpu.memref_slice %arg11[%add3A_232] : memref<6144xi32, #tpu.memory_space<vmem>> -> memref<24xi32, #tpu.memory_space<vmem>>
    %dma_start3A_234 = arith.constant 0 : i32
    %dma_start3A_235 = arith.constant 0 : i32
    %dma_start3A_236 = tpu.memref_slice %arg2[%dma_start3A_234, %dma_start3A_235] : memref<2048x1024xf32, #tpu.memory_space<hbm>> -> memref<2048x1024xf32, #tpu.memory_space<hbm>>
    tpu.enqueue_indirect_dma source(%dma_start3A_236 : memref<2048x1024xf32, #tpu.memory_space<hbm>>) target(%arg15 : memref<24x1024xf32, #tpu.memory_space<vmem>>) offsets(%dma_start3A_233 : memref<24xi32, #tpu.memory_space<vmem>>) semaphore(%arg20 : memref<!tpu.dma_semaphore, #tpu.memory_space<semaphore_mem>>)
    %dma_wait3A_237 = tpu.memref_slice %arg11[%add3A_200] : memref<6144xi32, #tpu.memory_space<vmem>> -> memref<24xi32, #tpu.memory_space<vmem>>
    %dma_wait3A_238 = arith.constant 0 : i32
    %dma_wait3A_239 = arith.constant 0 : i32
    %dma_wait3A_240 = tpu.memref_slice %arg2[%dma_wait3A_238, %dma_wait3A_239] : memref<2048x1024xf32, #tpu.memory_space<hbm>> -> memref<2048x1024xf32, #tpu.memory_space<hbm>>
    tpu.wait_indirect_dma semaphore(%arg21 : memref<!tpu.dma_semaphore, #tpu.memory_space<semaphore_mem>>) src(%dma_wait3A_240 : memref<2048x1024xf32, #tpu.memory_space<hbm>>) dst(%arg16 : memref<24x1024xf32, #tpu.memory_space<vmem>>)
    %add3A_241 = arith.constant 24 : i32
    %add3A_242 = arith.addi %add3A, %add3A_241 : i32
    %dma_start3A_243 = arith.constant 0 : i32
    %dma_start3A_244 = tpu.memref_slice %arg9[%add3A_242, %dma_start3A_243] : memref<6144x1024xf32, #tpu.memory_space<hbm>> -> memref<24x1024xf32, #tpu.memory_space<hbm>>
    %dma_start3A_245 = arith.constant 0 : i32
    %dma_start3A_246 = tpu.memref_slice %arg9[%add3A_242, %dma_start3A_245] : memref<6144x1024xf32, #tpu.memory_space<hbm>> -> memref<24x1024xf32, #tpu.memory_space<hbm>>
    tpu.enqueue_dma source(%arg16 : memref<24x1024xf32, #tpu.memory_space<vmem>>) target(%dma_start3A_246 : memref<24x1024xf32, #tpu.memory_space<hbm>>) target_semaphore(%arg25 : memref<!tpu.dma_semaphore, #tpu.memory_space<semaphore_mem>>)
    %dma_wait3A_247 = arith.constant 0 : i32
    %dma_wait3A_248 = tpu.memref_slice %arg9[%add3A_242, %dma_wait3A_247] : memref<6144x1024xf32, #tpu.memory_space<hbm>> -> memref<24x1024xf32, #tpu.memory_space<hbm>>
    %dma_wait3A_249 = arith.constant 0 : i32
    %dma_wait3A_250 = tpu.memref_slice %arg9[%add3A_242, %dma_wait3A_249] : memref<6144x1024xf32, #tpu.memory_space<hbm>> -> memref<24x1024xf32, #tpu.memory_space<hbm>>
    tpu.wait_dma2 semaphore(%arg25 : memref<!tpu.dma_semaphore, #tpu.memory_space<semaphore_mem>>) src(%arg16 : memref<24x1024xf32, #tpu.memory_space<vmem>>) dst(%dma_wait3A_250 : memref<24x1024xf32, #tpu.memory_space<hbm>>)
    %add3A_251 = arith.constant 120 : i32
    %add3A_252 = arith.addi %add3A, %add3A_251 : i32
    %dma_start3A_253 = tpu.memref_slice %arg11[%add3A_252] : memref<6144xi32, #tpu.memory_space<vmem>> -> memref<24xi32, #tpu.memory_space<vmem>>
    %dma_start3A_254 = arith.constant 0 : i32
    %dma_start3A_255 = arith.constant 0 : i32
    %dma_start3A_256 = tpu.memref_slice %arg2[%dma_start3A_254, %dma_start3A_255] : memref<2048x1024xf32, #tpu.memory_space<hbm>> -> memref<2048x1024xf32, #tpu.memory_space<hbm>>
    tpu.enqueue_indirect_dma source(%dma_start3A_256 : memref<2048x1024xf32, #tpu.memory_space<hbm>>) target(%arg16 : memref<24x1024xf32, #tpu.memory_space<vmem>>) offsets(%dma_start3A_253 : memref<24xi32, #tpu.memory_space<vmem>>) semaphore(%arg21 : memref<!tpu.dma_semaphore, #tpu.memory_space<semaphore_mem>>)
    %dma_wait3A_257 = tpu.memref_slice %arg11[%add3A_206] : memref<6144xi32, #tpu.memory_space<vmem>> -> memref<24xi32, #tpu.memory_space<vmem>>
    %dma_wait3A_258 = arith.constant 0 : i32
    %dma_wait3A_259 = arith.constant 0 : i32
    %dma_wait3A_260 = tpu.memref_slice %arg2[%dma_wait3A_258, %dma_wait3A_259] : memref<2048x1024xf32, #tpu.memory_space<hbm>> -> memref<2048x1024xf32, #tpu.memory_space<hbm>>
    tpu.wait_indirect_dma semaphore(%arg22 : memref<!tpu.dma_semaphore, #tpu.memory_space<semaphore_mem>>) src(%dma_wait3A_260 : memref<2048x1024xf32, #tpu.memory_space<hbm>>) dst(%arg17 : memref<24x1024xf32, #tpu.memory_space<vmem>>)
    %add3A_261 = arith.constant 48 : i32
    %add3A_262 = arith.addi %add3A, %add3A_261 : i32
    %dma_start3A_263 = arith.constant 0 : i32
    %dma_start3A_264 = tpu.memref_slice %arg9[%add3A_262, %dma_start3A_263] : memref<6144x1024xf32, #tpu.memory_space<hbm>> -> memref<24x1024xf32, #tpu.memory_space<hbm>>
    %dma_start3A_265 = arith.constant 0 : i32
    %dma_start3A_266 = tpu.memref_slice %arg9[%add3A_262, %dma_start3A_265] : memref<6144x1024xf32, #tpu.memory_space<hbm>> -> memref<24x1024xf32, #tpu.memory_space<hbm>>
    tpu.enqueue_dma source(%arg17 : memref<24x1024xf32, #tpu.memory_space<vmem>>) target(%dma_start3A_266 : memref<24x1024xf32, #tpu.memory_space<hbm>>) target_semaphore(%arg26 : memref<!tpu.dma_semaphore, #tpu.memory_space<semaphore_mem>>)
    %dma_wait3A_267 = arith.constant 0 : i32
    %dma_wait3A_268 = tpu.memref_slice %arg9[%add3A_262, %dma_wait3A_267] : memref<6144x1024xf32, #tpu.memory_space<hbm>> -> memref<24x1024xf32, #tpu.memory_space<hbm>>
    %dma_wait3A_269 = arith.constant 0 : i32
    %dma_wait3A_270 = tpu.memref_slice %arg9[%add3A_262, %dma_wait3A_269] : memref<6144x1024xf32, #tpu.memory_space<hbm>> -> memref<24x1024xf32, #tpu.memory_space<hbm>>
    tpu.wait_dma2 semaphore(%arg26 : memref<!tpu.dma_semaphore, #tpu.memory_space<semaphore_mem>>) src(%arg17 : memref<24x1024xf32, #tpu.memory_space<vmem>>) dst(%dma_wait3A_270 : memref<24x1024xf32, #tpu.memory_space<hbm>>)
    %add3A_271 = arith.constant 144 : i32
    %add3A_272 = arith.addi %add3A, %add3A_271 : i32
    %dma_start3A_273 = tpu.memref_slice %arg11[%add3A_272] : memref<6144xi32, #tpu.memory_space<vmem>> -> memref<24xi32, #tpu.memory_space<vmem>>
    %dma_start3A_274 = arith.constant 0 : i32
    %dma_start3A_275 = arith.constant 0 : i32
    %dma_start3A_276 = tpu.memref_slice %arg2[%dma_start3A_274, %dma_start3A_275] : memref<2048x1024xf32, #tpu.memory_space<hbm>> -> memref<2048x1024xf32, #tpu.memory_space<hbm>>
    tpu.enqueue_indirect_dma source(%dma_start3A_276 : memref<2048x1024xf32, #tpu.memory_space<hbm>>) target(%arg17 : memref<24x1024xf32, #tpu.memory_space<vmem>>) offsets(%dma_start3A_273 : memref<24xi32, #tpu.memory_space<vmem>>) semaphore(%arg22 : memref<!tpu.dma_semaphore, #tpu.memory_space<semaphore_mem>>)
    %dma_wait3A_277 = tpu.memref_slice %arg11[%add3A_212] : memref<6144xi32, #tpu.memory_space<vmem>> -> memref<24xi32, #tpu.memory_space<vmem>>
    %dma_wait3A_278 = arith.constant 0 : i32
    %dma_wait3A_279 = arith.constant 0 : i32
    %dma_wait3A_280 = tpu.memref_slice %arg2[%dma_wait3A_278, %dma_wait3A_279] : memref<2048x1024xf32, #tpu.memory_space<hbm>> -> memref<2048x1024xf32, #tpu.memory_space<hbm>>
    tpu.wait_indirect_dma semaphore(%arg23 : memref<!tpu.dma_semaphore, #tpu.memory_space<semaphore_mem>>) src(%dma_wait3A_280 : memref<2048x1024xf32, #tpu.memory_space<hbm>>) dst(%arg18 : memref<24x1024xf32, #tpu.memory_space<vmem>>)
    %add3A_281 = arith.constant 72 : i32
    %add3A_282 = arith.addi %add3A, %add3A_281 : i32
    %dma_start3A_283 = arith.constant 0 : i32
    %dma_start3A_284 = tpu.memref_slice %arg9[%add3A_282, %dma_start3A_283] : memref<6144x1024xf32, #tpu.memory_space<hbm>> -> memref<24x1024xf32, #tpu.memory_space<hbm>>
    %dma_start3A_285 = arith.constant 0 : i32
    %dma_start3A_286 = tpu.memref_slice %arg9[%add3A_282, %dma_start3A_285] : memref<6144x1024xf32, #tpu.memory_space<hbm>> -> memref<24x1024xf32, #tpu.memory_space<hbm>>
    tpu.enqueue_dma source(%arg18 : memref<24x1024xf32, #tpu.memory_space<vmem>>) target(%dma_start3A_286 : memref<24x1024xf32, #tpu.memory_space<hbm>>) target_semaphore(%arg27 : memref<!tpu.dma_semaphore, #tpu.memory_space<semaphore_mem>>)
    %dma_wait3A_287 = arith.constant 0 : i32
    %dma_wait3A_288 = tpu.memref_slice %arg9[%add3A_282, %dma_wait3A_287] : memref<6144x1024xf32, #tpu.memory_space<hbm>> -> memref<24x1024xf32, #tpu.memory_space<hbm>>
    %dma_wait3A_289 = arith.constant 0 : i32
    %dma_wait3A_290 = tpu.memref_slice %arg9[%add3A_282, %dma_wait3A_289] : memref<6144x1024xf32, #tpu.memory_space<hbm>> -> memref<24x1024xf32, #tpu.memory_space<hbm>>
    tpu.wait_dma2 semaphore(%arg27 : memref<!tpu.dma_semaphore, #tpu.memory_space<semaphore_mem>>) src(%arg18 : memref<24x1024xf32, #tpu.memory_space<vmem>>) dst(%dma_wait3A_290 : memref<24x1024xf32, #tpu.memory_space<hbm>>)
    %add3A_291 = arith.constant 168 : i32
    %add3A_292 = arith.addi %add3A, %add3A_291 : i32
    %dma_start3A_293 = tpu.memref_slice %arg11[%add3A_292] : memref<6144xi32, #tpu.memory_space<vmem>> -> memref<24xi32, #tpu.memory_space<vmem>>
    %dma_start3A_294 = arith.constant 0 : i32
    %dma_start3A_295 = arith.constant 0 : i32
    %dma_start3A_296 = tpu.memref_slice %arg2[%dma_start3A_294, %dma_start3A_295] : memref<2048x1024xf32, #tpu.memory_space<hbm>> -> memref<2048x1024xf32, #tpu.memory_space<hbm>>
    tpu.enqueue_indirect_dma source(%dma_start3A_296 : memref<2048x1024xf32, #tpu.memory_space<hbm>>) target(%arg18 : memref<24x1024xf32, #tpu.memory_space<vmem>>) offsets(%dma_start3A_293 : memref<24xi32, #tpu.memory_space<vmem>>) semaphore(%arg23 : memref<!tpu.dma_semaphore, #tpu.memory_space<semaphore_mem>>)
    %dma_wait3A_297 = tpu.memref_slice %arg11[%add3A_232] : memref<6144xi32, #tpu.memory_space<vmem>> -> memref<24xi32, #tpu.memory_space<vmem>>
    %dma_wait3A_298 = arith.constant 0 : i32
    %dma_wait3A_299 = arith.constant 0 : i32
    %dma_wait3A_300 = tpu.memref_slice %arg2[%dma_wait3A_298, %dma_wait3A_299] : memref<2048x1024xf32, #tpu.memory_space<hbm>> -> memref<2048x1024xf32, #tpu.memory_space<hbm>>
    tpu.wait_indirect_dma semaphore(%arg20 : memref<!tpu.dma_semaphore, #tpu.memory_space<semaphore_mem>>) src(%dma_wait3A_300 : memref<2048x1024xf32, #tpu.memory_space<hbm>>) dst(%arg15 : memref<24x1024xf32, #tpu.memory_space<vmem>>)
    %add3A_301 = arith.constant 96 : i32
    %add3A_302 = arith.addi %add3A, %add3A_301 : i32
    %dma_start3A_303 = arith.constant 0 : i32
    %dma_start3A_304 = tpu.memref_slice %arg9[%add3A_302, %dma_start3A_303] : memref<6144x1024xf32, #tpu.memory_space<hbm>> -> memref<24x1024xf32, #tpu.memory_space<hbm>>
    %dma_start3A_305 = arith.constant 0 : i32
    %dma_start3A_306 = tpu.memref_slice %arg9[%add3A_302, %dma_start3A_305] : memref<6144x1024xf32, #tpu.memory_space<hbm>> -> memref<24x1024xf32, #tpu.memory_space<hbm>>
    tpu.enqueue_dma source(%arg15 : memref<24x1024xf32, #tpu.memory_space<vmem>>) target(%dma_start3A_306 : memref<24x1024xf32, #tpu.memory_space<hbm>>) target_semaphore(%arg24 : memref<!tpu.dma_semaphore, #tpu.memory_space<semaphore_mem>>)
    %dma_wait3A_307 = tpu.memref_slice %arg11[%add3A_252] : memref<6144xi32, #tpu.memory_space<vmem>> -> memref<24xi32, #tpu.memory_space<vmem>>
    %dma_wait3A_308 = arith.constant 0 : i32
    %dma_wait3A_309 = arith.constant 0 : i32
    %dma_wait3A_310 = tpu.memref_slice %arg2[%dma_wait3A_308, %dma_wait3A_309] : memref<2048x1024xf32, #tpu.memory_space<hbm>> -> memref<2048x1024xf32, #tpu.memory_space<hbm>>
    tpu.wait_indirect_dma semaphore(%arg21 : memref<!tpu.dma_semaphore, #tpu.memory_space<semaphore_mem>>) src(%dma_wait3A_310 : memref<2048x1024xf32, #tpu.memory_space<hbm>>) dst(%arg16 : memref<24x1024xf32, #tpu.memory_space<vmem>>)
    %add3A_311 = arith.constant 120 : i32
    %add3A_312 = arith.addi %add3A, %add3A_311 : i32
    %dma_start3A_313 = arith.constant 0 : i32
    %dma_start3A_314 = tpu.memref_slice %arg9[%add3A_312, %dma_start3A_313] : memref<6144x1024xf32, #tpu.memory_space<hbm>> -> memref<24x1024xf32, #tpu.memory_space<hbm>>
    %dma_start3A_315 = arith.constant 0 : i32
    %dma_start3A_316 = tpu.memref_slice %arg9[%add3A_312, %dma_start3A_315] : memref<6144x1024xf32, #tpu.memory_space<hbm>> -> memref<24x1024xf32, #tpu.memory_space<hbm>>
    tpu.enqueue_dma source(%arg16 : memref<24x1024xf32, #tpu.memory_space<vmem>>) target(%dma_start3A_316 : memref<24x1024xf32, #tpu.memory_space<hbm>>) target_semaphore(%arg25 : memref<!tpu.dma_semaphore, #tpu.memory_space<semaphore_mem>>)
    %dma_wait3A_317 = tpu.memref_slice %arg11[%add3A_272] : memref<6144xi32, #tpu.memory_space<vmem>> -> memref<24xi32, #tpu.memory_space<vmem>>
    %dma_wait3A_318 = arith.constant 0 : i32
    %dma_wait3A_319 = arith.constant 0 : i32
    %dma_wait3A_320 = tpu.memref_slice %arg2[%dma_wait3A_318, %dma_wait3A_319] : memref<2048x1024xf32, #tpu.memory_space<hbm>> -> memref<2048x1024xf32, #tpu.memory_space<hbm>>
    tpu.wait_indirect_dma semaphore(%arg22 : memref<!tpu.dma_semaphore, #tpu.memory_space<semaphore_mem>>) src(%dma_wait3A_320 : memref<2048x1024xf32, #tpu.memory_space<hbm>>) dst(%arg17 : memref<24x1024xf32, #tpu.memory_space<vmem>>)
    %add3A_321 = arith.constant 144 : i32
    %add3A_322 = arith.addi %add3A, %add3A_321 : i32
    %dma_start3A_323 = arith.constant 0 : i32
    %dma_start3A_324 = tpu.memref_slice %arg9[%add3A_322, %dma_start3A_323] : memref<6144x1024xf32, #tpu.memory_space<hbm>> -> memref<24x1024xf32, #tpu.memory_space<hbm>>
    %dma_start3A_325 = arith.constant 0 : i32
    %dma_start3A_326 = tpu.memref_slice %arg9[%add3A_322, %dma_start3A_325] : memref<6144x1024xf32, #tpu.memory_space<hbm>> -> memref<24x1024xf32, #tpu.memory_space<hbm>>
    tpu.enqueue_dma source(%arg17 : memref<24x1024xf32, #tpu.memory_space<vmem>>) target(%dma_start3A_326 : memref<24x1024xf32, #tpu.memory_space<hbm>>) target_semaphore(%arg26 : memref<!tpu.dma_semaphore, #tpu.memory_space<semaphore_mem>>)
    %dma_wait3A_327 = tpu.memref_slice %arg11[%add3A_292] : memref<6144xi32, #tpu.memory_space<vmem>> -> memref<24xi32, #tpu.memory_space<vmem>>
    %dma_wait3A_328 = arith.constant 0 : i32
    %dma_wait3A_329 = arith.constant 0 : i32
    %dma_wait3A_330 = tpu.memref_slice %arg2[%dma_wait3A_328, %dma_wait3A_329] : memref<2048x1024xf32, #tpu.memory_space<hbm>> -> memref<2048x1024xf32, #tpu.memory_space<hbm>>
    tpu.wait_indirect_dma semaphore(%arg23 : memref<!tpu.dma_semaphore, #tpu.memory_space<semaphore_mem>>) src(%dma_wait3A_330 : memref<2048x1024xf32, #tpu.memory_space<hbm>>) dst(%arg18 : memref<24x1024xf32, #tpu.memory_space<vmem>>)
    %add3A_331 = arith.constant 168 : i32
    %add3A_332 = arith.addi %add3A, %add3A_331 : i32
    %dma_start3A_333 = arith.constant 0 : i32
    %dma_start3A_334 = tpu.memref_slice %arg9[%add3A_332, %dma_start3A_333] : memref<6144x1024xf32, #tpu.memory_space<hbm>> -> memref<24x1024xf32, #tpu.memory_space<hbm>>
    %dma_start3A_335 = arith.constant 0 : i32
    %dma_start3A_336 = tpu.memref_slice %arg9[%add3A_332, %dma_start3A_335] : memref<6144x1024xf32, #tpu.memory_space<hbm>> -> memref<24x1024xf32, #tpu.memory_space<hbm>>
    tpu.enqueue_dma source(%arg18 : memref<24x1024xf32, #tpu.memory_space<vmem>>) target(%dma_start3A_336 : memref<24x1024xf32, #tpu.memory_space<hbm>>) target_semaphore(%arg27 : memref<!tpu.dma_semaphore, #tpu.memory_space<semaphore_mem>>)
    %dma_wait3A_337 = arith.constant 0 : i32
    %dma_wait3A_338 = tpu.memref_slice %arg9[%add3A_302, %dma_wait3A_337] : memref<6144x1024xf32, #tpu.memory_space<hbm>> -> memref<24x1024xf32, #tpu.memory_space<hbm>>
    %dma_wait3A_339 = arith.constant 0 : i32
    %dma_wait3A_340 = tpu.memref_slice %arg9[%add3A_302, %dma_wait3A_339] : memref<6144x1024xf32, #tpu.memory_space<hbm>> -> memref<24x1024xf32, #tpu.memory_space<hbm>>
    tpu.wait_dma2 semaphore(%arg24 : memref<!tpu.dma_semaphore, #tpu.memory_space<semaphore_mem>>) src(%arg15 : memref<24x1024xf32, #tpu.memory_space<vmem>>) dst(%dma_wait3A_340 : memref<24x1024xf32, #tpu.memory_space<hbm>>)
    %dma_wait3A_341 = arith.constant 0 : i32
    %dma_wait3A_342 = tpu.memref_slice %arg9[%add3A_312, %dma_wait3A_341] : memref<6144x1024xf32, #tpu.memory_space<hbm>> -> memref<24x1024xf32, #tpu.memory_space<hbm>>
    %dma_wait3A_343 = arith.constant 0 : i32
    %dma_wait3A_344 = tpu.memref_slice %arg9[%add3A_312, %dma_wait3A_343] : memref<6144x1024xf32, #tpu.memory_space<hbm>> -> memref<24x1024xf32, #tpu.memory_space<hbm>>
    tpu.wait_dma2 semaphore(%arg25 : memref<!tpu.dma_semaphore, #tpu.memory_space<semaphore_mem>>) src(%arg16 : memref<24x1024xf32, #tpu.memory_space<vmem>>) dst(%dma_wait3A_344 : memref<24x1024xf32, #tpu.memory_space<hbm>>)
    %dma_wait3A_345 = arith.constant 0 : i32
    %dma_wait3A_346 = tpu.memref_slice %arg9[%add3A_322, %dma_wait3A_345] : memref<6144x1024xf32, #tpu.memory_space<hbm>> -> memref<24x1024xf32, #tpu.memory_space<hbm>>
    %dma_wait3A_347 = arith.constant 0 : i32
    %dma_wait3A_348 = tpu.memref_slice %arg9[%add3A_322, %dma_wait3A_347] : memref<6144x1024xf32, #tpu.memory_space<hbm>> -> memref<24x1024xf32, #tpu.memory_space<hbm>>
    tpu.wait_dma2 semaphore(%arg26 : memref<!tpu.dma_semaphore, #tpu.memory_space<semaphore_mem>>) src(%arg17 : memref<24x1024xf32, #tpu.memory_space<vmem>>) dst(%dma_wait3A_348 : memref<24x1024xf32, #tpu.memory_space<hbm>>)
    %dma_wait3A_349 = arith.constant 0 : i32
    %dma_wait3A_350 = tpu.memref_slice %arg9[%add3A_332, %dma_wait3A_349] : memref<6144x1024xf32, #tpu.memory_space<hbm>> -> memref<24x1024xf32, #tpu.memory_space<hbm>>
    %dma_wait3A_351 = arith.constant 0 : i32
    %dma_wait3A_352 = tpu.memref_slice %arg9[%add3A_332, %dma_wait3A_351] : memref<6144x1024xf32, #tpu.memory_space<hbm>> -> memref<24x1024xf32, #tpu.memory_space<hbm>>
    tpu.wait_dma2 semaphore(%arg27 : memref<!tpu.dma_semaphore, #tpu.memory_space<semaphore_mem>>) src(%arg18 : memref<24x1024xf32, #tpu.memory_space<vmem>>) dst(%dma_wait3A_352 : memref<24x1024xf32, #tpu.memory_space<hbm>>)
    %dma_wait3A_353 = tpu.memref_slice %arg12[%add3A] : memref<6144xf32, #tpu.memory_space<vmem>> -> memref<192xf32, #tpu.memory_space<vmem>>
    %dma_wait3A_354 = tpu.memref_slice %arg10[%add3A] : memref<6144xf32, #tpu.memory_space<hbm>> -> memref<192xf32, #tpu.memory_space<hbm>>
    %dma_wait3A_355 = tpu.memref_slice %arg10[%add3A] : memref<6144xf32, #tpu.memory_space<hbm>> -> memref<192xf32, #tpu.memory_space<hbm>>
    %dma_wait3A_356 = tpu.memref_slice %arg12[%add3A] : memref<6144xf32, #tpu.memory_space<vmem>> -> memref<192xf32, #tpu.memory_space<vmem>>
    tpu.wait_dma2 semaphore(%arg28 : memref<!tpu.dma_semaphore, #tpu.memory_space<semaphore_mem>>) src(%dma_wait3A_356 : memref<192xf32, #tpu.memory_space<vmem>>) dst(%dma_wait3A_355 : memref<192xf32, #tpu.memory_space<hbm>>)
    return
  }
}

module attributes {stable_mosaic.version = 14 : i64} {
  func.func @_router_body(%arg0: i32, %arg1: memref<2048x1024xf32, #tpu.memory_space<vmem>>, %arg2: memref<1024x8xf32, #tpu.memory_space<vmem>>, %arg3: memref<1024x8xf32, #tpu.memory_space<vmem>>, %arg4: memref<4096x1xi32, #tpu.memory_space<vmem>>, %arg5: memref<4096x1xf32, #tpu.memory_space<vmem>>, %arg6: memref<32x1xi32, #tpu.memory_space<vmem>>, %arg7: memref<4096x1xi32, #tpu.memory_space<vmem>>, %arg8: memref<4096x1xf32, #tpu.memory_space<vmem>>, %arg9: memref<32x1xi32, #tpu.memory_space<vmem>>, %arg10: memref<4096x8xf32, #tpu.memory_space<vmem>>, %arg11: memref<4096x1xf32, #tpu.memory_space<vmem>>, %arg12: memref<4096x8xf32, #tpu.memory_space<vmem>>) attributes {dimension_semantics = [#tpu.dimension_semantics<arbitrary>], iteration_bounds = array<i64: 1>, scalar_prefetch = 0 : i64, scratch_operands = 3 : i64, tpu.core_type = #tpu.core_type<tc>, window_params = [{pipeline_mode = #tpu.pipeline_mode<synchronous>, transform_indices = @transform_0, window_bounds = array<i64: 2048, 1024>}, {pipeline_mode = #tpu.pipeline_mode<synchronous>, transform_indices = @transform_1, window_bounds = array<i64: 1024, 8>}, {pipeline_mode = #tpu.pipeline_mode<synchronous>, transform_indices = @transform_2, window_bounds = array<i64: 1024, 8>}, {pipeline_mode = #tpu.pipeline_mode<synchronous>, transform_indices = @transform_3, window_bounds = array<i64: 4096, 1>}, {pipeline_mode = #tpu.pipeline_mode<synchronous>, transform_indices = @transform_4, window_bounds = array<i64: 4096, 1>}, {pipeline_mode = #tpu.pipeline_mode<synchronous>, transform_indices = @transform_5, window_bounds = array<i64: 32, 1>}, {pipeline_mode = #tpu.pipeline_mode<synchronous>, transform_indices = @transform_6, window_bounds = array<i64: 4096, 1>}, {pipeline_mode = #tpu.pipeline_mode<synchronous>, transform_indices = @transform_7, window_bounds = array<i64: 4096, 1>}, {pipeline_mode = #tpu.pipeline_mode<synchronous>, transform_indices = @transform_8, window_bounds = array<i64: 32, 1>}]} {
    %get3A = arith.constant 0 : index
    %get3A_0 = arith.constant 0 : index
    %get3A_1 = vector.load %arg1[%get3A, %get3A_0] : memref<2048x1024xf32, #tpu.memory_space<vmem>>, vector<2048x1024xf32>
    %convert_element_type3A = arith.truncf %get3A_1 : vector<2048x1024xf32> to vector<2048x1024xbf16>
    %get3A_2 = arith.constant 0 : index
    %get3A_3 = arith.constant 0 : index
    %get3A_4 = vector.load %arg2[%get3A_2, %get3A_3] : memref<1024x8xf32, #tpu.memory_space<vmem>>, vector<1024x8xf32>
    %convert_element_type3A_5 = arith.truncf %get3A_4 : vector<1024x8xf32> to vector<1024x8xbf16>
    %dot_general3A = arith.constant dense<0.000000e+00> : vector<2048x8xf32>
    %dot_general3A_6 = tpu.matmul %convert_element_type3A, %convert_element_type3A_5, %dot_general3A {dimension_numbers = #tpu.dot_dimension_numbers<[1], [0], [0], [1], [0, 0, 1, 1], [], []>, transpose_lhs_hint = false} : vector<2048x1024xbf16>, vector<1024x8xbf16>, vector<2048x8xf32> -> vector<2048x8xf32>
    %iota3A = tpu.iota {dimensions = array<i32: 1>} : vector<2048x8xi32>
    %convert_element_type3A_7 = arith.sitofp %iota3A : vector<2048x8xi32> to vector<2048x8xf32>
    %reduce_max3A = arith.constant dense<0xFF800000> : vector<2048xf32>
    %reduce_max3A_8 = vector.multi_reduction <maximumf>, %dot_general3A_6, %reduce_max3A [1] : vector<2048x8xf32> to vector<2048xf32>
    %broadcast_in_dim3A = vector.shape_cast %reduce_max3A_8 : vector<2048xf32> to vector<2048x1xf32>
    %eq3A = vector.broadcast %broadcast_in_dim3A : vector<2048x1xf32> to vector<2048x8xf32>
    %eq3A_9 = arith.cmpf oeq, %dot_general3A_6, %eq3A : vector<2048x8xf32>
    %jit3A = arith.constant 8.000000e+00 : f32
    %broadcast_in_dim3A_10 = vector.broadcast %jit3A : f32 to vector<2048x8xf32>
    %select_n3A = arith.select %eq3A_9, %convert_element_type3A_7, %broadcast_in_dim3A_10 : vector<2048x8xi1>, vector<2048x8xf32>
    %reduce_min3A = arith.constant dense<0x7F800000> : vector<2048xf32>
    %reduce_min3A_11 = vector.multi_reduction <minimumf>, %select_n3A, %reduce_min3A [1] : vector<2048x8xf32> to vector<2048xf32>
    %broadcast_in_dim3A_12 = vector.shape_cast %reduce_min3A_11 : vector<2048xf32> to vector<2048x1xf32>
    %eq3A_13 = vector.broadcast %broadcast_in_dim3A_12 : vector<2048x1xf32> to vector<2048x8xf32>
    %eq3A_14 = arith.cmpf oeq, %convert_element_type3A_7, %eq3A_13 : vector<2048x8xf32>
    %jit3A_15 = arith.constant -1.000000e+30 : f32
    %broadcast_in_dim3A_16 = vector.broadcast %jit3A_15 : f32 to vector<2048x8xf32>
    %select_n3A_17 = arith.select %eq3A_14, %broadcast_in_dim3A_16, %dot_general3A_6 : vector<2048x8xi1>, vector<2048x8xf32>
    %reduce_max3A_18 = arith.constant dense<0xFF800000> : vector<2048xf32>
    %reduce_max3A_19 = vector.multi_reduction <maximumf>, %select_n3A_17, %reduce_max3A_18 [1] : vector<2048x8xf32> to vector<2048xf32>
    %broadcast_in_dim3A_20 = vector.shape_cast %reduce_max3A_19 : vector<2048xf32> to vector<2048x1xf32>
    %eq3A_21 = vector.broadcast %broadcast_in_dim3A_20 : vector<2048x1xf32> to vector<2048x8xf32>
    %eq3A_22 = arith.cmpf oeq, %select_n3A_17, %eq3A_21 : vector<2048x8xf32>
    %jit3A_23 = arith.constant 8.000000e+00 : f32
    %broadcast_in_dim3A_24 = vector.broadcast %jit3A_23 : f32 to vector<2048x8xf32>
    %select_n3A_25 = arith.select %eq3A_22, %convert_element_type3A_7, %broadcast_in_dim3A_24 : vector<2048x8xi1>, vector<2048x8xf32>
    %reduce_min3A_26 = arith.constant dense<0x7F800000> : vector<2048xf32>
    %reduce_min3A_27 = vector.multi_reduction <minimumf>, %select_n3A_25, %reduce_min3A_26 [1] : vector<2048x8xf32> to vector<2048xf32>
    %broadcast_in_dim3A_28 = vector.shape_cast %reduce_min3A_27 : vector<2048xf32> to vector<2048x1xf32>
    %eq3A_29 = vector.broadcast %broadcast_in_dim3A_28 : vector<2048x1xf32> to vector<2048x8xf32>
    %eq3A_30 = arith.cmpf oeq, %convert_element_type3A_7, %eq3A_29 : vector<2048x8xf32>
    %sub3A = arith.subf %broadcast_in_dim3A_20, %broadcast_in_dim3A : vector<2048x1xf32>
    %exp3A = math.exp %sub3A : vector<2048x1xf32>
    %add3A = arith.constant 1.000000e+00 : f32
    %add3A_31 = vector.broadcast %add3A : f32 to vector<2048x1xf32>
    %add3A_32 = arith.addf %add3A_31, %exp3A : vector<2048x1xf32>
    %div3A = arith.constant 1.000000e+00 : f32
    %div3A_33 = vector.broadcast %div3A : f32 to vector<2048x1xf32>
    %div3A_34 = arith.divf %div3A_33, %add3A_32 : vector<2048x1xf32>
    %div3A_35 = arith.divf %exp3A, %add3A_32 : vector<2048x1xf32>
    %convert_element_type3A_36 = arith.extui %eq3A_14 : vector<2048x8xi1> to vector<2048x8xi32>
    %convert_element_type3A_37 = arith.sitofp %convert_element_type3A_36 : vector<2048x8xi32> to vector<2048x8xf32>
    %swap3A = arith.constant 0 : index
    %swap3A_38 = arith.constant 0 : index
    %swap3A_39 = vector.load %arg10[%swap3A, %swap3A_38] : memref<4096x8xf32, #tpu.memory_space<vmem>>, vector<2048x8xf32>
    tpu.vector_store %arg10[%swap3A, %swap3A_38], %convert_element_type3A_37 {strides = array<i32>} : memref<4096x8xf32, #tpu.memory_space<vmem>>, vector<2048x8xf32>,
    %convert_element_type3A_40 = arith.extui %eq3A_30 : vector<2048x8xi1> to vector<2048x8xi32>
    %convert_element_type3A_41 = arith.sitofp %convert_element_type3A_40 : vector<2048x8xi32> to vector<2048x8xf32>
    %swap3A_42 = arith.constant 2048 : index
    %swap3A_43 = arith.constant 0 : index
    %swap3A_44 = vector.load %arg10[%swap3A_42, %swap3A_43] : memref<4096x8xf32, #tpu.memory_space<vmem>>, vector<2048x8xf32>
    tpu.vector_store %arg10[%swap3A_42, %swap3A_43], %convert_element_type3A_41 {strides = array<i32>} : memref<4096x8xf32, #tpu.memory_space<vmem>>, vector<2048x8xf32>,
    %swap3A_45 = arith.constant 0 : index
    %swap3A_46 = arith.constant 0 : index
    %swap3A_47 = vector.load %arg11[%swap3A_45, %swap3A_46] : memref<4096x1xf32, #tpu.memory_space<vmem>>, vector<2048x1xf32>
    tpu.vector_store %arg11[%swap3A_45, %swap3A_46], %div3A_34 {strides = array<i32>} : memref<4096x1xf32, #tpu.memory_space<vmem>>, vector<2048x1xf32>,
    %swap3A_48 = arith.constant 2048 : index
    %swap3A_49 = arith.constant 0 : index
    %swap3A_50 = vector.load %arg11[%swap3A_48, %swap3A_49] : memref<4096x1xf32, #tpu.memory_space<vmem>>, vector<2048x1xf32>
    tpu.vector_store %arg11[%swap3A_48, %swap3A_49], %div3A_35 {strides = array<i32>} : memref<4096x1xf32, #tpu.memory_space<vmem>>, vector<2048x1xf32>,
    %iota3A_51 = tpu.iota {dimensions = array<i32: 0>} : vector<128x128xi32>
    %iota3A_52 = tpu.iota {dimensions = array<i32: 1>} : vector<128x128xi32>
    %lt3A = arith.cmpi slt, %iota3A_52, %iota3A_51 : vector<128x128xi32>
    %jit3A_53 = arith.constant 1.000000e+00 : f32
    %jit3A_54 = arith.constant 0.000000e+00 : f32
    %broadcast_in_dim3A_55 = vector.broadcast %jit3A_53 : f32 to vector<128x128xf32>
    %broadcast_in_dim3A_56 = vector.broadcast %jit3A_54 : f32 to vector<128x128xf32>
    %select_n3A_57 = arith.select %lt3A, %broadcast_in_dim3A_55, %broadcast_in_dim3A_56 : vector<128x128xi1>, vector<128x128xf32>
    %convert_element_type3A_58 = arith.truncf %select_n3A_57 : vector<128x128xf32> to vector<128x128xbf16>
    %broadcast_in_dim3A_59 = arith.constant 0.000000e+00 : f32
    %broadcast_in_dim3A_60 = vector.broadcast %broadcast_in_dim3A_59 : f32 to vector<1x8xf32>
    %scan3A = arith.constant 0 : i32
    %scan3A_61 = arith.constant 32 : i32
    %scan3A_62 = arith.addi %scan3A, %scan3A_61 : i32
    %scan3A_63 = arith.constant 1 : i32
    %scan3A_64 = scf.for %scan3A_274 = %scan3A to %scan3A_62 step %scan3A_63 iter_args(%scan3A_275 = %broadcast_in_dim3A_60) -> (vector<1x8xf32>)  : i32 {
      %mul3A_276 = arith.constant 128 : i32
      %mul3A_277 = arith.muli %scan3A_274, %mul3A_276 : i32
      %get3A_278 = arith.index_cast %mul3A_277 : i32 to index
      %get3A_279 = arith.constant 0 : index
      %get3A_280 = vector.load %arg10[%get3A_278, %get3A_279] : memref<4096x8xf32, #tpu.memory_space<vmem>>, vector<128x8xf32>
      %convert_element_type3A_281 = arith.truncf %get3A_280 : vector<128x8xf32> to vector<128x8xbf16>
      %dot_general3A_282 = arith.constant dense<0.000000e+00> : vector<128x8xf32>
      %dot_general3A_283 = tpu.matmul %convert_element_type3A_58, %convert_element_type3A_281, %dot_general3A_282 {dimension_numbers = #tpu.dot_dimension_numbers<[1], [0], [0], [1], [0, 0, 1, 1], [], []>, transpose_lhs_hint = false} : vector<128x128xbf16>, vector<128x8xbf16>, vector<128x8xf32> -> vector<128x8xf32>
      %add3A_284 = vector.broadcast %scan3A_275 : vector<1x8xf32> to vector<128x8xf32>
      %add3A_285 = arith.addf %dot_general3A_283, %add3A_284 : vector<128x8xf32>
      %mul3A_286 = arith.constant 128 : i32
      %mul3A_287 = arith.muli %scan3A_274, %mul3A_286 : i32
      %swap3A_288 = arith.index_cast %mul3A_287 : i32 to index
      %swap3A_289 = arith.constant 0 : index
      %swap3A_290 = vector.load %arg12[%swap3A_288, %swap3A_289] : memref<4096x8xf32, #tpu.memory_space<vmem>>, vector<128x8xf32>
      tpu.vector_store %arg12[%swap3A_288, %swap3A_289], %add3A_285 {strides = array<i32>} : memref<4096x8xf32, #tpu.memory_space<vmem>>, vector<128x8xf32>,
      %reduce_sum3A_291 = arith.constant dense<0.000000e+00> : vector<8xf32>
      %reduce_sum3A_292 = vector.multi_reduction <add>, %get3A_280, %reduce_sum3A_291 [0] : vector<128x8xf32> to vector<8xf32>
      %broadcast_in_dim3A_293 = vector.shape_cast %reduce_sum3A_292 : vector<8xf32> to vector<1x8xf32>
      %add3A_294 = arith.addf %scan3A_275, %broadcast_in_dim3A_293 : vector<1x8xf32>
      scf.yield %add3A_294 : vector<1x8xf32>
    }
    %scan3A_65 = arith.constant 32 : i32
    %add3A_66 = arith.constant 2.550000e+02 : f32
    %add3A_67 = vector.broadcast %add3A_66 : f32 to vector<1x8xf32>
    %add3A_68 = arith.addf %scan3A_64, %add3A_67 : vector<1x8xf32>
    %mul3A = arith.constant 3.906250e-03 : f32
    %mul3A_69 = vector.broadcast %mul3A : f32 to vector<1x8xf32>
    %mul3A_70 = arith.mulf %add3A_68, %mul3A_69 : vector<1x8xf32>
    %floor3A = math.floor %mul3A_70 : vector<1x8xf32>
    %mul3A_71 = arith.constant 2.560000e+02 : f32
    %mul3A_72 = vector.broadcast %mul3A_71 : f32 to vector<1x8xf32>
    %mul3A_73 = arith.mulf %floor3A, %mul3A_72 : vector<1x8xf32>
    %iota3A_74 = tpu.iota {dimensions = array<i32: 0>} : vector<8x8xi32>
    %iota3A_75 = tpu.iota {dimensions = array<i32: 1>} : vector<8x8xi32>
    %lt3A_76 = arith.cmpi slt, %iota3A_74, %iota3A_75 : vector<8x8xi32>
    %jit3A_77 = arith.constant 1.000000e+00 : f32
    %jit3A_78 = arith.constant 0.000000e+00 : f32
    %broadcast_in_dim3A_79 = vector.broadcast %jit3A_77 : f32 to vector<8x8xf32>
    %broadcast_in_dim3A_80 = vector.broadcast %jit3A_78 : f32 to vector<8x8xf32>
    %select_n3A_81 = arith.select %lt3A_76, %broadcast_in_dim3A_79, %broadcast_in_dim3A_80 : vector<8x8xi1>, vector<8x8xf32>
    %convert_element_type3A_82 = arith.truncf %select_n3A_81 : vector<8x8xf32> to vector<8x8xbf16>
    %convert_element_type3A_83 = arith.truncf %mul3A_73 : vector<1x8xf32> to vector<1x8xbf16>
    %dot_general3A_84 = arith.constant dense<0.000000e+00> : vector<1x8xf32>
    %dot_general3A_85 = tpu.matmul %convert_element_type3A_83, %convert_element_type3A_82, %dot_general3A_84 {dimension_numbers = #tpu.dot_dimension_numbers<[1], [0], [0], [1], [0, 0, 1, 1], [], []>, transpose_lhs_hint = false} : vector<1x8xbf16>, vector<8x8xbf16>, vector<1x8xf32> -> vector<1x8xf32>
    %get3A_86 = arith.constant 0 : index
    %get3A_87 = arith.constant 0 : index
    %get3A_88 = vector.load %arg12[%get3A_86, %get3A_87] : memref<4096x8xf32, #tpu.memory_space<vmem>>, vector<4096x8xf32>
    %add3A_89 = vector.broadcast %dot_general3A_85 : vector<1x8xf32> to vector<4096x8xf32>
    %add3A_90 = arith.addf %get3A_88, %add3A_89 : vector<4096x8xf32>
    %get3A_91 = arith.constant 0 : index
    %get3A_92 = arith.constant 0 : index
    %get3A_93 = vector.load %arg10[%get3A_91, %get3A_92] : memref<4096x8xf32, #tpu.memory_space<vmem>>, vector<4096x8xf32>
    %mul3A_94 = arith.mulf %add3A_90, %get3A_93 : vector<4096x8xf32>
    %reduce_sum3A = arith.constant dense<0.000000e+00> : vector<4096xf32>
    %reduce_sum3A_95 = vector.multi_reduction <add>, %mul3A_94, %reduce_sum3A [1] : vector<4096x8xf32> to vector<4096xf32>
    %broadcast_in_dim3A_96 = vector.shape_cast %reduce_sum3A_95 : vector<4096xf32> to vector<4096x1xf32>
    %convert_element_type3A_97 = arith.fptosi %broadcast_in_dim3A_96 : vector<4096x1xf32> to vector<4096x1xi32>
    %swap3A_98 = arith.constant 0 : index
    %swap3A_99 = arith.constant 0 : index
    %swap3A_100 = vector.load %arg4[%swap3A_98, %swap3A_99] : memref<4096x1xi32, #tpu.memory_space<vmem>>, vector<4096x1xi32>
    tpu.vector_store %arg4[%swap3A_98, %swap3A_99], %convert_element_type3A_97 {strides = array<i32>} : memref<4096x1xi32, #tpu.memory_space<vmem>>, vector<4096x1xi32>,
    %get3A_101 = arith.constant 0 : index
    %get3A_102 = arith.constant 0 : index
    %get3A_103 = vector.load %arg11[%get3A_101, %get3A_102] : memref<4096x1xf32, #tpu.memory_space<vmem>>, vector<4096x1xf32>
    %swap3A_104 = arith.constant 0 : index
    %swap3A_105 = arith.constant 0 : index
    %swap3A_106 = vector.load %arg5[%swap3A_104, %swap3A_105] : memref<4096x1xf32, #tpu.memory_space<vmem>>, vector<4096x1xf32>
    tpu.vector_store %arg5[%swap3A_104, %swap3A_105], %get3A_103 {strides = array<i32>} : memref<4096x1xf32, #tpu.memory_space<vmem>>, vector<4096x1xf32>,
    %iota3A_107 = tpu.iota {dimensions = array<i32: 0>} : vector<32x8xi32>
    %convert_element_type3A_108 = arith.sitofp %iota3A_107 : vector<32x8xi32> to vector<32x8xf32>
    %mul3A_109 = arith.constant 2.560000e+02 : f32
    %mul3A_110 = vector.broadcast %mul3A_109 : f32 to vector<32x8xf32>
    %mul3A_111 = arith.mulf %convert_element_type3A_108, %mul3A_110 : vector<32x8xf32>
    %add3A_112 = arith.addf %dot_general3A_85, %mul3A_73 : vector<1x8xf32>
    %ge3A = vector.broadcast %add3A_112 : vector<1x8xf32> to vector<32x8xf32>
    %ge3A_113 = arith.cmpf oge, %mul3A_111, %ge3A : vector<32x8xf32>
    %jit3A_114 = arith.constant 1.000000e+00 : f32
    %jit3A_115 = arith.constant 0.000000e+00 : f32
    %broadcast_in_dim3A_116 = vector.broadcast %jit3A_114 : f32 to vector<32x8xf32>
    %broadcast_in_dim3A_117 = vector.broadcast %jit3A_115 : f32 to vector<32x8xf32>
    %select_n3A_118 = arith.select %ge3A_113, %broadcast_in_dim3A_116, %broadcast_in_dim3A_117 : vector<32x8xi1>, vector<32x8xf32>
    %reduce_sum3A_119 = arith.constant dense<0.000000e+00> : vector<32xf32>
    %reduce_sum3A_120 = vector.multi_reduction <add>, %select_n3A_118, %reduce_sum3A_119 [1] : vector<32x8xf32> to vector<32xf32>
    %broadcast_in_dim3A_121 = vector.shape_cast %reduce_sum3A_120 : vector<32xf32> to vector<32x1xf32>
    %min3A = arith.constant 7.000000e+00 : f32
    %min3A_122 = vector.broadcast %min3A : f32 to vector<32x1xf32>
    %min3A_123 = arith.minimumf %broadcast_in_dim3A_121, %min3A_122 : vector<32x1xf32>
    %convert_element_type3A_124 = arith.fptosi %min3A_123 : vector<32x1xf32> to vector<32x1xi32>
    %swap3A_125 = arith.constant 0 : index
    %swap3A_126 = arith.constant 0 : index
    %swap3A_127 = vector.load %arg6[%swap3A_125, %swap3A_126] : memref<32x1xi32, #tpu.memory_space<vmem>>, vector<32x1xi32>
    tpu.vector_store %arg6[%swap3A_125, %swap3A_126], %convert_element_type3A_124 {strides = array<i32>} : memref<32x1xi32, #tpu.memory_space<vmem>>, vector<32x1xi32>,
    %get3A_128 = arith.constant 0 : index
    %get3A_129 = arith.constant 0 : index
    %get3A_130 = vector.load %arg3[%get3A_128, %get3A_129] : memref<1024x8xf32, #tpu.memory_space<vmem>>, vector<1024x8xf32>
    %convert_element_type3A_131 = arith.truncf %get3A_130 : vector<1024x8xf32> to vector<1024x8xbf16>
    %dot_general3A_132 = arith.constant dense<0.000000e+00> : vector<2048x8xf32>
    %dot_general3A_133 = tpu.matmul %convert_element_type3A, %convert_element_type3A_131, %dot_general3A_132 {dimension_numbers = #tpu.dot_dimension_numbers<[1], [0], [0], [1], [0, 0, 1, 1], [], []>, transpose_lhs_hint = false} : vector<2048x1024xbf16>, vector<1024x8xbf16>, vector<2048x8xf32> -> vector<2048x8xf32>
    %iota3A_134 = tpu.iota {dimensions = array<i32: 1>} : vector<2048x8xi32>
    %convert_element_type3A_135 = arith.sitofp %iota3A_134 : vector<2048x8xi32> to vector<2048x8xf32>
    %reduce_max3A_136 = arith.constant dense<0xFF800000> : vector<2048xf32>
    %reduce_max3A_137 = vector.multi_reduction <maximumf>, %dot_general3A_133, %reduce_max3A_136 [1] : vector<2048x8xf32> to vector<2048xf32>
    %broadcast_in_dim3A_138 = vector.shape_cast %reduce_max3A_137 : vector<2048xf32> to vector<2048x1xf32>
    %eq3A_139 = vector.broadcast %broadcast_in_dim3A_138 : vector<2048x1xf32> to vector<2048x8xf32>
    %eq3A_140 = arith.cmpf oeq, %dot_general3A_133, %eq3A_139 : vector<2048x8xf32>
    %jit3A_141 = arith.constant 8.000000e+00 : f32
    %broadcast_in_dim3A_142 = vector.broadcast %jit3A_141 : f32 to vector<2048x8xf32>
    %select_n3A_143 = arith.select %eq3A_140, %convert_element_type3A_135, %broadcast_in_dim3A_142 : vector<2048x8xi1>, vector<2048x8xf32>
    %reduce_min3A_144 = arith.constant dense<0x7F800000> : vector<2048xf32>
    %reduce_min3A_145 = vector.multi_reduction <minimumf>, %select_n3A_143, %reduce_min3A_144 [1] : vector<2048x8xf32> to vector<2048xf32>
    %broadcast_in_dim3A_146 = vector.shape_cast %reduce_min3A_145 : vector<2048xf32> to vector<2048x1xf32>
    %eq3A_147 = vector.broadcast %broadcast_in_dim3A_146 : vector<2048x1xf32> to vector<2048x8xf32>
    %eq3A_148 = arith.cmpf oeq, %convert_element_type3A_135, %eq3A_147 : vector<2048x8xf32>
    %jit3A_149 = arith.constant -1.000000e+30 : f32
    %broadcast_in_dim3A_150 = vector.broadcast %jit3A_149 : f32 to vector<2048x8xf32>
    %select_n3A_151 = arith.select %eq3A_148, %broadcast_in_dim3A_150, %dot_general3A_133 : vector<2048x8xi1>, vector<2048x8xf32>
    %reduce_max3A_152 = arith.constant dense<0xFF800000> : vector<2048xf32>
    %reduce_max3A_153 = vector.multi_reduction <maximumf>, %select_n3A_151, %reduce_max3A_152 [1] : vector<2048x8xf32> to vector<2048xf32>
    %broadcast_in_dim3A_154 = vector.shape_cast %reduce_max3A_153 : vector<2048xf32> to vector<2048x1xf32>
    %eq3A_155 = vector.broadcast %broadcast_in_dim3A_154 : vector<2048x1xf32> to vector<2048x8xf32>
    %eq3A_156 = arith.cmpf oeq, %select_n3A_151, %eq3A_155 : vector<2048x8xf32>
    %jit3A_157 = arith.constant 8.000000e+00 : f32
    %broadcast_in_dim3A_158 = vector.broadcast %jit3A_157 : f32 to vector<2048x8xf32>
    %select_n3A_159 = arith.select %eq3A_156, %convert_element_type3A_135, %broadcast_in_dim3A_158 : vector<2048x8xi1>, vector<2048x8xf32>
    %reduce_min3A_160 = arith.constant dense<0x7F800000> : vector<2048xf32>
    %reduce_min3A_161 = vector.multi_reduction <minimumf>, %select_n3A_159, %reduce_min3A_160 [1] : vector<2048x8xf32> to vector<2048xf32>
    %broadcast_in_dim3A_162 = vector.shape_cast %reduce_min3A_161 : vector<2048xf32> to vector<2048x1xf32>
    %eq3A_163 = vector.broadcast %broadcast_in_dim3A_162 : vector<2048x1xf32> to vector<2048x8xf32>
    %eq3A_164 = arith.cmpf oeq, %convert_element_type3A_135, %eq3A_163 : vector<2048x8xf32>
    %sub3A_165 = arith.subf %broadcast_in_dim3A_154, %broadcast_in_dim3A_138 : vector<2048x1xf32>
    %exp3A_166 = math.exp %sub3A_165 : vector<2048x1xf32>
    %add3A_167 = arith.constant 1.000000e+00 : f32
    %add3A_168 = vector.broadcast %add3A_167 : f32 to vector<2048x1xf32>
    %add3A_169 = arith.addf %add3A_168, %exp3A_166 : vector<2048x1xf32>
    %div3A_170 = arith.constant 1.000000e+00 : f32
    %div3A_171 = vector.broadcast %div3A_170 : f32 to vector<2048x1xf32>
    %div3A_172 = arith.divf %div3A_171, %add3A_169 : vector<2048x1xf32>
    %div3A_173 = arith.divf %exp3A_166, %add3A_169 : vector<2048x1xf32>
    %convert_element_type3A_174 = arith.extui %eq3A_148 : vector<2048x8xi1> to vector<2048x8xi32>
    %convert_element_type3A_175 = arith.sitofp %convert_element_type3A_174 : vector<2048x8xi32> to vector<2048x8xf32>
    %swap3A_176 = arith.constant 0 : index
    %swap3A_177 = arith.constant 0 : index
    %swap3A_178 = vector.load %arg10[%swap3A_176, %swap3A_177] : memref<4096x8xf32, #tpu.memory_space<vmem>>, vector<2048x8xf32>
    tpu.vector_store %arg10[%swap3A_176, %swap3A_177], %convert_element_type3A_175 {strides = array<i32>} : memref<4096x8xf32, #tpu.memory_space<vmem>>, vector<2048x8xf32>,
    %convert_element_type3A_179 = arith.extui %eq3A_164 : vector<2048x8xi1> to vector<2048x8xi32>
    %convert_element_type3A_180 = arith.sitofp %convert_element_type3A_179 : vector<2048x8xi32> to vector<2048x8xf32>
    %swap3A_181 = arith.constant 2048 : index
    %swap3A_182 = arith.constant 0 : index
    %swap3A_183 = vector.load %arg10[%swap3A_181, %swap3A_182] : memref<4096x8xf32, #tpu.memory_space<vmem>>, vector<2048x8xf32>
    tpu.vector_store %arg10[%swap3A_181, %swap3A_182], %convert_element_type3A_180 {strides = array<i32>} : memref<4096x8xf32, #tpu.memory_space<vmem>>, vector<2048x8xf32>,
    %swap3A_184 = arith.constant 0 : index
    %swap3A_185 = arith.constant 0 : index
    %swap3A_186 = vector.load %arg11[%swap3A_184, %swap3A_185] : memref<4096x1xf32, #tpu.memory_space<vmem>>, vector<2048x1xf32>
    tpu.vector_store %arg11[%swap3A_184, %swap3A_185], %div3A_172 {strides = array<i32>} : memref<4096x1xf32, #tpu.memory_space<vmem>>, vector<2048x1xf32>,
    %swap3A_187 = arith.constant 2048 : index
    %swap3A_188 = arith.constant 0 : index
    %swap3A_189 = vector.load %arg11[%swap3A_187, %swap3A_188] : memref<4096x1xf32, #tpu.memory_space<vmem>>, vector<2048x1xf32>
    tpu.vector_store %arg11[%swap3A_187, %swap3A_188], %div3A_173 {strides = array<i32>} : memref<4096x1xf32, #tpu.memory_space<vmem>>, vector<2048x1xf32>,
    %iota3A_190 = tpu.iota {dimensions = array<i32: 0>} : vector<128x128xi32>
    %iota3A_191 = tpu.iota {dimensions = array<i32: 1>} : vector<128x128xi32>
    %lt3A_192 = arith.cmpi slt, %iota3A_191, %iota3A_190 : vector<128x128xi32>
    %jit3A_193 = arith.constant 1.000000e+00 : f32
    %jit3A_194 = arith.constant 0.000000e+00 : f32
    %broadcast_in_dim3A_195 = vector.broadcast %jit3A_193 : f32 to vector<128x128xf32>
    %broadcast_in_dim3A_196 = vector.broadcast %jit3A_194 : f32 to vector<128x128xf32>
    %select_n3A_197 = arith.select %lt3A_192, %broadcast_in_dim3A_195, %broadcast_in_dim3A_196 : vector<128x128xi1>, vector<128x128xf32>
    %convert_element_type3A_198 = arith.truncf %select_n3A_197 : vector<128x128xf32> to vector<128x128xbf16>
    %broadcast_in_dim3A_199 = arith.constant 0.000000e+00 : f32
    %broadcast_in_dim3A_200 = vector.broadcast %broadcast_in_dim3A_199 : f32 to vector<1x8xf32>
    %scan3A_201 = arith.constant 0 : i32
    %scan3A_202 = arith.constant 32 : i32
    %scan3A_203 = arith.addi %scan3A_201, %scan3A_202 : i32
    %scan3A_204 = arith.constant 1 : i32
    %scan3A_205 = scf.for %scan3A_274 = %scan3A_201 to %scan3A_203 step %scan3A_204 iter_args(%scan3A_275 = %broadcast_in_dim3A_200) -> (vector<1x8xf32>)  : i32 {
      %mul3A_276 = arith.constant 128 : i32
      %mul3A_277 = arith.muli %scan3A_274, %mul3A_276 : i32
      %get3A_278 = arith.index_cast %mul3A_277 : i32 to index
      %get3A_279 = arith.constant 0 : index
      %get3A_280 = vector.load %arg10[%get3A_278, %get3A_279] : memref<4096x8xf32, #tpu.memory_space<vmem>>, vector<128x8xf32>
      %convert_element_type3A_281 = arith.truncf %get3A_280 : vector<128x8xf32> to vector<128x8xbf16>
      %dot_general3A_282 = arith.constant dense<0.000000e+00> : vector<128x8xf32>
      %dot_general3A_283 = tpu.matmul %convert_element_type3A_198, %convert_element_type3A_281, %dot_general3A_282 {dimension_numbers = #tpu.dot_dimension_numbers<[1], [0], [0], [1], [0, 0, 1, 1], [], []>, transpose_lhs_hint = false} : vector<128x128xbf16>, vector<128x8xbf16>, vector<128x8xf32> -> vector<128x8xf32>
      %add3A_284 = vector.broadcast %scan3A_275 : vector<1x8xf32> to vector<128x8xf32>
      %add3A_285 = arith.addf %dot_general3A_283, %add3A_284 : vector<128x8xf32>
      %mul3A_286 = arith.constant 128 : i32
      %mul3A_287 = arith.muli %scan3A_274, %mul3A_286 : i32
      %swap3A_288 = arith.index_cast %mul3A_287 : i32 to index
      %swap3A_289 = arith.constant 0 : index
      %swap3A_290 = vector.load %arg12[%swap3A_288, %swap3A_289] : memref<4096x8xf32, #tpu.memory_space<vmem>>, vector<128x8xf32>
      tpu.vector_store %arg12[%swap3A_288, %swap3A_289], %add3A_285 {strides = array<i32>} : memref<4096x8xf32, #tpu.memory_space<vmem>>, vector<128x8xf32>,
      %reduce_sum3A_291 = arith.constant dense<0.000000e+00> : vector<8xf32>
      %reduce_sum3A_292 = vector.multi_reduction <add>, %get3A_280, %reduce_sum3A_291 [0] : vector<128x8xf32> to vector<8xf32>
      %broadcast_in_dim3A_293 = vector.shape_cast %reduce_sum3A_292 : vector<8xf32> to vector<1x8xf32>
      %add3A_294 = arith.addf %scan3A_275, %broadcast_in_dim3A_293 : vector<1x8xf32>
      scf.yield %add3A_294 : vector<1x8xf32>
    }
    %scan3A_206 = arith.constant 32 : i32
    %add3A_207 = arith.constant 2.550000e+02 : f32
    %add3A_208 = vector.broadcast %add3A_207 : f32 to vector<1x8xf32>
    %add3A_209 = arith.addf %scan3A_205, %add3A_208 : vector<1x8xf32>
    %mul3A_210 = arith.constant 3.906250e-03 : f32
    %mul3A_211 = vector.broadcast %mul3A_210 : f32 to vector<1x8xf32>
    %mul3A_212 = arith.mulf %add3A_209, %mul3A_211 : vector<1x8xf32>
    %floor3A_213 = math.floor %mul3A_212 : vector<1x8xf32>
    %mul3A_214 = arith.constant 2.560000e+02 : f32
    %mul3A_215 = vector.broadcast %mul3A_214 : f32 to vector<1x8xf32>
    %mul3A_216 = arith.mulf %floor3A_213, %mul3A_215 : vector<1x8xf32>
    %iota3A_217 = tpu.iota {dimensions = array<i32: 0>} : vector<8x8xi32>
    %iota3A_218 = tpu.iota {dimensions = array<i32: 1>} : vector<8x8xi32>
    %lt3A_219 = arith.cmpi slt, %iota3A_217, %iota3A_218 : vector<8x8xi32>
    %jit3A_220 = arith.constant 1.000000e+00 : f32
    %jit3A_221 = arith.constant 0.000000e+00 : f32
    %broadcast_in_dim3A_222 = vector.broadcast %jit3A_220 : f32 to vector<8x8xf32>
    %broadcast_in_dim3A_223 = vector.broadcast %jit3A_221 : f32 to vector<8x8xf32>
    %select_n3A_224 = arith.select %lt3A_219, %broadcast_in_dim3A_222, %broadcast_in_dim3A_223 : vector<8x8xi1>, vector<8x8xf32>
    %convert_element_type3A_225 = arith.truncf %select_n3A_224 : vector<8x8xf32> to vector<8x8xbf16>
    %convert_element_type3A_226 = arith.truncf %mul3A_216 : vector<1x8xf32> to vector<1x8xbf16>
    %dot_general3A_227 = arith.constant dense<0.000000e+00> : vector<1x8xf32>
    %dot_general3A_228 = tpu.matmul %convert_element_type3A_226, %convert_element_type3A_225, %dot_general3A_227 {dimension_numbers = #tpu.dot_dimension_numbers<[1], [0], [0], [1], [0, 0, 1, 1], [], []>, transpose_lhs_hint = false} : vector<1x8xbf16>, vector<8x8xbf16>, vector<1x8xf32> -> vector<1x8xf32>
    %get3A_229 = arith.constant 0 : index
    %get3A_230 = arith.constant 0 : index
    %get3A_231 = vector.load %arg12[%get3A_229, %get3A_230] : memref<4096x8xf32, #tpu.memory_space<vmem>>, vector<4096x8xf32>
    %add3A_232 = vector.broadcast %dot_general3A_228 : vector<1x8xf32> to vector<4096x8xf32>
    %add3A_233 = arith.addf %get3A_231, %add3A_232 : vector<4096x8xf32>
    %get3A_234 = arith.constant 0 : index
    %get3A_235 = arith.constant 0 : index
    %get3A_236 = vector.load %arg10[%get3A_234, %get3A_235] : memref<4096x8xf32, #tpu.memory_space<vmem>>, vector<4096x8xf32>
    %mul3A_237 = arith.mulf %add3A_233, %get3A_236 : vector<4096x8xf32>
    %reduce_sum3A_238 = arith.constant dense<0.000000e+00> : vector<4096xf32>
    %reduce_sum3A_239 = vector.multi_reduction <add>, %mul3A_237, %reduce_sum3A_238 [1] : vector<4096x8xf32> to vector<4096xf32>
    %broadcast_in_dim3A_240 = vector.shape_cast %reduce_sum3A_239 : vector<4096xf32> to vector<4096x1xf32>
    %convert_element_type3A_241 = arith.fptosi %broadcast_in_dim3A_240 : vector<4096x1xf32> to vector<4096x1xi32>
    %swap3A_242 = arith.constant 0 : index
    %swap3A_243 = arith.constant 0 : index
    %swap3A_244 = vector.load %arg7[%swap3A_242, %swap3A_243] : memref<4096x1xi32, #tpu.memory_space<vmem>>, vector<4096x1xi32>
    tpu.vector_store %arg7[%swap3A_242, %swap3A_243], %convert_element_type3A_241 {strides = array<i32>} : memref<4096x1xi32, #tpu.memory_space<vmem>>, vector<4096x1xi32>,
    %get3A_245 = arith.constant 0 : index
    %get3A_246 = arith.constant 0 : index
    %get3A_247 = vector.load %arg11[%get3A_245, %get3A_246] : memref<4096x1xf32, #tpu.memory_space<vmem>>, vector<4096x1xf32>
    %swap3A_248 = arith.constant 0 : index
    %swap3A_249 = arith.constant 0 : index
    %swap3A_250 = vector.load %arg8[%swap3A_248, %swap3A_249] : memref<4096x1xf32, #tpu.memory_space<vmem>>, vector<4096x1xf32>
    tpu.vector_store %arg8[%swap3A_248, %swap3A_249], %get3A_247 {strides = array<i32>} : memref<4096x1xf32, #tpu.memory_space<vmem>>, vector<4096x1xf32>,
    %iota3A_251 = tpu.iota {dimensions = array<i32: 0>} : vector<32x8xi32>
    %convert_element_type3A_252 = arith.sitofp %iota3A_251 : vector<32x8xi32> to vector<32x8xf32>
    %mul3A_253 = arith.constant 2.560000e+02 : f32
    %mul3A_254 = vector.broadcast %mul3A_253 : f32 to vector<32x8xf32>
    %mul3A_255 = arith.mulf %convert_element_type3A_252, %mul3A_254 : vector<32x8xf32>
    %add3A_256 = arith.addf %dot_general3A_228, %mul3A_216 : vector<1x8xf32>
    %ge3A_257 = vector.broadcast %add3A_256 : vector<1x8xf32> to vector<32x8xf32>
    %ge3A_258 = arith.cmpf oge, %mul3A_255, %ge3A_257 : vector<32x8xf32>
    %jit3A_259 = arith.constant 1.000000e+00 : f32
    %jit3A_260 = arith.constant 0.000000e+00 : f32
    %broadcast_in_dim3A_261 = vector.broadcast %jit3A_259 : f32 to vector<32x8xf32>
    %broadcast_in_dim3A_262 = vector.broadcast %jit3A_260 : f32 to vector<32x8xf32>
    %select_n3A_263 = arith.select %ge3A_258, %broadcast_in_dim3A_261, %broadcast_in_dim3A_262 : vector<32x8xi1>, vector<32x8xf32>
    %reduce_sum3A_264 = arith.constant dense<0.000000e+00> : vector<32xf32>
    %reduce_sum3A_265 = vector.multi_reduction <add>, %select_n3A_263, %reduce_sum3A_264 [1] : vector<32x8xf32> to vector<32xf32>
    %broadcast_in_dim3A_266 = vector.shape_cast %reduce_sum3A_265 : vector<32xf32> to vector<32x1xf32>
    %min3A_267 = arith.constant 7.000000e+00 : f32
    %min3A_268 = vector.broadcast %min3A_267 : f32 to vector<32x1xf32>
    %min3A_269 = arith.minimumf %broadcast_in_dim3A_266, %min3A_268 : vector<32x1xf32>
    %convert_element_type3A_270 = arith.fptosi %min3A_269 : vector<32x1xf32> to vector<32x1xi32>
    %swap3A_271 = arith.constant 0 : index
    %swap3A_272 = arith.constant 0 : index
    %swap3A_273 = vector.load %arg9[%swap3A_271, %swap3A_272] : memref<32x1xi32, #tpu.memory_space<vmem>>, vector<32x1xi32>
    tpu.vector_store %arg9[%swap3A_271, %swap3A_272], %convert_element_type3A_270 {strides = array<i32>} : memref<32x1xi32, #tpu.memory_space<vmem>>, vector<32x1xi32>,
    return
  }
  func.func @transform_0(%arg0: i32) -> (i32, i32) {
    %c0_i32 = arith.constant 0 : i32
    %c0_i32_0 = arith.constant 0 : i32
    %c0_i32_1 = arith.constant 0 : i32
    return %c0_i32, %c0_i32_0 : i32, i32
  }
  func.func @transform_1(%arg0: i32) -> (i32, i32) {
    %c0_i32 = arith.constant 0 : i32
    %c0_i32_0 = arith.constant 0 : i32
    %c0_i32_1 = arith.constant 0 : i32
    return %c0_i32, %c0_i32_0 : i32, i32
  }
  func.func @transform_2(%arg0: i32) -> (i32, i32) {
    %c0_i32 = arith.constant 0 : i32
    %c0_i32_0 = arith.constant 0 : i32
    %c0_i32_1 = arith.constant 0 : i32
    return %c0_i32, %c0_i32_0 : i32, i32
  }
  func.func @transform_3(%arg0: i32) -> (i32, i32) {
    %c0_i32 = arith.constant 0 : i32
    %c0_i32_0 = arith.constant 0 : i32
    %c0_i32_1 = arith.constant 0 : i32
    return %c0_i32, %c0_i32_0 : i32, i32
  }
  func.func @transform_4(%arg0: i32) -> (i32, i32) {
    %c0_i32 = arith.constant 0 : i32
    %c0_i32_0 = arith.constant 0 : i32
    %c0_i32_1 = arith.constant 0 : i32
    return %c0_i32, %c0_i32_0 : i32, i32
  }
  func.func @transform_5(%arg0: i32) -> (i32, i32) {
    %c0_i32 = arith.constant 0 : i32
    %c0_i32_0 = arith.constant 0 : i32
    %c0_i32_1 = arith.constant 0 : i32
    return %c0_i32, %c0_i32_0 : i32, i32
  }
  func.func @transform_6(%arg0: i32) -> (i32, i32) {
    %c0_i32 = arith.constant 0 : i32
    %c0_i32_0 = arith.constant 0 : i32
    %c0_i32_1 = arith.constant 0 : i32
    return %c0_i32, %c0_i32_0 : i32, i32
  }
  func.func @transform_7(%arg0: i32) -> (i32, i32) {
    %c0_i32 = arith.constant 0 : i32
    %c0_i32_0 = arith.constant 0 : i32
    %c0_i32_1 = arith.constant 0 : i32
    return %c0_i32, %c0_i32_0 : i32, i32
  }
  func.func @transform_8(%arg0: i32) -> (i32, i32) {
    %c0_i32 = arith.constant 0 : i32
    %c0_i32_0 = arith.constant 0 : i32
    %c0_i32_1 = arith.constant 0 : i32
    return %c0_i32, %c0_i32_0 : i32, i32
  }
}

module attributes {stable_mosaic.version = 14 : i64} {
  func.func @_mm_body(%arg0: i32, %arg1: memref<24xi32, #tpu.memory_space<smem>>, %arg2: memref<256x1024xf32, #tpu.memory_space<vmem>>, %arg3: memref<1x1024x1024xf32, #tpu.memory_space<vmem>>, %arg4: memref<1x1x1024xf32, #tpu.memory_space<vmem>>, %arg5: memref<1x1024x128xf32, #tpu.memory_space<vmem>>, %arg6: memref<1x1x128xf32, #tpu.memory_space<vmem>>, %arg7: memref<256x1xf32, #tpu.memory_space<vmem>>, %arg8: memref<256x128xf32, #tpu.memory_space<vmem>>) attributes {dimension_semantics = [#tpu.dimension_semantics<arbitrary>], iteration_bounds = array<i64: 24>, scalar_prefetch = 1 : i64, scratch_operands = 0 : i64, tpu.core_type = #tpu.core_type<tc>, window_params = [{transform_indices = @transform_0, window_bounds = array<i64: 256, 1024>}, {transform_indices = @transform_1, window_bounds = array<i64: 1, 1024, 1024>}, {transform_indices = @transform_2, window_bounds = array<i64: 1, 1, 1024>}, {transform_indices = @transform_3, window_bounds = array<i64: 1, 1024, 128>}, {transform_indices = @transform_4, window_bounds = array<i64: 1, 1, 128>}, {transform_indices = @transform_5, window_bounds = array<i64: 256, 1>}, {transform_indices = @transform_6, window_bounds = array<i64: 256, 128>}]} {
    %get3A = arith.constant 0 : index
    %get3A_0 = arith.constant 0 : index
    %get3A_1 = vector.load %arg2[%get3A, %get3A_0] : memref<256x1024xf32, #tpu.memory_space<vmem>>, vector<256x1024xf32>
    %convert_element_type3A = arith.truncf %get3A_1 : vector<256x1024xf32> to vector<256x1024xbf16>
    %get3A_2 = arith.constant 0 : index
    %get3A_3 = arith.constant 0 : index
    %get3A_4 = arith.constant 0 : index
    %get3A_5 = vector.load %arg3[%get3A_2, %get3A_3, %get3A_4] : memref<1x1024x1024xf32, #tpu.memory_space<vmem>>, vector<1x1024x1024xf32>
    %get3A_6 = vector.shape_cast %get3A_5 : vector<1x1024x1024xf32> to vector<1024x1024xf32>
    %convert_element_type3A_7 = arith.truncf %get3A_6 : vector<1024x1024xf32> to vector<1024x1024xbf16>
    %dot_general3A = arith.constant dense<0.000000e+00> : vector<256x1024xf32>
    %dot_general3A_8 = tpu.matmul %convert_element_type3A, %convert_element_type3A_7, %dot_general3A {dimension_numbers = #tpu.dot_dimension_numbers<[1], [0], [0], [1], [0, 0, 1, 1], [], []>, transpose_lhs_hint = false} : vector<256x1024xbf16>, vector<1024x1024xbf16>, vector<256x1024xf32> -> vector<256x1024xf32>
    %get3A_9 = arith.constant 0 : index
    %get3A_10 = arith.constant 0 : index
    %get3A_11 = arith.constant 0 : index
    %get3A_12 = vector.load %arg4[%get3A_9, %get3A_10, %get3A_11] : memref<1x1x1024xf32, #tpu.memory_space<vmem>>, vector<1x1x1024xf32>
    %get3A_13 = vector.shape_cast %get3A_12 : vector<1x1x1024xf32> to vector<1x1024xf32>
    %add3A = vector.broadcast %get3A_13 : vector<1x1024xf32> to vector<256x1024xf32>
    %add3A_14 = arith.addf %dot_general3A_8, %add3A : vector<256x1024xf32>
    %max3A = arith.constant 0.000000e+00 : f32
    %max3A_15 = vector.broadcast %max3A : f32 to vector<256x1024xf32>
    %max3A_16 = arith.maximumf %add3A_14, %max3A_15 : vector<256x1024xf32>
    %convert_element_type3A_17 = arith.truncf %max3A_16 : vector<256x1024xf32> to vector<256x1024xbf16>
    %get3A_18 = arith.constant 0 : index
    %get3A_19 = arith.constant 0 : index
    %get3A_20 = arith.constant 0 : index
    %get3A_21 = vector.load %arg5[%get3A_18, %get3A_19, %get3A_20] : memref<1x1024x128xf32, #tpu.memory_space<vmem>>, vector<1x1024x128xf32>
    %get3A_22 = vector.shape_cast %get3A_21 : vector<1x1024x128xf32> to vector<1024x128xf32>
    %convert_element_type3A_23 = arith.truncf %get3A_22 : vector<1024x128xf32> to vector<1024x128xbf16>
    %dot_general3A_24 = arith.constant dense<0.000000e+00> : vector<256x128xf32>
    %dot_general3A_25 = tpu.matmul %convert_element_type3A_17, %convert_element_type3A_23, %dot_general3A_24 {dimension_numbers = #tpu.dot_dimension_numbers<[1], [0], [0], [1], [0, 0, 1, 1], [], []>, transpose_lhs_hint = false} : vector<256x1024xbf16>, vector<1024x128xbf16>, vector<256x128xf32> -> vector<256x128xf32>
    %get3A_26 = arith.constant 0 : index
    %get3A_27 = arith.constant 0 : index
    %get3A_28 = arith.constant 0 : index
    %get3A_29 = vector.load %arg6[%get3A_26, %get3A_27, %get3A_28] : memref<1x1x128xf32, #tpu.memory_space<vmem>>, vector<1x1x128xf32>
    %get3A_30 = vector.shape_cast %get3A_29 : vector<1x1x128xf32> to vector<1x128xf32>
    %add3A_31 = vector.broadcast %get3A_30 : vector<1x128xf32> to vector<256x128xf32>
    %add3A_32 = arith.addf %dot_general3A_25, %add3A_31 : vector<256x128xf32>
    %get3A_33 = arith.constant 0 : index
    %get3A_34 = arith.constant 0 : index
    %get3A_35 = vector.load %arg7[%get3A_33, %get3A_34] : memref<256x1xf32, #tpu.memory_space<vmem>>, vector<256x1xf32>
    %mul3A = vector.broadcast %get3A_35 : vector<256x1xf32> to vector<256x128xf32>
    %mul3A_36 = arith.mulf %add3A_32, %mul3A : vector<256x128xf32>
    %swap3A = arith.constant 0 : index
    %swap3A_37 = arith.constant 0 : index
    %swap3A_38 = vector.load %arg8[%swap3A, %swap3A_37] : memref<256x128xf32, #tpu.memory_space<vmem>>, vector<256x128xf32>
    tpu.vector_store %arg8[%swap3A, %swap3A_37], %mul3A_36 {strides = array<i32>} : memref<256x128xf32, #tpu.memory_space<vmem>>, vector<256x128xf32>,
    return
  }
  func.func @transform_0(%arg0: i32, %arg1: memref<24xi32, #tpu.memory_space<smem>>) -> (i32, i32) {
    %c0_i32 = arith.constant 0 : i32
    %c0_i32_0 = arith.constant 0 : i32
    return %arg0, %c0_i32 : i32, i32
  }
  func.func @transform_1(%arg0: i32, %arg1: memref<24xi32, #tpu.memory_space<smem>>) -> (i32, i32, i32) {
    %get3A = arith.index_cast %arg0 : i32 to index
    %get3A_0 = memref.load %arg1[%get3A] : memref<24xi32, #tpu.memory_space<smem>>
    %c0_i32 = arith.constant 0 : i32
    %c0_i32_1 = arith.constant 0 : i32
    %c0_i32_2 = arith.constant 0 : i32
    return %get3A_0, %c0_i32, %c0_i32_1 : i32, i32, i32
  }
  func.func @transform_2(%arg0: i32, %arg1: memref<24xi32, #tpu.memory_space<smem>>) -> (i32, i32, i32) {
    %get3A = arith.index_cast %arg0 : i32 to index
    %get3A_0 = memref.load %arg1[%get3A] : memref<24xi32, #tpu.memory_space<smem>>
    %c0_i32 = arith.constant 0 : i32
    %c0_i32_1 = arith.constant 0 : i32
    %c0_i32_2 = arith.constant 0 : i32
    return %get3A_0, %c0_i32, %c0_i32_1 : i32, i32, i32
  }
  func.func @transform_3(%arg0: i32, %arg1: memref<24xi32, #tpu.memory_space<smem>>) -> (i32, i32, i32) {
    %get3A = arith.index_cast %arg0 : i32 to index
    %get3A_0 = memref.load %arg1[%get3A] : memref<24xi32, #tpu.memory_space<smem>>
    %c0_i32 = arith.constant 0 : i32
    %c0_i32_1 = arith.constant 0 : i32
    %c0_i32_2 = arith.constant 0 : i32
    return %get3A_0, %c0_i32, %c0_i32_1 : i32, i32, i32
  }
  func.func @transform_4(%arg0: i32, %arg1: memref<24xi32, #tpu.memory_space<smem>>) -> (i32, i32, i32) {
    %get3A = arith.index_cast %arg0 : i32 to index
    %get3A_0 = memref.load %arg1[%get3A] : memref<24xi32, #tpu.memory_space<smem>>
    %c0_i32 = arith.constant 0 : i32
    %c0_i32_1 = arith.constant 0 : i32
    %c0_i32_2 = arith.constant 0 : i32
    return %get3A_0, %c0_i32, %c0_i32_1 : i32, i32, i32
  }
  func.func @transform_5(%arg0: i32, %arg1: memref<24xi32, #tpu.memory_space<smem>>) -> (i32, i32) {
    %c0_i32 = arith.constant 0 : i32
    %c0_i32_0 = arith.constant 0 : i32
    return %arg0, %c0_i32 : i32, i32
  }
  func.func @transform_6(%arg0: i32, %arg1: memref<24xi32, #tpu.memory_space<smem>>) -> (i32, i32) {
    %c0_i32 = arith.constant 0 : i32
    %c0_i32_0 = arith.constant 0 : i32
    return %arg0, %c0_i32 : i32, i32
  }
}

module attributes {stable_mosaic.version = 14 : i64} {
  func.func @_mm_body(%arg0: i32, %arg1: memref<24xi32, #tpu.memory_space<smem>>, %arg2: memref<256x1024xf32, #tpu.memory_space<vmem>>, %arg3: memref<1x1024x1024xf32, #tpu.memory_space<vmem>>, %arg4: memref<1x1x1024xf32, #tpu.memory_space<vmem>>, %arg5: memref<1x1024x256xf32, #tpu.memory_space<vmem>>, %arg6: memref<1x1x256xf32, #tpu.memory_space<vmem>>, %arg7: memref<256x1xf32, #tpu.memory_space<vmem>>, %arg8: memref<256x256xf32, #tpu.memory_space<vmem>>) attributes {dimension_semantics = [#tpu.dimension_semantics<arbitrary>], iteration_bounds = array<i64: 24>, scalar_prefetch = 1 : i64, scratch_operands = 0 : i64, tpu.core_type = #tpu.core_type<tc>, window_params = [{transform_indices = @transform_0, window_bounds = array<i64: 256, 1024>}, {transform_indices = @transform_1, window_bounds = array<i64: 1, 1024, 1024>}, {transform_indices = @transform_2, window_bounds = array<i64: 1, 1, 1024>}, {transform_indices = @transform_3, window_bounds = array<i64: 1, 1024, 256>}, {transform_indices = @transform_4, window_bounds = array<i64: 1, 1, 256>}, {transform_indices = @transform_5, window_bounds = array<i64: 256, 1>}, {transform_indices = @transform_6, window_bounds = array<i64: 256, 256>}]} {
    %get3A = arith.constant 0 : index
    %get3A_0 = arith.constant 0 : index
    %get3A_1 = vector.load %arg2[%get3A, %get3A_0] : memref<256x1024xf32, #tpu.memory_space<vmem>>, vector<256x1024xf32>
    %convert_element_type3A = arith.truncf %get3A_1 : vector<256x1024xf32> to vector<256x1024xbf16>
    %get3A_2 = arith.constant 0 : index
    %get3A_3 = arith.constant 0 : index
    %get3A_4 = arith.constant 0 : index
    %get3A_5 = vector.load %arg3[%get3A_2, %get3A_3, %get3A_4] : memref<1x1024x1024xf32, #tpu.memory_space<vmem>>, vector<1x1024x1024xf32>
    %get3A_6 = vector.shape_cast %get3A_5 : vector<1x1024x1024xf32> to vector<1024x1024xf32>
    %convert_element_type3A_7 = arith.truncf %get3A_6 : vector<1024x1024xf32> to vector<1024x1024xbf16>
    %dot_general3A = arith.constant dense<0.000000e+00> : vector<256x1024xf32>
    %dot_general3A_8 = tpu.matmul %convert_element_type3A, %convert_element_type3A_7, %dot_general3A {dimension_numbers = #tpu.dot_dimension_numbers<[1], [0], [0], [1], [0, 0, 1, 1], [], []>, transpose_lhs_hint = false} : vector<256x1024xbf16>, vector<1024x1024xbf16>, vector<256x1024xf32> -> vector<256x1024xf32>
    %get3A_9 = arith.constant 0 : index
    %get3A_10 = arith.constant 0 : index
    %get3A_11 = arith.constant 0 : index
    %get3A_12 = vector.load %arg4[%get3A_9, %get3A_10, %get3A_11] : memref<1x1x1024xf32, #tpu.memory_space<vmem>>, vector<1x1x1024xf32>
    %get3A_13 = vector.shape_cast %get3A_12 : vector<1x1x1024xf32> to vector<1x1024xf32>
    %add3A = vector.broadcast %get3A_13 : vector<1x1024xf32> to vector<256x1024xf32>
    %add3A_14 = arith.addf %dot_general3A_8, %add3A : vector<256x1024xf32>
    %max3A = arith.constant 0.000000e+00 : f32
    %max3A_15 = vector.broadcast %max3A : f32 to vector<256x1024xf32>
    %max3A_16 = arith.maximumf %add3A_14, %max3A_15 : vector<256x1024xf32>
    %convert_element_type3A_17 = arith.truncf %max3A_16 : vector<256x1024xf32> to vector<256x1024xbf16>
    %get3A_18 = arith.constant 0 : index
    %get3A_19 = arith.constant 0 : index
    %get3A_20 = arith.constant 0 : index
    %get3A_21 = vector.load %arg5[%get3A_18, %get3A_19, %get3A_20] : memref<1x1024x256xf32, #tpu.memory_space<vmem>>, vector<1x1024x256xf32>
    %get3A_22 = vector.shape_cast %get3A_21 : vector<1x1024x256xf32> to vector<1024x256xf32>
    %convert_element_type3A_23 = arith.truncf %get3A_22 : vector<1024x256xf32> to vector<1024x256xbf16>
    %dot_general3A_24 = arith.constant dense<0.000000e+00> : vector<256x256xf32>
    %dot_general3A_25 = tpu.matmul %convert_element_type3A_17, %convert_element_type3A_23, %dot_general3A_24 {dimension_numbers = #tpu.dot_dimension_numbers<[1], [0], [0], [1], [0, 0, 1, 1], [], []>, transpose_lhs_hint = false} : vector<256x1024xbf16>, vector<1024x256xbf16>, vector<256x256xf32> -> vector<256x256xf32>
    %get3A_26 = arith.constant 0 : index
    %get3A_27 = arith.constant 0 : index
    %get3A_28 = arith.constant 0 : index
    %get3A_29 = vector.load %arg6[%get3A_26, %get3A_27, %get3A_28] : memref<1x1x256xf32, #tpu.memory_space<vmem>>, vector<1x1x256xf32>
    %get3A_30 = vector.shape_cast %get3A_29 : vector<1x1x256xf32> to vector<1x256xf32>
    %add3A_31 = vector.broadcast %get3A_30 : vector<1x256xf32> to vector<256x256xf32>
    %add3A_32 = arith.addf %dot_general3A_25, %add3A_31 : vector<256x256xf32>
    %get3A_33 = arith.constant 0 : index
    %get3A_34 = arith.constant 0 : index
    %get3A_35 = vector.load %arg7[%get3A_33, %get3A_34] : memref<256x1xf32, #tpu.memory_space<vmem>>, vector<256x1xf32>
    %mul3A = vector.broadcast %get3A_35 : vector<256x1xf32> to vector<256x256xf32>
    %mul3A_36 = arith.mulf %add3A_32, %mul3A : vector<256x256xf32>
    %swap3A = arith.constant 0 : index
    %swap3A_37 = arith.constant 0 : index
    %swap3A_38 = vector.load %arg8[%swap3A, %swap3A_37] : memref<256x256xf32, #tpu.memory_space<vmem>>, vector<256x256xf32>
    tpu.vector_store %arg8[%swap3A, %swap3A_37], %mul3A_36 {strides = array<i32>} : memref<256x256xf32, #tpu.memory_space<vmem>>, vector<256x256xf32>,
    return
  }
  func.func @transform_0(%arg0: i32, %arg1: memref<24xi32, #tpu.memory_space<smem>>) -> (i32, i32) {
    %c0_i32 = arith.constant 0 : i32
    %c0_i32_0 = arith.constant 0 : i32
    return %arg0, %c0_i32 : i32, i32
  }
  func.func @transform_1(%arg0: i32, %arg1: memref<24xi32, #tpu.memory_space<smem>>) -> (i32, i32, i32) {
    %get3A = arith.index_cast %arg0 : i32 to index
    %get3A_0 = memref.load %arg1[%get3A] : memref<24xi32, #tpu.memory_space<smem>>
    %c0_i32 = arith.constant 0 : i32
    %c0_i32_1 = arith.constant 0 : i32
    %c0_i32_2 = arith.constant 0 : i32
    return %get3A_0, %c0_i32, %c0_i32_1 : i32, i32, i32
  }
  func.func @transform_2(%arg0: i32, %arg1: memref<24xi32, #tpu.memory_space<smem>>) -> (i32, i32, i32) {
    %get3A = arith.index_cast %arg0 : i32 to index
    %get3A_0 = memref.load %arg1[%get3A] : memref<24xi32, #tpu.memory_space<smem>>
    %c0_i32 = arith.constant 0 : i32
    %c0_i32_1 = arith.constant 0 : i32
    %c0_i32_2 = arith.constant 0 : i32
    return %get3A_0, %c0_i32, %c0_i32_1 : i32, i32, i32
  }
  func.func @transform_3(%arg0: i32, %arg1: memref<24xi32, #tpu.memory_space<smem>>) -> (i32, i32, i32) {
    %get3A = arith.index_cast %arg0 : i32 to index
    %get3A_0 = memref.load %arg1[%get3A] : memref<24xi32, #tpu.memory_space<smem>>
    %c0_i32 = arith.constant 0 : i32
    %c0_i32_1 = arith.constant 0 : i32
    %c0_i32_2 = arith.constant 0 : i32
    return %get3A_0, %c0_i32, %c0_i32_1 : i32, i32, i32
  }
  func.func @transform_4(%arg0: i32, %arg1: memref<24xi32, #tpu.memory_space<smem>>) -> (i32, i32, i32) {
    %get3A = arith.index_cast %arg0 : i32 to index
    %get3A_0 = memref.load %arg1[%get3A] : memref<24xi32, #tpu.memory_space<smem>>
    %c0_i32 = arith.constant 0 : i32
    %c0_i32_1 = arith.constant 0 : i32
    %c0_i32_2 = arith.constant 0 : i32
    return %get3A_0, %c0_i32, %c0_i32_1 : i32, i32, i32
  }
  func.func @transform_5(%arg0: i32, %arg1: memref<24xi32, #tpu.memory_space<smem>>) -> (i32, i32) {
    %c0_i32 = arith.constant 0 : i32
    %c0_i32_0 = arith.constant 0 : i32
    return %arg0, %c0_i32 : i32, i32
  }
  func.func @transform_6(%arg0: i32, %arg1: memref<24xi32, #tpu.memory_space<smem>>) -> (i32, i32) {
    %c0_i32 = arith.constant 0 : i32
    %c0_i32_0 = arith.constant 0 : i32
    return %arg0, %c0_i32 : i32, i32
  }
}

</mosaic_0001>

<sc_bundles>
// kernel: kernel.10.cloned.1.call-start
scs
__scs_entry_jumppad:
0x0: {  	(pc) =	sbr.rel $0x88, $3  }
0x1: {  	(tag) =	ssettag $0x0;
	lr =	simm.s32 $0x1  }
0x2: {  	[smem:$0x3F96] =	sst lr;
	_ =	strace $0xD0000000  }
0x3: {  	_ = 	snop  }
0x4: {  	_ = 	snop  }
0x5: {  	_ = 	snop  }
0x6: {  	_ = 	snop  }
0x7: {  	_ = 	snop  }
__scs_overlays_trampoline_lowered:
0x8: {  	[smem:$0x3FA5] =	sst s0  }
0x9: {  	[smem:$0x3FA6] =	sst s1  }
0xa: {  	[smem:$0x3FA7] =	sst s2  }
0xb: {  	[smem:$0x3FA8] =	sst s3  }
0xc: {  	[smem:$0x3FA9] =	sst s4  }
0xd: {  	[smem:$0x3FAA] =	sst s5  }
0xe: {  	[smem:$0x3FAB] =	sst s6  }
0xf: {  	[smem:$0x3FAC] =	sst s7  }
0x10: {  	[smem:$0x3FAD] =	sst s8  }
0x11: {  	[smem:$0x3FAE] =	sst s9;
	s0 =	simm.s32 @!p0 $0x0  }
0x12: {  	s1 =	sld [smem:$0x3F94];
	s0 =	simm.s32 @p0 $0x1  }
0x13: {  	[smem:$0x3FAF] =	sst s0;
	s0 =	simm.s32 @!p1 $0x0  }
0x14: {  	s2 =	sld [smem:$0x3F93];
	s0 =	simm.s32 @p1 $0x1  }
0x15: {  	[smem:$0x3FB0] =	sst s0;
	s0 =	simm.s32 @!p2 $0x0  }
0x16: {  	s3 =	sld [smem:$0x3FDB];
	s0 =	simm.s32 @p2 $0x1  }
0x17: {  	s4 =	simm.s32 $0x1BF5;
	[smem:$0x3FB2] =	sst s0  }
0x18: {  	s0 =	sld [smem:$0x3F95];
	_ =	swait.ge [sflag:s4], $0x0  }
0x19: {  	s7 =	sld [smem:$0x3F96]  }
0x1a: {  	s8 =	sadd.s32 $0xFFFFE003, lr  }
0x1b: {  	s9 =	sadd.s32 $0xFFFFFEF7, lr;
	s5 =	simm.s32 $0xFFFFFFFF;
	p2 =	slt.u32 s8, $0xFFFFF086  }
0x1c: {  	p1 =	slt.u32 s9, $0xF7A;
	s5 =	simm.s32 @!p2 $0x0  }
0x1d: {  	s5 =	simm.s32 @p1 $0x1;
	p0 =	seq.s32 s7, s2  }
0x1e: {  	s7 =	smul.u32 @!p0 $0xF7A, s2;
	p2 =	seq.s32 @!p0 s5, $0x0  }
0x1f: {  	s9 =	smul.u32 $0xF7A, s1;
	s8 =	simm.s32 @!p0 $0x1BF5;
	p2 =	por !p2, p0  }
0x20: {  	[sflag:s8] =	ssyncset.s32 @!p0 $0xFFFFF086;
	s6 =	sadd.s32 @!p0 s3, s7;
	s7 =	simm.s32 @!p0 $0x108  }
0x21: {  	s3 =	sadd.s32 s3, s9;
	s6 =	sadd.s32 @!p0 $0x88, s6;
	s7 =	simm.s32 @p2 $0x1082  }
0x22: {  	[simem:s7], [sflag:s8] =	dma.local @!p0 [hbm:s6], $0xF7A  }
0x23: {  	s9 =	sor.u32 $0xD0000000, s2;
	s6 =	simm.s32 $0x108;
	_ =	swait.ge @!p0 [sflag:s8], $0x0  }
0x24: {  	s3 =	sadd.s32 $0x88, s3;
	s6 =	simm.s32 @!p1 $0x1082;
	[sflag:s4] =	ssyncset.s32 $0xFFFFF086  }
0x25: {  	[simem:s6], [sflag:s4] =	dma.local [hbm:s3], $0xF7A  }
0x26: {  	[smem:$0x3F96] =	sst s1;
	(tag) =	ssettag s2;
	_ =	strace s9  }
0x27: {  	s1 =	sld [smem:$0x3FA6]  }
0x28: {  	s2 =	sld [smem:$0x3FA7]  }
0x29: {  	s4 =	sld [smem:$0x3FA9]  }
0x2a: {  	p0 =	seq.s32 s5, $0x0;
	s5 =	sld [smem:$0x3FAA]  }
0x2b: {  	s6 =	sld [smem:$0x3FAB]  }
0x2c: {  	s7 =	sld [smem:$0x3FAC]  }
0x2d: {  	s3 =	simm.s32 $0x108;
	s8 =	sld [smem:$0x3FAD]  }
0x2e: {  	s3 =	simm.s32 @!p0 $0x1082;
	s9 =	sld [smem:$0x3FAE]  }
0x2f: {  	lr =	sadd.s32 s0, s3;
	s0 =	sld [smem:$0x3FA5]  }
0x30: {  	s3 =	sld [smem:$0x3FA8]  }
0x31: {  	[smem:$0x3FB1] =	sst s10  }
0x32: {  	s10 =	sld [smem:$0x3FAF];
	_ =	sdelay $0x3  }
0x33: {  	p0 =	seq.s32 s10, $0x1;
	s10 =	sld [smem:$0x3FB1];
	_ =	sdelay $0x3  }
0x34: {  	[smem:$0x3FB1] =	sst s10  }
0x35: {  	s10 =	sld [smem:$0x3FB0];
	_ =	sdelay $0x3  }
0x36: {  	p1 =	seq.s32 s10, $0x1;
	s10 =	sld [smem:$0x3FB1];
	_ =	sdelay $0x3  }
0x37: {  	[smem:$0x3FB1] =	sst s10  }
0x38: {  	s10 =	sld [smem:$0x3FB2]  }
0x39: {  	_ = 	snop;
	(pc) =	sbr.ind lr, $3  }
0x3a: {  	_ = 	snop  }
0x3b: {  	_ = 	snop  }
0x3c: {  	p2 =	seq.s32 s10, $0x1;
	s10 =	sld [smem:$0x3FB1]  }
0x3d: {  	_ =	shalt  }
0x3e: {  	_ =	shalt  }
0x3f: {  	_ =	shalt  }
0x40: {  	_ =	shalt  }
0x41: {  	_ =	shalt  }
0x42: {  	_ =	shalt  }
0x43: {  	_ =	shalt  }
0x44: {  	_ =	shalt  }
0x45: {  	_ =	shalt  }
0x46: {  	_ =	shalt  }
0x47: {  	_ =	shalt  }
0x48: {  	_ =	shalt  }
0x49: {  	_ =	shalt  }
0x4a: {  	_ =	shalt  }
0x4b: {  	_ =	shalt  }
0x4c: {  	_ =	shalt  }
0x4d: {  	_ =	shalt  }
0x4e: {  	_ =	shalt  }
0x4f: {  	_ =	shalt  }
0x50: {  	_ =	shalt  }
0x51: {  	_ =	shalt  }
0x52: {  	_ =	shalt  }
0x53: {  	_ =	shalt  }
0x54: {  	_ =	shalt  }
0x55: {  	_ =	shalt  }
0x56: {  	_ =	shalt  }
0x57: {  	_ =	shalt  }
0x58: {  	_ =	shalt  }
0x59: {  	_ =	shalt  }
0x5a: {  	_ =	shalt  }
0x5b: {  	_ =	shalt  }
0x5c: {  	_ =	shalt  }
0x5d: {  	_ =	shalt  }
0x5e: {  	_ =	shalt  }
0x5f: {  	_ =	shalt  }
0x60: {  	_ =	shalt  }
0x61: {  	_ =	shalt  }
0x62: {  	_ =	shalt  }
0x63: {  	_ =	shalt  }
0x64: {  	_ =	shalt  }
0x65: {  	_ =	shalt  }
0x66: {  	_ =	shalt  }
0x67: {  	_ =	shalt  }
0x68: {  	_ =	shalt  }
0x69: {  	_ =	shalt  }
0x6a: {  	_ =	shalt  }
0x6b: {  	_ =	shalt  }
0x6c: {  	_ =	shalt  }
0x6d: {  	_ =	shalt  }
0x6e: {  	_ =	shalt  }
0x6f: {  	_ =	shalt  }
0x70: {  	_ =	shalt  }
0x71: {  	_ =	shalt  }
0x72: {  	_ =	shalt  }
0x73: {  	_ =	shalt  }
0x74: {  	_ =	shalt  }
0x75: {  	_ =	shalt  }
0x76: {  	_ =	shalt  }
0x77: {  	_ =	shalt  }
0x78: {  	_ =	shalt  }
0x79: {  	_ =	shalt  }
0x7a: {  	_ =	shalt  }
0x7b: {  	_ =	shalt  }
0x7c: {  	_ =	shalt  }
0x7d: {  	_ =	shalt  }
0x7e: {  	_ =	shalt  }
0x7f: {  	_ =	shalt  }
0x80: {  	_ =	shalt  }
0x81: {  	_ =	shalt  }
0x82: {  	_ =	shalt  }
0x83: {  	_ =	shalt  }
0x84: {  	_ =	shalt  }
0x85: {  	_ =	shalt  }
0x86: {  	_ =	shalt  }
0x87: {  	_ =	shalt  }
.Lfunc_end0:
.L_simem_size_0:
called_computation.1_lowered:
.L_overlay_start_0:
0x88: {  	s2 =	sld [smem:$0x3FD9]  }
0x89: {  	s3 =	sld [smem:$0x3FFE];
	_ =	sdelay $0x1  }
0x8a: {  	s1 =	srdreg.scid  }
0x8b: {  	s0 =	sand.u32 $0x1, s1  }
0x8c: {  	s16 =	sshll.u32 s0, $0xA;
	s2 =	sadd.s32 s3, s2  }
0x8d: {  	s2 =	sadd.s32 s2, s16  }
0x8e: {  	[smem:$0x3FBD] =	sst s2  }
0x8f: {  	_ = 	snop  }
0x90: {  	(tm) =	ssettm $0x1  }
0x91: {  	s17 =	sld [smem:$0x3FFB];
	_ =	sdelay $0x3  }
0x92: {  	_ =	strace s17  }
0x93: {  	s2 =	sld [smem:$0x3FFC];
	_ =	sdelay $0x3  }
0x94: {  	_ =	strace s2  }
0x95: {  	s2 =	sld [smem:$0x3FFD];
	_ =	sdelay $0x3  }
0x96: {  	_ =	strace s2  }
0x97: {  	_ =	strace $0x8FFFFFFF  }
0x98: {  	s18 =	sld [smem:$0x3FDB];
	_ =	sdelay $0x1  }
0x99: {  	s19 =	simm.s32 $_scs_section_size  }
0x9a: {  	s4 =	simm.s32 $_size__tile_overlayer_lowered;
	s5 =	simm.s32 $_tile_overlayer_lowered  }
0x9b: {  	s22 =	simm.s32 $0x1BFF;
	s21 =	sshll.u32 s5, $0x1;
	s2 =	sadd.s32 s19, s18  }
0x9c: {  	s6 =	simm.s32 $0x0;
	s20 =	sshll.u32 s4, $0x1;
	s4 =	sadd.s32 s21, s2  }
0x9d: {  	[timem:s6], [sflag:s22] =	dma.local [hbm:s4], s20  }
0x9e: {  	_ =	swait.ge [sflag:s22], s20  }
0x9f: {  	s3 =	ssub.s32 $0x0, s20;
	[sflag:s22] =	ssyncset.done $0x0  }
0xa0: {  	[sflag:s22] =	ssyncadd.s32 s3;
	_ =	sdelay $0x1  }
0xa1: {  	s23 =	simm.s32 $0x1B8B  }
0xa2: {  	_ =	swait.ge [sflag:s23], $0x1  }
0xa3: {  	[sflag:s23] =	ssyncset.done $0x0  }
0xa4: {  	s25 =	simm.s32 $0x1B8E;
	s24 =	sld [smem:$0x3FFE];
	[sflag:s23] =	ssyncadd.s32 $0xFFFFFFFF  }
0xa5: {  	s26 =	simm.s32 $execute0_lowered;
	[smem:$0x3FD2] =	sst s25  }
0xa6: {  	s4 =	sshll.u32 s26, $0x1;
	_ =	strace $0x80000049;
	[dreg:$0x1] =	wrdreg $0xFFFFFFFF  }
0xa7: {  	s28 =	simm.s32 $_size_execute0_lowered;
	s2 =	sadd.s32 s2, s4;
	[dreg:$0x0] =	wrdreg $0x0  }
0xa8: {  	s4 =	sshll.u32 s28, $0x1;
	[dreg:$0x2] =	wrdreg s2  }
0xa9: {  	[dreg:$0x3] =	wrdreg s4  }
0xaa: {  	[dreg:$0x4] =	wrdreg $0xC0  }
0xab: {  	_ =	task [dreg:s6], $0x5FFFF  }
0xac: {  	[dreg:$0x1] =	wrdreg $0xFFFFFFFF  }
0xad: {  	[dreg:$0x0] =	wrdreg $0x60  }
0xae: {  	[dreg:$0x2] =	wrdreg s24  }
0xaf: {  	[dreg:$0x3] =	wrdreg $0x9  }
0xb0: {  	_ =	task.clear_ibuf [dreg:s6], $0x4FFFF;
	_ =	strace $0x90000049  }
0xb1: {  	s29 =	simm.s32 $0x9;
	_ =	strace $0x8000004B  }
0xb2: {  	_ =	swait.ge [sflag:s29], $0x1  }
0xb3: {  	[sflag:s29] =	ssyncadd.s32 $0xFFFFFFFF  }
0xb4: {  	_ =	strace $0x9000004B  }
0xb5: {  	_ =	sfence  }
0xb6: {  	s30 =	sld [smem:$0x0];
	_ =	sdelay $0x2  }
0xb7: {  	s31 =	sshll.u32 s1, $0xD;
	s1 =	sshrl.u32 s1, $0x2  }
0xb8: {  	s3 =	sand.u32 $0x4000, s31;
	s1 =	sadd.s32 s1, s30  }
0xb9: {  	s0 =	sor.u32 s3, s0;
	s1 =	sshll.u32 s1, $0x11  }
0xba: {  	s0 =	sor.u32 s1, s0  }
0xbb: {  	s0 =	sadd.s32 $0x8F2B, s0  }
0xbc: {  	[sflag:s0] =	ssyncadd.remote.s32 $0x1  }
0xbd: {  	_ =	sfence.sel $0xFFFF  }
0xbe: {  	[dreg:$0x0] =	wrdreg $0xFFFFFFFF;
	(pc) =	sbr.abs _section_cstart, $3  }
0xbf: {  	[dreg:$0x1] =	wrdreg $0xFFFFFFFF  }
0xc0: {  	_ =	task.clear_ibuf [dreg:s6], $0x2FFFF;
	_ =	strace $0x9FFFFFFF  }
0xc1: {  	(tm) =	ssettm $0x7FFFFFFF  }
tec
execute0_lowered:
.L_overlay_start_1:
0x0: {  	(tag) =	ssettag $0x1  }
0x1: {  	s1 =	srdreg.scid;
	s0 =	stileid.u32  }
0x2: {  	s22 =	rddreg [dreg:$0x0];
	s23 =	sand.u32 $0x1, s1;
	s3 =	sshll.u32 s0, $0x1  }
0x3: {  	s2 =	simm.s32 $0x0;
	s1 =	rddreg [dreg:$0x1];
	s24 =	sor.u32 s23, s3  }
0x4: {  	[smem:$0x7FF] =	sst s2;
	s4 =	sadd.s32 $0x600, s22;
	s6 =	sshll.u32 s24, $0x3  }
0x5: {  	_ =	strace $0x8000004A;
	s3 =	sadd.s32 s4, s6;
	s8 =	sor.u32 $0x100, s6  }
0x6: {  	[tilespmem:s2], [sflag:$0x1] =	stream.linear.gather [hbm4b:s3+s2], $0x40, $0x38;
	[tilespmem:$0x6400] =	vst v63  }
0x7: {  	s9 =	sadd.s32 $0x800, s22;
	s5 =	sadd.s32 s4, s8;
	s4 =	simm.s32 $0x80  }
0x8: {  	[tilespmem:s4], [sflag:$0x1] =	stream.linear.gather [hbm4b:s5+s2], $0x40, $0x38;
	[tilespmem:$0x6400] =	vst v63  }
0x9: {  	s7 =	sadd.s32 s9, s6;
	s6 =	simm.s32 $0x100  }
0xa: {  	[tilespmem:s6], [sflag:$0x1] =	stream.linear.gather [hbm4b:s7+s2], $0x40, $0x38;
	[tilespmem:$0x6400] =	vst v63  }
0xb: {  	s10 =	simm.s32 $0x1;
	s8 =	sadd.s32 s9, s8;
	s9 =	simm.s32 $0x180  }
0xc: {  	[tilespmem:s9], [sflag:$0x1] =	stream.linear.gather [hbm4b:s8+s2], $0x40, $0x38;
	[tilespmem:$0x6400] =	vst v63  }
0xd: {  	_ =	swait.ge [sflag:s10], $0x40  }
0xe: {  	[sflag:s10] =	ssyncset.done $0x0  }
0xf: {  	[sflag:s10] =	ssyncadd.s32 $0xFFFFFFC0  }
0x10: {  	_ =	swait.ge [sflag:s10], $0x40  }
0x11: {  	[sflag:s10] =	ssyncset.done $0x0  }
0x12: {  	[sflag:s10] =	ssyncadd.s32 $0xFFFFFFC0  }
0x13: {  	_ =	swait.ge [sflag:s10], $0x40  }
0x14: {  	[sflag:s10] =	ssyncset.done $0x0  }
0x15: {  	[sflag:s10] =	ssyncadd.s32 $0xFFFFFFC0  }
0x16: {  	_ =	swait.ge [sflag:s10], $0x40  }
0x17: {  	[sflag:s10] =	ssyncset.done $0x0  }
0x18: {  	[sflag:s10] =	ssyncadd.s32 $0xFFFFFFC0  }
0x19: {  	v0 =	vld [tilespmem:$0xB0]  }
0x1a: {  	v1 =	vld [tilespmem:$0x30]  }
0x1b: {  	v2 =	vld [tilespmem:$0x10]  }
0x1c: {  	v3 =	vld [tilespmem:$0x80]  }
0x1d: {  	v4 =	vld [tilespmem:$0x0]  }
0x1e: {  	v5 =	vld [tilespmem:$0x90];
	v0 =	vshll.u32 v0, $0x1  }
0x1f: {  	v59 =	vld [tilespmem:$0x20];
	v1 =	vshll.u32 v1, $0x1;
	[tilespmem:$0x330] =	vst v0  }
0x20: {  	v2 =	vshll.u32 v2, $0x1;
	[tilespmem:$0x230] =	vst v1  }
0x21: {  	v58 =	vshll.u32 v3, $0x1;
	[tilespmem:$0x210] =	vst v2  }
0x22: {  	v60 =	vshll.u32 v4, $0x1;
	[tilespmem:$0x300] =	vst v58  }
0x23: {  	v57 =	vld [tilespmem:$0xA0];
	v61 =	vshll.u32 v5, $0x1;
	[tilespmem:$0x200] =	vst v60  }
0x24: {  	v3 =	vshll.u32 v59, $0x1;
	[tilespmem:$0x310] =	vst v61  }
0x25: {  	v0 =	vor.u32 $0x1, v0;
	[tilespmem:$0x220] =	vst v3  }
0x26: {  	v56 =	vor.u32 $0x1, v1;
	[tilespmem:$0x3B0] =	vst v0  }
0x27: {  	v2 =	vor.u32 $0x1, v2;
	[tilespmem:$0x2B0] =	vst v56  }
0x28: {  	v1 =	vshll.u32 v57, $0x1;
	[tilespmem:$0x290] =	vst v2  }
0x29: {  	v4 =	vor.u32 $0x1, v61;
	[tilespmem:$0x320] =	vst v1  }
0x2a: {  	v62 =	vor.u32 $0x1, v3;
	[tilespmem:$0x390] =	vst v4  }
0x2b: {  	v63 =	vor.u32 $0x1, v60;
	[tilespmem:$0x2A0] =	vst v62  }
0x2c: {  	v1 =	vor.u32 $0x1, v1;
	[tilespmem:$0x280] =	vst v63  }
0x2d: {  	s13 =	simm.s32 $0x40;
	v0 =	vor.u32 $0x1, v58;
	[tilespmem:$0x3A0] =	vst v1  }
0x2e: {  	s14 =	simm.s32 $0x200;
	s12 =	simm.s32 $0x400;
	s11 =	sadd.s32 $0xA00, s22;
	[tilespmem:$0x380] =	vst v0  }
0x2f: {  	[tilespmem:s12], [sflag:$0x2] =	stream.indirect.gather [hbm4b:s11+s13], $0x80, s14, s13, $0xb8;
	[tilespmem:$0x6400] =	vst v63  }
0x30: {  	s17 =	simm.s32 $0x280;
	s15 =	simm.s32 $0x2400  }
0x31: {  	[tilespmem:s15], [sflag:$0x2] =	stream.indirect.gather [hbm4b:s11+s13], $0x80, s17, s13, $0xb8;
	[tilespmem:$0x6400] =	vst v63  }
0x32: {  	s16 =	simm.s32 $0x4400;
	s19 =	simm.s32 $0x2;
	s18 =	sadd.s32 $0x30A00, s22  }
0x33: {  	[tilespmem:s16], [sflag:$0x2] =	stream.indirect.gather [hbm4b:s18+s13], $0x80, s6, s13, $0xb8;
	[tilespmem:$0x6400] =	vst v63  }
0x34: {  	_ =	swait.ge [sflag:s19], $0x2000  }
0x35: {  	[sflag:s19] =	ssyncset.done $0x0  }
0x36: {  	[sflag:s19] =	ssyncadd.s32 $0xFFFFE000  }
0x37: {  	_ =	swait.ge [sflag:s19], $0x2000  }
0x38: {  	[sflag:s19] =	ssyncset.done $0x0  }
0x39: {  	[sflag:s19] =	ssyncadd.s32 $0xFFFFE000  }
0x3a: {  	_ =	swait.ge [sflag:s19], $0x2000  }
0x3b: {  	[sflag:s19] =	ssyncset.done $0x0  }
0x3c: {  	s20 =	simm.s32 $0x300;
	[sflag:s19] =	ssyncadd.s32 $0xFFFFE000  }
0x3d: {  	[tilespmem:s12], [sflag:$0x2] =	stream.indirect.gather.add.f32 [hbm:s11], $0x80, s20, s13, $0xb8;
	[tilespmem:$0x6400] =	vst v63  }
0x3e: {  	s21 =	simm.s32 $0x380;
	s23 =	ssub.s32 $0x2, s23  }
0x3f: {  	[tilespmem:s15], [sflag:$0x2] =	stream.indirect.gather.add.f32 [hbm:s11], $0x80, s21, s13, $0xb8;
	[tilespmem:$0x6400] =	vst v63  }
0x40: {  	s31 =	sshrl.u32 s23, $0x1  }
0x41: {  	[tilespmem:s16], [sflag:$0x2] =	stream.indirect.gather.add.f32 [hbm:s18], $0x80, s9, s13, $0xb8;
	[tilespmem:$0x6400] =	vst v63  }
0x42: {  	s26 =	ssub.s32 s23, s31;
	_ =	swait.ge [sflag:s19], $0x2000  }
0x43: {  	s26 =	smax.u32 s26, $0x1;
	[sflag:s19] =	ssyncset.done $0x0  }
0x44: {  	p0 =	sne.s32 s26, $0x1;
	[sflag:s19] =	ssyncadd.s32 $0xFFFFE000  }
.Ltmp0:
0x45: {  	s25 =	sshll.u32 s24, $0xB;
	_ =	swait.ge [sflag:s19], $0x2000;
	(pc) =	sbr.rel @!p0 .LBB2_2-.Ltmp0, $4  }
0x46: {  	s24 =	sshll.u32 s24, $0xA;
	s25 =	sadd.s32 s25, s22;
	[sflag:s19] =	ssyncset.done $0x0  }
0x47: {  	s22 =	sadd.s32 s24, s22;
	s23 =	sadd.s32 $0x48A00, s25;
	[sflag:s19] =	ssyncadd.s32 $0xFFFFE000  }
0x48: {  	s24 =	sadd.s32 $0x48A10, s25;
	s25 =	sadd.s32 $0x58A00, s22;
	_ =	swait.ge [sflag:s19], $0x2000  }
0x49: {  	s22 =	simm.s32 $0x3;
	s26 =	sadd.s32 $0xFFFFFFFF, s26;
	[sflag:s19] =	ssyncset.done $0x0  }
.LBB2_1:
0x4a: {  	p0 =	sne.s32 s26, $0x1;
	s26 =	sadd.s32 $0xFFFFFFFF, s26;
	[sflag:s19] =	ssyncadd.s32 $0xFFFFE000  }
0x4b: {  	[hbm4b:s23+s4] =	stream.strided.scatter [tilespmem:s12], [sflag:$0x3], $0x2000, s6, s4, $0x38;
	[tilespmem:$0x6400] =	vst v63  }
0x4c: {  	_ = 	snop  }
0x4d: {  	[hbm4b:s24+s4] =	stream.strided.scatter [tilespmem:s15], [sflag:$0x3], $0x2000, s6, s4, $0x38;
	[tilespmem:$0x6400] =	vst v63  }
0x4e: {  	_ = 	snop  }
0x4f: {  	[hbm4b:s25+s2] =	stream.linear.scatter [tilespmem:s16], [sflag:$0x3], $0x2000, $0x38;
	[tilespmem:$0x6400] =	vst v63  }
0x50: {  	_ =	swait.ge [sflag:s22], $0x2000  }
0x51: {  	[sflag:s22] =	ssyncset.done $0x0  }
0x52: {  	[sflag:s22] =	ssyncadd.s32 $0xFFFFE000  }
0x53: {  	_ =	swait.ge [sflag:s22], $0x2000  }
0x54: {  	[sflag:s22] =	ssyncset.done $0x0  }
0x55: {  	[sflag:s22] =	ssyncadd.s32 $0xFFFFE000  }
0x56: {  	_ =	swait.ge [sflag:s22], $0x2000  }
0x57: {  	[sflag:s22] =	ssyncset.done $0x0  }
0x58: {  	[sflag:s22] =	ssyncadd.s32 $0xFFFFE000  }
0x59: {  	[tilespmem:s2], [sflag:$0x1] =	stream.linear.gather [hbm4b:s3+s2], $0x40, $0x38;
	[tilespmem:$0x6400] =	vst v63  }
0x5a: {  	_ = 	snop  }
0x5b: {  	[tilespmem:s4], [sflag:$0x1] =	stream.linear.gather [hbm4b:s5+s2], $0x40, $0x38;
	[tilespmem:$0x6400] =	vst v63  }
0x5c: {  	_ = 	snop  }
0x5d: {  	[tilespmem:s6], [sflag:$0x1] =	stream.linear.gather [hbm4b:s7+s2], $0x40, $0x38;
	[tilespmem:$0x6400] =	vst v63  }
0x5e: {  	_ = 	snop  }
0x5f: {  	[tilespmem:s9], [sflag:$0x1] =	stream.linear.gather [hbm4b:s8+s2], $0x40, $0x38;
	[tilespmem:$0x6400] =	vst v63  }
0x60: {  	_ =	swait.ge [sflag:s10], $0x40  }
0x61: {  	[sflag:s10] =	ssyncset.done $0x0  }
0x62: {  	[sflag:s10] =	ssyncadd.s32 $0xFFFFFFC0  }
0x63: {  	_ =	swait.ge [sflag:s10], $0x40  }
0x64: {  	[sflag:s10] =	ssyncset.done $0x0  }
0x65: {  	[sflag:s10] =	ssyncadd.s32 $0xFFFFFFC0  }
0x66: {  	_ =	swait.ge [sflag:s10], $0x40  }
0x67: {  	[sflag:s10] =	ssyncset.done $0x0  }
0x68: {  	[sflag:s10] =	ssyncadd.s32 $0xFFFFFFC0  }
0x69: {  	_ =	swait.ge [sflag:s10], $0x40  }
0x6a: {  	[sflag:s10] =	ssyncset.done $0x0  }
0x6b: {  	[sflag:s10] =	ssyncadd.s32 $0xFFFFFFC0  }
0x6c: {  	v0 =	vld [tilespmem:$0xB0]  }
0x6d: {  	v1 =	vld [tilespmem:$0x30]  }
0x6e: {  	v2 =	vld [tilespmem:$0x90]  }
0x6f: {  	v3 =	vld [tilespmem:$0x10]  }
0x70: {  	v4 =	vld [tilespmem:$0x80]  }
0x71: {  	v5 =	vld [tilespmem:$0x0];
	v0 =	vshll.u32 v0, $0x1  }
0x72: {  	v1 =	vshll.u32 v1, $0x1;
	[tilespmem:$0x330] =	vst v0;
	v0 =	vor.u32 $0x1, v0  }
0x73: {  	[tilespmem:$0x230] =	vst v1;
	v1 =	vor.u32 $0x1, v1  }
0x74: {  	v3 =	vshll.u32 v3, $0x1;
	v6 =	vld [tilespmem:$0xA0];
	[tilespmem:$0x3B0] =	vst v0  }
0x75: {  	v0 =	vshll.u32 v4, $0x1;
	[tilespmem:$0x210] =	vst v3;
	v3 =	vor.u32 $0x1, v3  }
0x76: {  	v2 =	vshll.u32 v2, $0x1;
	v4 =	vshll.u32 v5, $0x1;
	v5 =	vor.u32 $0x1, v0;
	v7 =	vld [tilespmem:$0x20];
	[tilespmem:$0x2B0] =	vst v1  }
0x77: {  	v1 =	vor.u32 $0x1, v4;
	[tilespmem:$0x290] =	vst v3;
	v3 =	vor.u32 $0x1, v2  }
0x78: {  	[tilespmem:$0x300] =	vst v0  }
0x79: {  	[tilespmem:$0x200] =	vst v4;
	v0 =	vshll.u32 v6, $0x1  }
0x7a: {  	[tilespmem:$0x310] =	vst v2;
	v2 =	vor.u32 $0x1, v0  }
0x7b: {  	v4 =	vshll.u32 v7, $0x1;
	[tilespmem:$0x320] =	vst v0  }
0x7c: {  	[tilespmem:$0x390] =	vst v3;
	v0 =	vor.u32 $0x1, v4  }
0x7d: {  	[tilespmem:$0x220] =	vst v4  }
0x7e: {  	[tilespmem:$0x3A0] =	vst v2  }
0x7f: {  	[tilespmem:$0x380] =	vst v5  }
0x80: {  	[tilespmem:$0x2A0] =	vst v0  }
0x81: {  	[tilespmem:$0x280] =	vst v1  }
0x82: {  	[tilespmem:s12], [sflag:$0x2] =	stream.indirect.gather [hbm4b:s11+s13], $0x80, s14, s13, $0xb8;
	[tilespmem:$0x6400] =	vst v63  }
0x83: {  	_ = 	snop  }
0x84: {  	[tilespmem:s15], [sflag:$0x2] =	stream.indirect.gather [hbm4b:s11+s13], $0x80, s17, s13, $0xb8;
	[tilespmem:$0x6400] =	vst v63  }
0x85: {  	_ = 	snop  }
0x86: {  	[tilespmem:s16], [sflag:$0x2] =	stream.indirect.gather [hbm4b:s18+s13], $0x80, s6, s13, $0xb8;
	[tilespmem:$0x6400] =	vst v63  }
0x87: {  	_ =	swait.ge [sflag:s19], $0x2000  }
0x88: {  	[sflag:s19] =	ssyncset.done $0x0  }
0x89: {  	[sflag:s19] =	ssyncadd.s32 $0xFFFFE000  }
0x8a: {  	_ =	swait.ge [sflag:s19], $0x2000  }
0x8b: {  	[sflag:s19] =	ssyncset.done $0x0  }
0x8c: {  	[sflag:s19] =	ssyncadd.s32 $0xFFFFE000  }
0x8d: {  	_ =	swait.ge [sflag:s19], $0x2000  }
0x8e: {  	[sflag:s19] =	ssyncset.done $0x0  }
0x8f: {  	[sflag:s19] =	ssyncadd.s32 $0xFFFFE000  }
0x90: {  	[tilespmem:s12], [sflag:$0x2] =	stream.indirect.gather.add.f32 [hbm:s11], $0x80, s20, s13, $0xb8;
	[tilespmem:$0x6400] =	vst v63  }
0x91: {  	_ = 	snop  }
0x92: {  	[tilespmem:s15], [sflag:$0x2] =	stream.indirect.gather.add.f32 [hbm:s11], $0x80, s21, s13, $0xb8;
	[tilespmem:$0x6400] =	vst v63  }
0x93: {  	_ = 	snop  }
0x94: {  	[tilespmem:s16], [sflag:$0x2] =	stream.indirect.gather.add.f32 [hbm:s18], $0x80, s9, s13, $0xb8;
	[tilespmem:$0x6400] =	vst v63  }
0x95: {  	_ =	swait.ge [sflag:s19], $0x2000  }
0x96: {  	[sflag:s19] =	ssyncset.done $0x0  }
0x97: {  	[sflag:s19] =	ssyncadd.s32 $0xFFFFE000  }
.Ltmp1:
0x98: {  	_ =	swait.ge [sflag:s19], $0x2000;
	(pc) =	sbr.rel @p0 .LBB2_1-.Ltmp1, $4  }
0x99: {  	[sflag:s19] =	ssyncset.done $0x0  }
0x9a: {  	[sflag:s19] =	ssyncadd.s32 $0xFFFFE000  }
0x9b: {  	_ =	swait.ge [sflag:s19], $0x2000  }
0x9c: {  	[sflag:s19] =	ssyncset.done $0x0  }
.LBB2_2:
0x9d: {  	[sflag:s19] =	ssyncadd.s32 $0xFFFFE000  }
0x9e: {  	[hbm4b:s23+s4] =	stream.strided.scatter [tilespmem:s12], [sflag:$0x3], $0x2000, s6, s4, $0x38;
	[tilespmem:$0x6400] =	vst v63  }
0x9f: {  	_ = 	snop  }
0xa0: {  	[hbm4b:s24+s4] =	stream.strided.scatter [tilespmem:s15], [sflag:$0x3], $0x2000, s6, s4, $0x38;
	[tilespmem:$0x6400] =	vst v63  }
0xa1: {  	_ = 	snop  }
0xa2: {  	[hbm4b:s25+s2] =	stream.linear.scatter [tilespmem:s16], [sflag:$0x3], $0x2000, $0x38;
	[tilespmem:$0x6400] =	vst v63  }
0xa3: {  	_ =	swait.ge [sflag:s22], $0x2000  }
0xa4: {  	[sflag:s22] =	ssyncset.done $0x0  }
0xa5: {  	[sflag:s22] =	ssyncadd.s32 $0xFFFFE000  }
0xa6: {  	_ =	swait.ge [sflag:s22], $0x2000  }
0xa7: {  	[sflag:s22] =	ssyncset.done $0x0  }
0xa8: {  	[sflag:s22] =	ssyncadd.s32 $0xFFFFE000  }
0xa9: {  	_ =	swait.ge [sflag:s22], $0x2000  }
0xaa: {  	[sflag:s22] =	ssyncset.done $0x0  }
0xab: {  	[sflag:s22] =	ssyncadd.s32 $0xFFFFE000  }
0xac: {  	_ =	sfence.sel $0x180000  }
0xad: {  	[bflag:$0x0] =	sbarrier.arrive $0xFFFF  }
0xae: {  	p0 =	sne.s32 s0, $0x0;
	_ =	strace $0x9000004A  }
0xaf: {  	s0 =	sadd.s32 @!p0 $0x100000, s1;
	[bflag:$0x2] =	sbarrier.arrive $0xFFFF  }
0xb0: {  	[sflag:s0] =	ssyncadd.tile.s32 @!p0 $0x1;
	_ =	shalt  }
.Lfunc_end2:
_tile_overlayer_lowered:
.L_overlay_start_2:
0xb1: {  	(tag) =	ssettag $0x2  }
0xb2: {  	s0 =	rddreg [dreg:$0x0];
	s2 =	stileid.u32  }
0xb3: {  	s1 =	rddreg [dreg:$0x1];
	p0 =	sne.s32 s2, $0x0  }
0xb4: {  	s3 =	rddreg [dreg:$0x2];
	[bflag:$0x3] =	sbarrier.arrive $0xFFFF;
	s2 =	simm.s32 @!p0 $0x1C04  }
0xb5: {  	[timem:s3], [sflag:s2] =	dma.local @!p0 [hbm:s0], s1  }
0xb6: {  	s0 =	simm.s32 @!p0 $0x4  }
0xb7: {  	_ =	swait.ge @!p0 [sflag:s0], s1  }
0xb8: {  	s1 =	ssub.s32 @!p0 $0x0, s1;
	[sflag:s0] =	ssyncset.done @!p0 $0x0  }
0xb9: {  	[sflag:s0] =	ssyncadd.s32 @!p0 s1  }
0xba: {  	[bflag:$0x3] =	sbarrier.arrive $0xFFFF  }
0xbb: {  	_ =	shalt  }

// kernel: kernel.7.cloned.1.call-start
scs
__scs_entry_jumppad:
0x0: {  	(pc) =	sbr.rel $0x88, $3  }
0x1: {  	(tag) =	ssettag $0x0;
	lr =	simm.s32 $0x1  }
0x2: {  	[smem:$0x3F96] =	sst lr;
	_ =	strace $0xD0000000  }
0x3: {  	_ = 	snop  }
0x4: {  	_ = 	snop  }
0x5: {  	_ = 	snop  }
0x6: {  	_ = 	snop  }
0x7: {  	_ = 	snop  }
__scs_overlays_trampoline_lowered:
0x8: {  	[smem:$0x3FA5] =	sst s0  }
0x9: {  	[smem:$0x3FA6] =	sst s1  }
0xa: {  	[smem:$0x3FA7] =	sst s2  }
0xb: {  	[smem:$0x3FA8] =	sst s3  }
0xc: {  	[smem:$0x3FA9] =	sst s4  }
0xd: {  	[smem:$0x3FAA] =	sst s5  }
0xe: {  	[smem:$0x3FAB] =	sst s6  }
0xf: {  	[smem:$0x3FAC] =	sst s7  }
0x10: {  	[smem:$0x3FAD] =	sst s8  }
0x11: {  	[smem:$0x3FAE] =	sst s9;
	s0 =	simm.s32 @!p0 $0x0  }
0x12: {  	s1 =	sld [smem:$0x3F94];
	s0 =	simm.s32 @p0 $0x1  }
0x13: {  	[smem:$0x3FAF] =	sst s0;
	s0 =	simm.s32 @!p1 $0x0  }
0x14: {  	s2 =	sld [smem:$0x3F93];
	s0 =	simm.s32 @p1 $0x1  }
0x15: {  	[smem:$0x3FB0] =	sst s0;
	s0 =	simm.s32 @!p2 $0x0  }
0x16: {  	s3 =	sld [smem:$0x3FDB];
	s0 =	simm.s32 @p2 $0x1  }
0x17: {  	s4 =	simm.s32 $0x1BF5;
	[smem:$0x3FB2] =	sst s0  }
0x18: {  	s0 =	sld [smem:$0x3F95];
	_ =	swait.ge [sflag:s4], $0x0  }
0x19: {  	s7 =	sld [smem:$0x3F96]  }
0x1a: {  	s8 =	sadd.s32 $0xFFFFE003, lr  }
0x1b: {  	s9 =	sadd.s32 $0xFFFFFEF7, lr;
	s5 =	simm.s32 $0xFFFFFFFF;
	p2 =	slt.u32 s8, $0xFFFFF086  }
0x1c: {  	p1 =	slt.u32 s9, $0xF7A;
	s5 =	simm.s32 @!p2 $0x0  }
0x1d: {  	s5 =	simm.s32 @p1 $0x1;
	p0 =	seq.s32 s7, s2  }
0x1e: {  	s7 =	smul.u32 @!p0 $0xF7A, s2;
	p2 =	seq.s32 @!p0 s5, $0x0  }
0x1f: {  	s9 =	smul.u32 $0xF7A, s1;
	s8 =	simm.s32 @!p0 $0x1BF5;
	p2 =	por !p2, p0  }
0x20: {  	[sflag:s8] =	ssyncset.s32 @!p0 $0xFFFFF086;
	s6 =	sadd.s32 @!p0 s3, s7;
	s7 =	simm.s32 @!p0 $0x108  }
0x21: {  	s3 =	sadd.s32 s3, s9;
	s6 =	sadd.s32 @!p0 $0x88, s6;
	s7 =	simm.s32 @p2 $0x1082  }
0x22: {  	[simem:s7], [sflag:s8] =	dma.local @!p0 [hbm:s6], $0xF7A  }
0x23: {  	s9 =	sor.u32 $0xD0000000, s2;
	s6 =	simm.s32 $0x108;
	_ =	swait.ge @!p0 [sflag:s8], $0x0  }
0x24: {  	s3 =	sadd.s32 $0x88, s3;
	s6 =	simm.s32 @!p1 $0x1082;
	[sflag:s4] =	ssyncset.s32 $0xFFFFF086  }
0x25: {  	[simem:s6], [sflag:s4] =	dma.local [hbm:s3], $0xF7A  }
0x26: {  	[smem:$0x3F96] =	sst s1;
	(tag) =	ssettag s2;
	_ =	strace s9  }
0x27: {  	s1 =	sld [smem:$0x3FA6]  }
0x28: {  	s2 =	sld [smem:$0x3FA7]  }
0x29: {  	s4 =	sld [smem:$0x3FA9]  }
0x2a: {  	p0 =	seq.s32 s5, $0x0;
	s5 =	sld [smem:$0x3FAA]  }
0x2b: {  	s6 =	sld [smem:$0x3FAB]  }
0x2c: {  	s7 =	sld [smem:$0x3FAC]  }
0x2d: {  	s3 =	simm.s32 $0x108;
	s8 =	sld [smem:$0x3FAD]  }
0x2e: {  	s3 =	simm.s32 @!p0 $0x1082;
	s9 =	sld [smem:$0x3FAE]  }
0x2f: {  	lr =	sadd.s32 s0, s3;
	s0 =	sld [smem:$0x3FA5]  }
0x30: {  	s3 =	sld [smem:$0x3FA8]  }
0x31: {  	[smem:$0x3FB1] =	sst s10  }
0x32: {  	s10 =	sld [smem:$0x3FAF];
	_ =	sdelay $0x3  }
0x33: {  	p0 =	seq.s32 s10, $0x1;
	s10 =	sld [smem:$0x3FB1];
	_ =	sdelay $0x3  }
0x34: {  	[smem:$0x3FB1] =	sst s10  }
0x35: {  	s10 =	sld [smem:$0x3FB0];
	_ =	sdelay $0x3  }
0x36: {  	p1 =	seq.s32 s10, $0x1;
	s10 =	sld [smem:$0x3FB1];
	_ =	sdelay $0x3  }
0x37: {  	[smem:$0x3FB1] =	sst s10  }
0x38: {  	s10 =	sld [smem:$0x3FB2]  }
0x39: {  	_ = 	snop;
	(pc) =	sbr.ind lr, $3  }
0x3a: {  	_ = 	snop  }
0x3b: {  	_ = 	snop  }
0x3c: {  	p2 =	seq.s32 s10, $0x1;
	s10 =	sld [smem:$0x3FB1]  }
0x3d: {  	_ =	shalt  }
0x3e: {  	_ =	shalt  }
0x3f: {  	_ =	shalt  }
0x40: {  	_ =	shalt  }
0x41: {  	_ =	shalt  }
0x42: {  	_ =	shalt  }
0x43: {  	_ =	shalt  }
0x44: {  	_ =	shalt  }
0x45: {  	_ =	shalt  }
0x46: {  	_ =	shalt  }
0x47: {  	_ =	shalt  }
0x48: {  	_ =	shalt  }
0x49: {  	_ =	shalt  }
0x4a: {  	_ =	shalt  }
0x4b: {  	_ =	shalt  }
0x4c: {  	_ =	shalt  }
0x4d: {  	_ =	shalt  }
0x4e: {  	_ =	shalt  }
0x4f: {  	_ =	shalt  }
0x50: {  	_ =	shalt  }
0x51: {  	_ =	shalt  }
0x52: {  	_ =	shalt  }
0x53: {  	_ =	shalt  }
0x54: {  	_ =	shalt  }
0x55: {  	_ =	shalt  }
0x56: {  	_ =	shalt  }
0x57: {  	_ =	shalt  }
0x58: {  	_ =	shalt  }
0x59: {  	_ =	shalt  }
0x5a: {  	_ =	shalt  }
0x5b: {  	_ =	shalt  }
0x5c: {  	_ =	shalt  }
0x5d: {  	_ =	shalt  }
0x5e: {  	_ =	shalt  }
0x5f: {  	_ =	shalt  }
0x60: {  	_ =	shalt  }
0x61: {  	_ =	shalt  }
0x62: {  	_ =	shalt  }
0x63: {  	_ =	shalt  }
0x64: {  	_ =	shalt  }
0x65: {  	_ =	shalt  }
0x66: {  	_ =	shalt  }
0x67: {  	_ =	shalt  }
0x68: {  	_ =	shalt  }
0x69: {  	_ =	shalt  }
0x6a: {  	_ =	shalt  }
0x6b: {  	_ =	shalt  }
0x6c: {  	_ =	shalt  }
0x6d: {  	_ =	shalt  }
0x6e: {  	_ =	shalt  }
0x6f: {  	_ =	shalt  }
0x70: {  	_ =	shalt  }
0x71: {  	_ =	shalt  }
0x72: {  	_ =	shalt  }
0x73: {  	_ =	shalt  }
0x74: {  	_ =	shalt  }
0x75: {  	_ =	shalt  }
0x76: {  	_ =	shalt  }
0x77: {  	_ =	shalt  }
0x78: {  	_ =	shalt  }
0x79: {  	_ =	shalt  }
0x7a: {  	_ =	shalt  }
0x7b: {  	_ =	shalt  }
0x7c: {  	_ =	shalt  }
0x7d: {  	_ =	shalt  }
0x7e: {  	_ =	shalt  }
0x7f: {  	_ =	shalt  }
0x80: {  	_ =	shalt  }
0x81: {  	_ =	shalt  }
0x82: {  	_ =	shalt  }
0x83: {  	_ =	shalt  }
0x84: {  	_ =	shalt  }
0x85: {  	_ =	shalt  }
0x86: {  	_ =	shalt  }
0x87: {  	_ =	shalt  }
.Lfunc_end0:
.L_simem_size_0:
called_computation_lowered:
.L_overlay_start_0:
0x88: {  	s2 =	sld [smem:$0x3FD9]  }
0x89: {  	s3 =	sld [smem:$0x3FFE];
	_ =	sdelay $0x1  }
0x8a: {  	s1 =	srdreg.scid  }
0x8b: {  	s0 =	sand.u32 $0x1, s1  }
0x8c: {  	s14 =	sshll.u32 s0, $0xA;
	s2 =	sadd.s32 s3, s2  }
0x8d: {  	s2 =	sadd.s32 s2, s14  }
0x8e: {  	[smem:$0x3FBD] =	sst s2  }
0x8f: {  	_ = 	snop  }
0x90: {  	s2 =	sld [smem:$0x3FD0];
	_ =	sdelay $0x2  }
0x91: {  	s4 =	simm.s32 $0xA;
	s5 =	simm.s32 $0x10;
	s15 =	sld [smem:$0x3FC9]  }
0x92: {  	[smem:s5], [sflag:s4] =	dma.local [hbm:s2], $0x1  }
0x93: {  	_ =	swait.eq [sflag:s4], $0x1  }
0x94: {  	[sflag:s4] =	ssyncset.done $0x0  }
0x95: {  	[sflag:s4] =	ssyncadd.s32 $0xFFFFFFFF  }
0x96: {  	s16 =	sld [smem:$0x10];
	(tm) =	ssettm $0x1  }
0x97: {  	s17 =	sld [smem:$0x3FFB];
	_ =	sdelay $0x3  }
0x98: {  	_ =	strace s17  }
0x99: {  	s4 =	sld [smem:$0x3FFC];
	_ =	sdelay $0x3  }
0x9a: {  	_ =	strace s4  }
0x9b: {  	s4 =	sld [smem:$0x3FFD];
	_ =	sdelay $0x3  }
0x9c: {  	_ =	strace s4  }
0x9d: {  	_ =	strace $0x8FFFFFFF  }
0x9e: {  	s18 =	sld [smem:$0x3FDB];
	_ =	sdelay $0x1  }
0x9f: {  	s19 =	simm.s32 $_scs_section_size  }
0xa0: {  	s6 =	simm.s32 $_size__tile_overlayer_lowered;
	s7 =	simm.s32 $_tile_overlayer_lowered  }
0xa1: {  	s22 =	simm.s32 $0x1BFF;
	s21 =	sshll.u32 s7, $0x1;
	s4 =	sadd.s32 s19, s18  }
0xa2: {  	s8 =	simm.s32 $0x0;
	s20 =	sshll.u32 s6, $0x1;
	s6 =	sadd.s32 s21, s4  }
0xa3: {  	[timem:s8], [sflag:s22] =	dma.local [hbm:s6], s20  }
0xa4: {  	_ =	swait.ge [sflag:s22], s20  }
0xa5: {  	s5 =	ssub.s32 $0x0, s20;
	[sflag:s22] =	ssyncset.done $0x0  }
0xa6: {  	[sflag:s22] =	ssyncadd.s32 s5;
	_ =	sdelay $0x1  }
0xa7: {  	s23 =	simm.s32 $0x1B8B  }
0xa8: {  	_ =	swait.ge [sflag:s23], $0x1  }
0xa9: {  	[sflag:s23] =	ssyncset.done $0x0  }
0xaa: {  	s25 =	simm.s32 $0x1B8E;
	s24 =	sld [smem:$0x3FFE];
	[sflag:s23] =	ssyncadd.s32 $0xFFFFFFFF  }
0xab: {  	s26 =	simm.s32 $execute0_lowered;
	[smem:$0x3FD2] =	sst s25  }
0xac: {  	s6 =	sshll.u32 s26, $0x1;
	_ =	strace $0x80000046;
	[dreg:$0x1] =	wrdreg $0xFFFFFFFF  }
0xad: {  	s28 =	simm.s32 $_size_execute0_lowered;
	s4 =	sadd.s32 s4, s6;
	[dreg:$0x0] =	wrdreg $0x0  }
0xae: {  	s6 =	sshll.u32 s28, $0x1;
	[dreg:$0x2] =	wrdreg s4  }
0xaf: {  	[dreg:$0x3] =	wrdreg s6  }
0xb0: {  	[dreg:$0x4] =	wrdreg $0xC0  }
0xb1: {  	_ =	task [dreg:s8], $0x5FFFF  }
0xb2: {  	[dreg:$0x1] =	wrdreg $0xFFFFFFFF  }
0xb3: {  	[dreg:$0x0] =	wrdreg $0x60  }
0xb4: {  	[dreg:$0x2] =	wrdreg s15  }
0xb5: {  	[dreg:$0x3] =	wrdreg s24  }
0xb6: {  	[dreg:$0x4] =	wrdreg s16  }
0xb7: {  	[dreg:$0x5] =	wrdreg $0x9  }
0xb8: {  	_ =	task.clear_ibuf [dreg:s8], $0x6FFFF;
	_ =	strace $0x90000046  }
0xb9: {  	s29 =	simm.s32 $0x9;
	_ =	strace $0x80000048  }
0xba: {  	_ =	swait.ge [sflag:s29], $0x1  }
0xbb: {  	[sflag:s29] =	ssyncadd.s32 $0xFFFFFFFF  }
0xbc: {  	_ =	strace $0x90000048  }
0xbd: {  	_ =	sfence  }
0xbe: {  	s30 =	sld [smem:$0x0];
	_ =	sdelay $0x2  }
0xbf: {  	s31 =	sshll.u32 s1, $0xD;
	s1 =	sshrl.u32 s1, $0x2  }
0xc0: {  	s3 =	sand.u32 $0x4000, s31;
	s1 =	sadd.s32 s1, s30  }
0xc1: {  	s0 =	sor.u32 s3, s0;
	s1 =	sshll.u32 s1, $0x11  }
0xc2: {  	s0 =	sor.u32 s1, s0  }
0xc3: {  	s0 =	sadd.s32 $0x8F2B, s0  }
0xc4: {  	[sflag:s0] =	ssyncadd.remote.s32 $0x1  }
0xc5: {  	_ =	sfence.sel $0xFFFF  }
0xc6: {  	[dreg:$0x0] =	wrdreg $0xFFFFFFFF;
	(pc) =	sbr.abs _section_cstart, $3  }
0xc7: {  	[dreg:$0x1] =	wrdreg $0xFFFFFFFF  }
0xc8: {  	_ =	task.clear_ibuf [dreg:s8], $0x2FFFF;
	_ =	strace $0x9FFFFFFF  }
0xc9: {  	(tm) =	ssettm $0x7FFFFFFF  }
tec
execute0_lowered:
.L_overlay_start_1:
0x0: {  	(tag) =	ssettag $0x1  }
0x1: {  	s0 =	srdreg.scid;
	s6 =	stileid.u32  }
0x2: {  	s1 =	rddreg [dreg:$0x0];
	s0 =	sand.u32 $0x1, s0;
	s6 =	smul.u32 $0xC0, s6  }
0x3: {  	s4 =	rddreg [dreg:$0x1];
	s3 =	smul.u32 $0xC00, s0  }
0x4: {  	s5 =	rddreg [dreg:$0x2];
	s2 =	simm.s32 $0x0  }
0x5: {  	[smem:$0x7FF] =	sst s2;
	s7 =	sadd.s32 $0xE00, s4;
	s3 =	sadd.s32 s6, s3  }
0x6: {  	s8 =	sadd.s32 $0xC1200, s4;
	s11 =	sor.u32 $0x18, s3;
	s24 =	sshll.u32 s3, $0x7  }
0x7: {  	s12 =	sor.u32 $0x30, s3;
	s9 =	sadd.s32 $0x48, s3;
	[dreg:$0x4] =	wrdreg s11  }
0x8: {  	s25 =	sadd.s32 $0x60, s3;
	s10 =	sadd.s32 s7, s24;
	[dreg:$0x5] =	wrdreg s12  }
0x9: {  	s11 =	sshll.u32 s11, $0x7;
	s6 =	sadd.s32 s8, s24;
	[dreg:$0x6] =	wrdreg s10  }
0xa: {  	s12 =	sshll.u32 s12, $0x7;
	s13 =	sadd.s32 s7, s11;
	[dreg:$0xe] =	wrdreg s6  }
0xb: {  	s9 =	sshll.u32 s9, $0x7;
	s14 =	sadd.s32 s7, s12;
	[dreg:$0x7] =	wrdreg s13  }
0xc: {  	s26 =	sadd.s32 $0x78, s3;
	s15 =	sadd.s32 s7, s9;
	[dreg:$0x8] =	wrdreg s14  }
0xd: {  	s28 =	sadd.s32 $0x90, s3;
	s17 =	sadd.s32 s8, s12;
	[dreg:$0x9] =	wrdreg s15  }
0xe: {  	s10 =	sshll.u32 s25, $0x7;
	s18 =	sadd.s32 s8, s9;
	[dreg:$0x10] =	wrdreg s17  }
0xf: {  	s29 =	sadd.s32 $0xA8, s3;
	s16 =	sadd.s32 s7, s10;
	[dreg:$0x11] =	wrdreg s18  }
0x10: {  	s13 =	sshll.u32 s26, $0x7;
	s19 =	sadd.s32 s8, s10;
	[dreg:$0xa] =	wrdreg s16  }
0x11: {  	s14 =	sshll.u32 s28, $0x7;
	s30 =	sadd.s32 s7, s13;
	[dreg:$0x12] =	wrdreg s19  }
0x12: {  	s15 =	sshll.u32 s29, $0x7;
	s31 =	sadd.s32 s7, s14;
	[dreg:$0xb] =	wrdreg s30  }
0x13: {  	s7 =	sadd.s32 s7, s15;
	[dreg:$0xc] =	wrdreg s31  }
0x14: {  	s0 =	ssub.s32 $0x2, s0;
	s16 =	sadd.s32 s8, s11;
	[dreg:$0xd] =	wrdreg s7  }
0x15: {  	s23 =	sshrl.u32 s0, $0x1;
	s20 =	sadd.s32 s8, s13;
	[dreg:$0xf] =	wrdreg s16  }
0x16: {  	s0 =	ssub.s32 s0, s23;
	s21 =	sadd.s32 s8, s14;
	[dreg:$0x13] =	wrdreg s20  }
0x17: {  	s22 =	sshrl.u32 s3, $0x3;
	s23 =	sadd.s32 s8, s15;
	[dreg:$0x14] =	wrdreg s21  }
0x18: {  	s5 =	sadd.s32 s5, s22;
	[dreg:$0x15] =	wrdreg s23  }
0x19: {  	s25 =	sadd.s32 $0x600, s4;
	_ =	strace $0x80000047;
	[dreg:$0x16] =	wrdreg s5  }
0x1a: {  	s26 =	sadd.s32 $0xA00, s4;
	[dreg:$0x17] =	wrdreg s25  }
0x1b: {  	s28 =	sadd.s32 $0x800, s4;
	[dreg:$0x18] =	wrdreg s26  }
0x1c: {  	s24 =	sadd.s32 s22, s4;
	s4 =	sadd.s32 $0xC00, s4;
	[dreg:$0x19] =	wrdreg s28  }
0x1d: {  	s0 =	smax.u32 s0, $0x1;
	s29 =	sadd.s32 $0xC0E00, s24;
	[dreg:$0x1a] =	wrdreg s4  }
0x1e: {  	s6 =	sadd.s32 $0x300, s1;
	s24 =	simm.s32 $0x1;
	[dreg:$0x1b] =	wrdreg s29  }
0x1f: {  	s10 =	simm.s32 $0x1800;
	s30 =	sadd.s32 $0x1800, s3;
	[dreg:$0x1c] =	wrdreg s0  }
0x20: {  	v0 =	vlaneseq.u32;
	s15 =	sadd.s32 $0x100, s1;
	s31 =	sor.u32 $0x10, s3;
	[dreg:$0x1d] =	wrdreg s30  }
0x21: {  	v1 =	vimm.s32 $0x0;
	vm0 =	vmmov $0xffff;
	v3 =	vshrl.u32 v0, $0x3;
	s14 =	sor.u32 $0x28, s3;
	s7 =	simm.s32 $0x0;
	[dreg:$0x1f] =	wrdreg s31  }
0x22: {  	v2 =	vand.u32 $0x7, v0;
	v4 =	vor.u32 $0x8, v0;
	v3 =	vmul.u32 $0x8, v3;
	s0 =	sadd.s32 $0x200, s1;
	s26 =	simm.s32 $0x5000;
	[smem:$0x7FD] =	sst s14  }
.LBB2_1:
0x23: {  	[dreg:$0x1e] =	wrdreg s7  }
0x24: {  	s4 =	rddreg [dreg:$0x17]  }
0x25: {  	s5 =	simm.s32 $0x3000;
	s30 =	rddreg [dreg:$0x18]  }
0x26: {  	[tilespmem:s5], [sflag:$0x1] =	stream.linear.gather [hbm4b:s4+s2], $0x1000, $0x38;
	[tilespmem:$0x1D000] =	vst v63  }
0x27: {  	s31 =	simm.s32 $0x4000;
	s4 =	simm.s32 $0x40;
	s5 =	simm.s32 $0x0  }
0x28: {  	[tilespmem:s31], [sflag:$0x1] =	stream.linear.gather [hbm4b:s30+s2], $0x1000, $0x38;
	[tilespmem:$0x1D000] =	vst v63  }
.LBB2_2:
0x29: {  	p0 =	sne.s32 s4, $0x5FC0;
	[tilespmem:s5+$0x0] =	vst v1;
	s5 =	smov.u32 s4;
	s4 =	sadd.s32 $0x40, s4  }
.Ltmp0:
0x2a: {  	(pc) =	sbr.rel @p0 .LBB2_2-.Ltmp0, $2  }
0x2b: {  	_ =	sdelay $0x2  }
0x2c: {  	s5 =	sshra.s32 s5, $0x2  }
0x2d: {  	[tilespmem:s5+$0x0] =	vst v1  }
0x2e: {  	s8 =	rddreg [dreg:$0x1f];
	_ =	swait.ge [sflag:s24], $0x1000  }
0x2f: {  	[sflag:s24] =	ssyncset.done $0x0  }
0x30: {  	[sflag:s24] =	ssyncadd.s32 $0xFFFFF000  }
0x31: {  	_ =	swait.ge [sflag:s24], $0x1000  }
0x32: {  	[sflag:s24] =	ssyncset.done $0x0  }
0x33: {  	s4 =	simm.s32 $0x3000;
	[sflag:s24] =	ssyncadd.s32 $0xFFFFF000  }
0x34: {  	v5 =	vld [tilespmem:s4+$0x0];
	_ =	sdelay $0x2  }
0x35: {  	s4 =	simm.s32 $0x4000  }
0x36: {  	v6 =	vld [tilespmem:s4+$0x0]  }
0x37: {  	s30 =	simm.s32 $0x0  }
0x38: {  	v7 =	vor.u32 s30, v0  }
0x39: {  	v7 =	vand.u32 $0x7FF, v7  }
0x3a: {  	[tilespmem:v5+s2+$0x0] =	vst.idx.msk $0xffff, v7  }
0x3b: {  	s31 =	simm.s32 $0x3010;
	[tilespmem:v5+s10+$0x0] =	vst.idx.msk $0xffff, v6  }
0x3c: {  	v5 =	vld [tilespmem:s31+$0x0]  }
0x3d: {  	s5 =	simm.s32 $0x10;
	s7 =	simm.s32 $0x20  }
.LBB2_4:
0x3e: {  	p0 =	sne.s32 s7, $0xFF0  }
0x3f: {  	s4 =	sadd.s32 $0x10, s4  }
0x40: {  	v6 =	vld [tilespmem:s4+$0x0];
	_ =	sdelay $0x1  }
0x41: {  	v7 =	vor.u32 s5, v0;
	s5 =	smov.u32 s7  }
.Ltmp1:
0x42: {  	v7 =	vand.u32 $0x7FF, v7;
	(pc) =	sbr.rel @p0 .LBB2_4-.Ltmp1, $4  }
0x43: {  	[tilespmem:v5+s2+$0x0] =	vst.idx.msk $0xffff, v7  }
0x44: {  	s31 =	sadd.s32 $0x10, s31;
	[tilespmem:v5+s10+$0x0] =	vst.idx.msk $0xffff, v6  }
0x45: {  	v5 =	vld [tilespmem:s31+$0x0]  }
0x46: {  	s7 =	sadd.s32 $0x10, s7  }
0x47: {  	_ =	sdelay $0x1  }
0x48: {  	s4 =	sadd.s32 $0x10, s4  }
0x49: {  	v6 =	vld [tilespmem:s4+$0x0];
	_ =	sdelay $0x1  }
0x4a: {  	v7 =	vor.u32 s5, v0  }
0x4b: {  	v7 =	vand.u32 $0x7FF, v7  }
0x4c: {  	s29 =	rddreg [dreg:$0x19];
	[tilespmem:v5+s2+$0x0] =	vst.idx.msk $0xffff, v7  }
0x4d: {  	s5 =	simm.s32 $0x0;
	s7 =	simm.s32 $0x3000;
	s30 =	rddreg [dreg:$0x1a];
	[tilespmem:v5+s10+$0x0] =	vst.idx.msk $0xffff, v6  }
0x4e: {  	[tilespmem:s7], [sflag:$0x1] =	stream.linear.gather [hbm4b:s29+s5], $0x1000, $0x38;
	[tilespmem:$0x1D000] =	vst v63  }
0x4f: {  	s9 =	rddreg [dreg:$0x16];
	s4 =	simm.s32 $0x4000  }
0x50: {  	[tilespmem:s4], [sflag:$0x1] =	stream.linear.gather [hbm4b:s30+s5], $0x1000, $0x38;
	[tilespmem:$0x1D000] =	vst v63  }
0x51: {  	s12 =	rddreg [dreg:$0x1d]  }
0x52: {  	[hbm4b:s9+s5] =	stream.linear.scatter [tilespmem:s12], [sflag:$0xA], $0xC0, $0x38;
	[tilespmem:$0x1D000] =	vst v63  }
0x53: {  	v5 =	vld [tilespmem:s3+$0x0];
	_ =	sdelay $0x4  }
0x54: {  	v6 =	vshll.u32 v5, $0x3  }
0x55: {  	v5 =	vand.u32 $0x7, v5;
	v6 =	vand.u32 $0xFFFFFFC0, v6  }
0x56: {  	v5 =	vor.u32 v5, v6  }
0x57: {  	v6 =	vperm.xlane v5, v2;
	_ =	sdelay $0x1  }
0x58: {  	v6 =	vadd.s32 v3, v6;
	_ =	sdelay $0x4  }
0x59: {  	[tilespmem:s26], [sflag:$0x2] =	stream.indirect_vreg.gather [hbm4b:s1+s5], $0x80, v6, vm0, $0xb8;
	[tilespmem:$0x1D000] =	vst v63  }
0x5a: {  	s25 =	simm.s32 $0x5800;
	v5 =	vperm.xlane v5, v4  }
0x5b: {  	[tilespmem:s25], [sflag:$0x2] =	stream.indirect_vreg.gather [hbm4b:s15+s5], $0x80, v6, vm0, $0xb8;
	[tilespmem:$0x1D000] =	vst v63  }
0x5c: {  	s17 =	simm.s32 $0x6000;
	v5 =	vadd.s32 v3, v5  }
0x5d: {  	[tilespmem:s17], [sflag:$0x2] =	stream.indirect_vreg.gather [hbm4b:s0+s5], $0x80, v6, vm0, $0xb8;
	[tilespmem:$0x1D000] =	vst v63  }
0x5e: {  	s29 =	simm.s32 $0x6800  }
0x5f: {  	[tilespmem:s29], [sflag:$0x2] =	stream.indirect_vreg.gather [hbm4b:s6+s5], $0x80, v6, vm0, $0xb8;
	[tilespmem:$0x1D000] =	vst v63  }
0x60: {  	s22 =	simm.s32 $0x7000  }
0x61: {  	[tilespmem:s22], [sflag:$0x2] =	stream.indirect_vreg.gather [hbm4b:s1+s5], $0x80, v5, vm0, $0xb8;
	[tilespmem:$0x1D000] =	vst v63  }
0x62: {  	s13 =	simm.s32 $0x7800  }
0x63: {  	[tilespmem:s13], [sflag:$0x2] =	stream.indirect_vreg.gather [hbm4b:s15+s5], $0x80, v5, vm0, $0xb8;
	[tilespmem:$0x1D000] =	vst v63  }
0x64: {  	s28 =	simm.s32 $0x8000  }
0x65: {  	[tilespmem:s28], [sflag:$0x2] =	stream.indirect_vreg.gather [hbm4b:s0+s5], $0x80, v5, vm0, $0xb8;
	[tilespmem:$0x1D000] =	vst v63  }
0x66: {  	s12 =	simm.s32 $0x8800  }
0x67: {  	[tilespmem:s12], [sflag:$0x2] =	stream.indirect_vreg.gather [hbm4b:s6+s5], $0x80, v5, vm0, $0xb8;
	[tilespmem:$0x1D000] =	vst v63  }
0x68: {  	v5 =	vld.msk [tilespmem:s8+$0x0], $0xff;
	_ =	sdelay $0x4  }
0x69: {  	v6 =	vshll.u32 v5, $0x3  }
0x6a: {  	v5 =	vand.u32 $0x7, v5;
	v6 =	vand.u32 $0xFFFFFFC0, v6  }
0x6b: {  	v5 =	vor.u32 v5, v6  }
0x6c: {  	v5 =	vperm.xlane v5, v2;
	_ =	sdelay $0x1  }
0x6d: {  	v5 =	vadd.s32 v3, v5;
	_ =	sdelay $0x3  }
0x6e: {  	s20 =	simm.s32 $0x9000  }
0x6f: {  	[tilespmem:s20], [sflag:$0x2] =	stream.indirect_vreg.gather [hbm4b:s1+s5], $0x80, v5, vm0, $0xb8;
	[tilespmem:$0x1D000] =	vst v63  }
0x70: {  	s21 =	simm.s32 $0x9800  }
0x71: {  	[tilespmem:s21], [sflag:$0x2] =	stream.indirect_vreg.gather [hbm4b:s15+s5], $0x80, v5, vm0, $0xb8;
	[tilespmem:$0x1D000] =	vst v63  }
0x72: {  	s18 =	simm.s32 $0xA000  }
0x73: {  	[tilespmem:s18], [sflag:$0x2] =	stream.indirect_vreg.gather [hbm4b:s0+s5], $0x80, v5, vm0, $0xb8;
	[tilespmem:$0x1D000] =	vst v63  }
0x74: {  	s19 =	simm.s32 $0xA800;
	s11 =	rddreg [dreg:$0x4]  }
0x75: {  	[tilespmem:s19], [sflag:$0x2] =	stream.indirect_vreg.gather [hbm4b:s6+s5], $0x80, v5, vm0, $0xb8;
	[tilespmem:$0x1D000] =	vst v63  }
0x76: {  	v5 =	vld [tilespmem:s11+$0x0];
	_ =	sdelay $0x4  }
0x77: {  	v6 =	vshll.u32 v5, $0x3  }
0x78: {  	v5 =	vand.u32 $0x7, v5;
	v6 =	vand.u32 $0xFFFFFFC0, v6  }
0x79: {  	v5 =	vor.u32 v5, v6  }
0x7a: {  	v6 =	vperm.xlane v5, v2;
	_ =	sdelay $0x1  }
0x7b: {  	v6 =	vadd.s32 v3, v6;
	_ =	sdelay $0x3  }
0x7c: {  	s23 =	simm.s32 $0xB000  }
0x7d: {  	[tilespmem:s23], [sflag:$0x3] =	stream.indirect_vreg.gather [hbm4b:s1+s5], $0x80, v6, vm0, $0xb8;
	[tilespmem:$0x1D000] =	vst v63  }
0x7e: {  	s16 =	simm.s32 $0xB800;
	v5 =	vperm.xlane v5, v4  }
0x7f: {  	[tilespmem:s16], [sflag:$0x3] =	stream.indirect_vreg.gather [hbm4b:s15+s5], $0x80, v6, vm0, $0xb8;
	[tilespmem:$0x1D000] =	vst v63  }
0x80: {  	s26 =	simm.s32 $0xC000;
	v5 =	vadd.s32 v3, v5  }
0x81: {  	[tilespmem:s26], [sflag:$0x3] =	stream.indirect_vreg.gather [hbm4b:s0+s5], $0x80, v6, vm0, $0xb8;
	[tilespmem:$0x1D000] =	vst v63  }
0x82: {  	s30 =	simm.s32 $0xC800  }
0x83: {  	[tilespmem:s30], [sflag:$0x3] =	stream.indirect_vreg.gather [hbm4b:s6+s5], $0x80, v6, vm0, $0xb8;
	[tilespmem:$0x1D000] =	vst v63  }
0x84: {  	s8 =	simm.s32 $0xD000  }
0x85: {  	[tilespmem:s8], [sflag:$0x3] =	stream.indirect_vreg.gather [hbm4b:s1+s5], $0x80, v5, vm0, $0xb8;
	[tilespmem:$0x1D000] =	vst v63  }
0x86: {  	s9 =	simm.s32 $0xD800  }
0x87: {  	[tilespmem:s9], [sflag:$0x3] =	stream.indirect_vreg.gather [hbm4b:s15+s5], $0x80, v5, vm0, $0xb8;
	[tilespmem:$0x1D000] =	vst v63  }
0x88: {  	s30 =	simm.s32 $0xE000  }
0x89: {  	[tilespmem:s30], [sflag:$0x3] =	stream.indirect_vreg.gather [hbm4b:s0+s5], $0x80, v5, vm0, $0xb8;
	[tilespmem:$0x1D000] =	vst v63  }
0x8a: {  	s31 =	simm.s32 $0xE800  }
0x8b: {  	[tilespmem:s31], [sflag:$0x3] =	stream.indirect_vreg.gather [hbm4b:s6+s5], $0x80, v5, vm0, $0xb8;
	[tilespmem:$0x1D000] =	vst v63  }
0x8c: {  	v5 =	vld.msk [tilespmem:s14+$0x0], $0xff;
	_ =	sdelay $0x4  }
0x8d: {  	v6 =	vshll.u32 v5, $0x3  }
0x8e: {  	v5 =	vand.u32 $0x7, v5;
	v6 =	vand.u32 $0xFFFFFFC0, v6  }
0x8f: {  	v5 =	vor.u32 v5, v6  }
0x90: {  	v5 =	vperm.xlane v5, v2;
	_ =	sdelay $0x1  }
0x91: {  	v5 =	vadd.s32 v3, v5;
	_ =	sdelay $0x3  }
0x92: {  	s14 =	simm.s32 $0xF000  }
0x93: {  	[tilespmem:s14], [sflag:$0x3] =	stream.indirect_vreg.gather [hbm4b:s1+s5], $0x80, v5, vm0, $0xb8;
	[tilespmem:$0x1D000] =	vst v63  }
0x94: {  	s11 =	simm.s32 $0xF800  }
0x95: {  	[tilespmem:s11], [sflag:$0x3] =	stream.indirect_vreg.gather [hbm4b:s15+s5], $0x80, v5, vm0, $0xb8;
	[tilespmem:$0x1D000] =	vst v63  }
0x96: {  	s16 =	simm.s32 $0x10000  }
0x97: {  	[tilespmem:s16], [sflag:$0x3] =	stream.indirect_vreg.gather [hbm4b:s0+s5], $0x80, v5, vm0, $0xb8;
	[tilespmem:$0x1D000] =	vst v63  }
0x98: {  	s26 =	simm.s32 $0x10800;
	s8 =	rddreg [dreg:$0x5]  }
0x99: {  	[tilespmem:s26], [sflag:$0x3] =	stream.indirect_vreg.gather [hbm4b:s6+s5], $0x80, v5, vm0, $0xb8;
	[tilespmem:$0x1D000] =	vst v63  }
0x9a: {  	v5 =	vld [tilespmem:s8+$0x0];
	_ =	sdelay $0x4  }
0x9b: {  	v6 =	vshll.u32 v5, $0x3  }
0x9c: {  	v5 =	vand.u32 $0x7, v5;
	v6 =	vand.u32 $0xFFFFFFC0, v6  }
0x9d: {  	v5 =	vor.u32 v5, v6  }
0x9e: {  	v6 =	vperm.xlane v5, v2;
	_ =	sdelay $0x1  }
0x9f: {  	v6 =	vadd.s32 v3, v6;
	_ =	sdelay $0x3  }
0xa0: {  	s11 =	simm.s32 $0x11000  }
0xa1: {  	[tilespmem:s11], [sflag:$0x4] =	stream.indirect_vreg.gather [hbm4b:s1+s5], $0x80, v6, vm0, $0xb8;
	[tilespmem:$0x1D000] =	vst v63  }
0xa2: {  	s9 =	simm.s32 $0x11800;
	v5 =	vperm.xlane v5, v4  }
0xa3: {  	[tilespmem:s9], [sflag:$0x4] =	stream.indirect_vreg.gather [hbm4b:s15+s5], $0x80, v6, vm0, $0xb8;
	[tilespmem:$0x1D000] =	vst v63  }
0xa4: {  	s16 =	simm.s32 $0x12000;
	v5 =	vadd.s32 v3, v5  }
0xa5: {  	[tilespmem:s16], [sflag:$0x4] =	stream.indirect_vreg.gather [hbm4b:s0+s5], $0x80, v6, vm0, $0xb8;
	[tilespmem:$0x1D000] =	vst v63  }
0xa6: {  	s26 =	simm.s32 $0x12800  }
0xa7: {  	[tilespmem:s26], [sflag:$0x4] =	stream.indirect_vreg.gather [hbm4b:s6+s5], $0x80, v6, vm0, $0xb8;
	[tilespmem:$0x1D000] =	vst v63  }
0xa8: {  	s8 =	simm.s32 $0x13000  }
0xa9: {  	[tilespmem:s8], [sflag:$0x4] =	stream.indirect_vreg.gather [hbm4b:s1+s5], $0x80, v5, vm0, $0xb8;
	[tilespmem:$0x1D000] =	vst v63  }
0xaa: {  	s9 =	simm.s32 $0x13800  }
0xab: {  	[tilespmem:s9], [sflag:$0x4] =	stream.indirect_vreg.gather [hbm4b:s15+s5], $0x80, v5, vm0, $0xb8;
	[tilespmem:$0x1D000] =	vst v63  }
0xac: {  	s16 =	simm.s32 $0x14000  }
0xad: {  	[tilespmem:s16], [sflag:$0x4] =	stream.indirect_vreg.gather [hbm4b:s0+s5], $0x80, v5, vm0, $0xb8;
	[tilespmem:$0x1D000] =	vst v63  }
0xae: {  	s26 =	simm.s32 $0x14800  }
0xaf: {  	[tilespmem:s26], [sflag:$0x4] =	stream.indirect_vreg.gather [hbm4b:s6+s5], $0x80, v5, vm0, $0xb8;
	[tilespmem:$0x1D000] =	vst v63  }
0xb0: {  	v5 =	vld.msk [tilespmem:s3+$0x40], $0xff;
	_ =	sdelay $0x4  }
0xb1: {  	v6 =	vshll.u32 v5, $0x3  }
0xb2: {  	v5 =	vand.u32 $0x7, v5;
	v6 =	vand.u32 $0xFFFFFFC0, v6  }
0xb3: {  	v5 =	vor.u32 v5, v6  }
0xb4: {  	v5 =	vperm.xlane v5, v2;
	_ =	sdelay $0x1  }
0xb5: {  	v5 =	vadd.s32 v3, v5;
	_ =	sdelay $0x3  }
0xb6: {  	s8 =	simm.s32 $0x15000  }
0xb7: {  	[tilespmem:s8], [sflag:$0x4] =	stream.indirect_vreg.gather [hbm4b:s1+s5], $0x80, v5, vm0, $0xb8;
	[tilespmem:$0x1D000] =	vst v63  }
0xb8: {  	s9 =	simm.s32 $0x15800  }
0xb9: {  	[tilespmem:s9], [sflag:$0x4] =	stream.indirect_vreg.gather [hbm4b:s15+s5], $0x80, v5, vm0, $0xb8;
	[tilespmem:$0x1D000] =	vst v63  }
0xba: {  	s16 =	simm.s32 $0x16000  }
0xbb: {  	[tilespmem:s16], [sflag:$0x4] =	stream.indirect_vreg.gather [hbm4b:s0+s5], $0x80, v5, vm0, $0xb8;
	[tilespmem:$0x1D000] =	vst v63  }
0xbc: {  	s26 =	simm.s32 $0x16800  }
0xbd: {  	[tilespmem:s26], [sflag:$0x4] =	stream.indirect_vreg.gather [hbm4b:s6+s5], $0x80, v5, vm0, $0xb8;
	[tilespmem:$0x1D000] =	vst v63  }
0xbe: {  	v5 =	vld [tilespmem:s3+$0x48];
	_ =	sdelay $0x4  }
0xbf: {  	v6 =	vshll.u32 v5, $0x3  }
0xc0: {  	v5 =	vand.u32 $0x7, v5;
	v6 =	vand.u32 $0xFFFFFFC0, v6  }
0xc1: {  	v5 =	vor.u32 v5, v6  }
0xc2: {  	v6 =	vperm.xlane v5, v2;
	_ =	sdelay $0x1  }
0xc3: {  	v6 =	vadd.s32 v3, v6;
	_ =	sdelay $0x3  }
0xc4: {  	s9 =	simm.s32 $0x17000  }
0xc5: {  	[tilespmem:s9], [sflag:$0x5] =	stream.indirect_vreg.gather [hbm4b:s1+s5], $0x80, v6, vm0, $0xb8;
	[tilespmem:$0x1D000] =	vst v63  }
0xc6: {  	s8 =	simm.s32 $0x17800;
	v5 =	vperm.xlane v5, v4  }
0xc7: {  	[tilespmem:s8], [sflag:$0x5] =	stream.indirect_vreg.gather [hbm4b:s15+s5], $0x80, v6, vm0, $0xb8;
	[tilespmem:$0x1D000] =	vst v63  }
0xc8: {  	s16 =	simm.s32 $0x18000;
	v5 =	vadd.s32 v3, v5  }
0xc9: {  	[tilespmem:s16], [sflag:$0x5] =	stream.indirect_vreg.gather [hbm4b:s0+s5], $0x80, v6, vm0, $0xb8;
	[tilespmem:$0x1D000] =	vst v63  }
0xca: {  	s26 =	simm.s32 $0x18800  }
0xcb: {  	[tilespmem:s26], [sflag:$0x5] =	stream.indirect_vreg.gather [hbm4b:s6+s5], $0x80, v6, vm0, $0xb8;
	[tilespmem:$0x1D000] =	vst v63  }
0xcc: {  	s8 =	simm.s32 $0x19000  }
0xcd: {  	[tilespmem:s8], [sflag:$0x5] =	stream.indirect_vreg.gather [hbm4b:s1+s5], $0x80, v5, vm0, $0xb8;
	[tilespmem:$0x1D000] =	vst v63  }
0xce: {  	s16 =	simm.s32 $0x19800  }
0xcf: {  	[tilespmem:s16], [sflag:$0x5] =	stream.indirect_vreg.gather [hbm4b:s15+s5], $0x80, v5, vm0, $0xb8;
	[tilespmem:$0x1D000] =	vst v63  }
0xd0: {  	s26 =	simm.s32 $0x1A000  }
0xd1: {  	[tilespmem:s26], [sflag:$0x5] =	stream.indirect_vreg.gather [hbm4b:s0+s5], $0x80, v5, vm0, $0xb8;
	[tilespmem:$0x1D000] =	vst v63  }
0xd2: {  	s8 =	simm.s32 $0x1A800  }
0xd3: {  	[tilespmem:s8], [sflag:$0x5] =	stream.indirect_vreg.gather [hbm4b:s6+s5], $0x80, v5, vm0, $0xb8;
	[tilespmem:$0x1D000] =	vst v63  }
0xd4: {  	v5 =	vld.msk [tilespmem:s3+$0x58], $0xff;
	_ =	sdelay $0x4  }
0xd5: {  	v6 =	vshll.u32 v5, $0x3  }
0xd6: {  	v5 =	vand.u32 $0x7, v5;
	v6 =	vand.u32 $0xFFFFFFC0, v6  }
0xd7: {  	v5 =	vor.u32 v5, v6  }
0xd8: {  	v5 =	vperm.xlane v5, v2;
	_ =	sdelay $0x1  }
0xd9: {  	v5 =	vadd.s32 v3, v5;
	_ =	sdelay $0x3  }
0xda: {  	s16 =	simm.s32 $0x1B000  }
0xdb: {  	[tilespmem:s16], [sflag:$0x5] =	stream.indirect_vreg.gather [hbm4b:s1+s5], $0x80, v5, vm0, $0xb8;
	[tilespmem:$0x1D000] =	vst v63  }
0xdc: {  	s26 =	simm.s32 $0x1B800  }
0xdd: {  	[tilespmem:s26], [sflag:$0x5] =	stream.indirect_vreg.gather [hbm4b:s15+s5], $0x80, v5, vm0, $0xb8;
	[tilespmem:$0x1D000] =	vst v63  }
0xde: {  	s8 =	simm.s32 $0x1C000  }
0xdf: {  	[tilespmem:s8], [sflag:$0x5] =	stream.indirect_vreg.gather [hbm4b:s0+s5], $0x80, v5, vm0, $0xb8;
	[tilespmem:$0x1D000] =	vst v63  }
0xe0: {  	s16 =	simm.s32 $0x1C800  }
0xe1: {  	[tilespmem:s16], [sflag:$0x5] =	stream.indirect_vreg.gather [hbm4b:s6+s5], $0x80, v5, vm0, $0xb8;
	[tilespmem:$0x1D000] =	vst v63  }
0xe2: {  	s16 =	simm.s32 $0x2  }
0xe3: {  	_ =	swait.ge [sflag:s16], $0x6000  }
0xe4: {  	s24 =	simm.s32 $0x5000;
	[sflag:s16] =	ssyncset.done $0x0  }
0xe5: {  	s8 =	simm.s32 $0x6;
	s26 =	rddreg [dreg:$0x6];
	[sflag:s16] =	ssyncadd.s32 $0xFFFFA000  }
0xe6: {  	[hbm4b:s26+s5] =	stream.linear.scatter [tilespmem:s24], [sflag:$0x6], $0x6000, $0x38;
	[tilespmem:$0x1D000] =	vst v63  }
0xe7: {  	_ =	swait.ge [sflag:s8], $0x6000  }
0xe8: {  	[sflag:s8] =	ssyncset.done $0x0  }
0xe9: {  	[sflag:s8] =	ssyncadd.s32 $0xFFFFA000  }
0xea: {  	v5 =	vld [tilespmem:s3+$0x60];
	_ =	sdelay $0x4  }
0xeb: {  	v6 =	vshll.u32 v5, $0x3  }
0xec: {  	v5 =	vand.u32 $0x7, v5;
	v6 =	vand.u32 $0xFFFFFFC0, v6  }
0xed: {  	v5 =	vor.u32 v5, v6  }
0xee: {  	v6 =	vperm.xlane v5, v2;
	_ =	sdelay $0x1  }
0xef: {  	v6 =	vadd.s32 v3, v6;
	_ =	sdelay $0x4  }
0xf0: {  	[tilespmem:s24], [sflag:$0x2] =	stream.indirect_vreg.gather [hbm4b:s1+s5], $0x80, v6, vm0, $0xb8;
	[tilespmem:$0x1D000] =	vst v63  }
0xf1: {  	v5 =	vperm.xlane v5, v4  }
0xf2: {  	[tilespmem:s25], [sflag:$0x2] =	stream.indirect_vreg.gather [hbm4b:s15+s5], $0x80, v6, vm0, $0xb8;
	[tilespmem:$0x1D000] =	vst v63  }
0xf3: {  	v5 =	vadd.s32 v3, v5  }
0xf4: {  	[tilespmem:s17], [sflag:$0x2] =	stream.indirect_vreg.gather [hbm4b:s0+s5], $0x80, v6, vm0, $0xb8;
	[tilespmem:$0x1D000] =	vst v63  }
0xf5: {  	_ = 	snop  }
0xf6: {  	[tilespmem:s29], [sflag:$0x2] =	stream.indirect_vreg.gather [hbm4b:s6+s5], $0x80, v6, vm0, $0xb8;
	[tilespmem:$0x1D000] =	vst v63  }
0xf7: {  	_ = 	snop  }
0xf8: {  	[tilespmem:s22], [sflag:$0x2] =	stream.indirect_vreg.gather [hbm4b:s1+s5], $0x80, v5, vm0, $0xb8;
	[tilespmem:$0x1D000] =	vst v63  }
0xf9: {  	_ = 	snop  }
0xfa: {  	[tilespmem:s13], [sflag:$0x2] =	stream.indirect_vreg.gather [hbm4b:s15+s5], $0x80, v5, vm0, $0xb8;
	[tilespmem:$0x1D000] =	vst v63  }
0xfb: {  	_ = 	snop  }
0xfc: {  	[tilespmem:s28], [sflag:$0x2] =	stream.indirect_vreg.gather [hbm4b:s0+s5], $0x80, v5, vm0, $0xb8;
	[tilespmem:$0x1D000] =	vst v63  }
0xfd: {  	_ = 	snop  }
0xfe: {  	[tilespmem:s12], [sflag:$0x2] =	stream.indirect_vreg.gather [hbm4b:s6+s5], $0x80, v5, vm0, $0xb8;
	[tilespmem:$0x1D000] =	vst v63  }
0xff: {  	v5 =	vld.msk [tilespmem:s3+$0x70], $0xff;
	_ =	sdelay $0x4  }
0x100: {  	v6 =	vshll.u32 v5, $0x3  }
0x101: {  	v5 =	vand.u32 $0x7, v5;
	v6 =	vand.u32 $0xFFFFFFC0, v6  }
0x102: {  	v5 =	vor.u32 v5, v6  }
0x103: {  	v5 =	vperm.xlane v5, v2;
	_ =	sdelay $0x1  }
0x104: {  	v5 =	vadd.s32 v3, v5;
	_ =	sdelay $0x4  }
0x105: {  	[tilespmem:s20], [sflag:$0x2] =	stream.indirect_vreg.gather [hbm4b:s1+s5], $0x80, v5, vm0, $0xb8;
	[tilespmem:$0x1D000] =	vst v63  }
0x106: {  	_ = 	snop  }
0x107: {  	[tilespmem:s21], [sflag:$0x2] =	stream.indirect_vreg.gather [hbm4b:s15+s5], $0x80, v5, vm0, $0xb8;
	[tilespmem:$0x1D000] =	vst v63  }
0x108: {  	_ = 	snop  }
0x109: {  	[tilespmem:s18], [sflag:$0x2] =	stream.indirect_vreg.gather [hbm4b:s0+s5], $0x80, v5, vm0, $0xb8;
	[tilespmem:$0x1D000] =	vst v63  }
0x10a: {  	s12 =	simm.s32 $0x3  }
0x10b: {  	[tilespmem:s19], [sflag:$0x2] =	stream.indirect_vreg.gather [hbm4b:s6+s5], $0x80, v5, vm0, $0xb8;
	[tilespmem:$0x1D000] =	vst v63  }
0x10c: {  	_ =	swait.ge [sflag:s12], $0x6000  }
0x10d: {  	[sflag:s12] =	ssyncset.done $0x0  }
0x10e: {  	s13 =	simm.s32 $0x7;
	s28 =	rddreg [dreg:$0x7];
	[sflag:s12] =	ssyncadd.s32 $0xFFFFA000  }
0x10f: {  	[hbm4b:s28+s5] =	stream.linear.scatter [tilespmem:s23], [sflag:$0x7], $0x6000, $0x38;
	[tilespmem:$0x1D000] =	vst v63  }
0x110: {  	_ =	swait.ge [sflag:s13], $0x6000  }
0x111: {  	[sflag:s13] =	ssyncset.done $0x0  }
0x112: {  	[sflag:s13] =	ssyncadd.s32 $0xFFFFA000  }
0x113: {  	v5 =	vld [tilespmem:s3+$0x78];
	_ =	sdelay $0x4  }
0x114: {  	v6 =	vshll.u32 v5, $0x3  }
0x115: {  	v5 =	vand.u32 $0x7, v5;
	v6 =	vand.u32 $0xFFFFFFC0, v6  }
0x116: {  	v5 =	vor.u32 v5, v6  }
0x117: {  	v6 =	vperm.xlane v5, v2;
	_ =	sdelay $0x1  }
0x118: {  	v6 =	vadd.s32 v3, v6;
	_ =	sdelay $0x4  }
0x119: {  	[tilespmem:s23], [sflag:$0x3] =	stream.indirect_vreg.gather [hbm4b:s1+s5], $0x80, v6, vm0, $0xb8;
	[tilespmem:$0x1D000] =	vst v63  }
0x11a: {  	s29 =	simm.s32 $0xB800;
	v5 =	vperm.xlane v5, v4  }
0x11b: {  	[tilespmem:s29], [sflag:$0x3] =	stream.indirect_vreg.gather [hbm4b:s15+s5], $0x80, v6, vm0, $0xb8;
	[tilespmem:$0x1D000] =	vst v63  }
0x11c: {  	s17 =	simm.s32 $0xC000;
	v5 =	vadd.s32 v3, v5  }
0x11d: {  	[tilespmem:s17], [sflag:$0x3] =	stream.indirect_vreg.gather [hbm4b:s0+s5], $0x80, v6, vm0, $0xb8;
	[tilespmem:$0x1D000] =	vst v63  }
0x11e: {  	s18 =	simm.s32 $0xC800  }
0x11f: {  	[tilespmem:s18], [sflag:$0x3] =	stream.indirect_vreg.gather [hbm4b:s6+s5], $0x80, v6, vm0, $0xb8;
	[tilespmem:$0x1D000] =	vst v63  }
0x120: {  	s19 =	simm.s32 $0xD000  }
0x121: {  	[tilespmem:s19], [sflag:$0x3] =	stream.indirect_vreg.gather [hbm4b:s1+s5], $0x80, v5, vm0, $0xb8;
	[tilespmem:$0x1D000] =	vst v63  }
0x122: {  	s20 =	simm.s32 $0xD800  }
0x123: {  	[tilespmem:s20], [sflag:$0x3] =	stream.indirect_vreg.gather [hbm4b:s15+s5], $0x80, v5, vm0, $0xb8;
	[tilespmem:$0x1D000] =	vst v63  }
0x124: {  	_ = 	snop  }
0x125: {  	[tilespmem:s30], [sflag:$0x3] =	stream.indirect_vreg.gather [hbm4b:s0+s5], $0x80, v5, vm0, $0xb8;
	[tilespmem:$0x1D000] =	vst v63  }
0x126: {  	_ = 	snop  }
0x127: {  	[tilespmem:s31], [sflag:$0x3] =	stream.indirect_vreg.gather [hbm4b:s6+s5], $0x80, v5, vm0, $0xb8;
	[tilespmem:$0x1D000] =	vst v63  }
0x128: {  	v5 =	vld.msk [tilespmem:s3+$0x88], $0xff;
	_ =	sdelay $0x4  }
0x129: {  	v6 =	vshll.u32 v5, $0x3  }
0x12a: {  	v5 =	vand.u32 $0x7, v5;
	v6 =	vand.u32 $0xFFFFFFC0, v6  }
0x12b: {  	v5 =	vor.u32 v5, v6  }
0x12c: {  	v5 =	vperm.xlane v5, v2;
	_ =	sdelay $0x1  }
0x12d: {  	v5 =	vadd.s32 v3, v5;
	_ =	sdelay $0x4  }
0x12e: {  	[tilespmem:s14], [sflag:$0x3] =	stream.indirect_vreg.gather [hbm4b:s1+s5], $0x80, v5, vm0, $0xb8;
	[tilespmem:$0x1D000] =	vst v63  }
0x12f: {  	s21 =	simm.s32 $0xF800  }
0x130: {  	[tilespmem:s21], [sflag:$0x3] =	stream.indirect_vreg.gather [hbm4b:s15+s5], $0x80, v5, vm0, $0xb8;
	[tilespmem:$0x1D000] =	vst v63  }
0x131: {  	s22 =	simm.s32 $0x10000  }
0x132: {  	[tilespmem:s22], [sflag:$0x3] =	stream.indirect_vreg.gather [hbm4b:s0+s5], $0x80, v5, vm0, $0xb8;
	[tilespmem:$0x1D000] =	vst v63  }
0x133: {  	s24 =	simm.s32 $0x10800;
	s14 =	simm.s32 $0x4  }
0x134: {  	[tilespmem:s24], [sflag:$0x3] =	stream.indirect_vreg.gather [hbm4b:s6+s5], $0x80, v5, vm0, $0xb8;
	[tilespmem:$0x1D000] =	vst v63  }
0x135: {  	_ =	swait.ge [sflag:s14], $0x6000  }
0x136: {  	[sflag:s14] =	ssyncset.done $0x0  }
0x137: {  	s17 =	simm.s32 $0x8;
	s25 =	rddreg [dreg:$0x8];
	[sflag:s14] =	ssyncadd.s32 $0xFFFFA000  }
0x138: {  	[hbm4b:s25+s5] =	stream.linear.scatter [tilespmem:s11], [sflag:$0x8], $0x6000, $0x38;
	[tilespmem:$0x1D000] =	vst v63  }
0x139: {  	_ =	swait.ge [sflag:s17], $0x6000  }
0x13a: {  	[sflag:s17] =	ssyncset.done $0x0  }
0x13b: {  	[sflag:s17] =	ssyncadd.s32 $0xFFFFA000  }
0x13c: {  	v5 =	vld [tilespmem:s3+$0x90];
	_ =	sdelay $0x4  }
0x13d: {  	v6 =	vshll.u32 v5, $0x3  }
0x13e: {  	v5 =	vand.u32 $0x7, v5;
	v6 =	vand.u32 $0xFFFFFFC0, v6  }
0x13f: {  	v5 =	vor.u32 v5, v6  }
0x140: {  	v6 =	vperm.xlane v5, v2;
	_ =	sdelay $0x1  }
0x141: {  	v6 =	vadd.s32 v3, v6;
	_ =	sdelay $0x4  }
0x142: {  	[tilespmem:s11], [sflag:$0x4] =	stream.indirect_vreg.gather [hbm4b:s1+s5], $0x80, v6, vm0, $0xb8;
	[tilespmem:$0x1D000] =	vst v63  }
0x143: {  	s28 =	simm.s32 $0x11800;
	v5 =	vperm.xlane v5, v4  }
0x144: {  	[tilespmem:s28], [sflag:$0x4] =	stream.indirect_vreg.gather [hbm4b:s15+s5], $0x80, v6, vm0, $0xb8;
	[tilespmem:$0x1D000] =	vst v63  }
0x145: {  	s29 =	simm.s32 $0x12000;
	v5 =	vadd.s32 v3, v5  }
0x146: {  	[tilespmem:s29], [sflag:$0x4] =	stream.indirect_vreg.gather [hbm4b:s0+s5], $0x80, v6, vm0, $0xb8;
	[tilespmem:$0x1D000] =	vst v63  }
0x147: {  	s30 =	simm.s32 $0x12800  }
0x148: {  	[tilespmem:s30], [sflag:$0x4] =	stream.indirect_vreg.gather [hbm4b:s6+s5], $0x80, v6, vm0, $0xb8;
	[tilespmem:$0x1D000] =	vst v63  }
0x149: {  	s18 =	simm.s32 $0x13000  }
0x14a: {  	[tilespmem:s18], [sflag:$0x4] =	stream.indirect_vreg.gather [hbm4b:s1+s5], $0x80, v5, vm0, $0xb8;
	[tilespmem:$0x1D000] =	vst v63  }
0x14b: {  	s19 =	simm.s32 $0x13800  }
0x14c: {  	[tilespmem:s19], [sflag:$0x4] =	stream.indirect_vreg.gather [hbm4b:s15+s5], $0x80, v5, vm0, $0xb8;
	[tilespmem:$0x1D000] =	vst v63  }
0x14d: {  	s20 =	simm.s32 $0x14000  }
0x14e: {  	[tilespmem:s20], [sflag:$0x4] =	stream.indirect_vreg.gather [hbm4b:s0+s5], $0x80, v5, vm0, $0xb8;
	[tilespmem:$0x1D000] =	vst v63  }
0x14f: {  	s21 =	simm.s32 $0x14800  }
0x150: {  	[tilespmem:s21], [sflag:$0x4] =	stream.indirect_vreg.gather [hbm4b:s6+s5], $0x80, v5, vm0, $0xb8;
	[tilespmem:$0x1D000] =	vst v63  }
0x151: {  	v5 =	vld.msk [tilespmem:s3+$0xA0], $0xff;
	_ =	sdelay $0x4  }
0x152: {  	v6 =	vshll.u32 v5, $0x3  }
0x153: {  	v5 =	vand.u32 $0x7, v5;
	v6 =	vand.u32 $0xFFFFFFC0, v6  }
0x154: {  	v5 =	vor.u32 v5, v6  }
0x155: {  	v5 =	vperm.xlane v5, v2;
	_ =	sdelay $0x1  }
0x156: {  	v5 =	vadd.s32 v3, v5;
	_ =	sdelay $0x3  }
0x157: {  	s22 =	simm.s32 $0x15000  }
0x158: {  	[tilespmem:s22], [sflag:$0x4] =	stream.indirect_vreg.gather [hbm4b:s1+s5], $0x80, v5, vm0, $0xb8;
	[tilespmem:$0x1D000] =	vst v63  }
0x159: {  	s24 =	simm.s32 $0x15800  }
0x15a: {  	[tilespmem:s24], [sflag:$0x4] =	stream.indirect_vreg.gather [hbm4b:s15+s5], $0x80, v5, vm0, $0xb8;
	[tilespmem:$0x1D000] =	vst v63  }
0x15b: {  	s25 =	simm.s32 $0x16000  }
0x15c: {  	[tilespmem:s25], [sflag:$0x4] =	stream.indirect_vreg.gather [hbm4b:s0+s5], $0x80, v5, vm0, $0xb8;
	[tilespmem:$0x1D000] =	vst v63  }
0x15d: {  	s28 =	simm.s32 $0x16800;
	s18 =	simm.s32 $0x5  }
0x15e: {  	[tilespmem:s28], [sflag:$0x4] =	stream.indirect_vreg.gather [hbm4b:s6+s5], $0x80, v5, vm0, $0xb8;
	[tilespmem:$0x1D000] =	vst v63  }
0x15f: {  	_ =	swait.ge [sflag:s18], $0x6000  }
0x160: {  	[sflag:s18] =	ssyncset.done $0x0  }
0x161: {  	s19 =	simm.s32 $0x9;
	s29 =	rddreg [dreg:$0x9];
	[sflag:s18] =	ssyncadd.s32 $0xFFFFA000  }
0x162: {  	[hbm4b:s29+s5] =	stream.linear.scatter [tilespmem:s9], [sflag:$0x9], $0x6000, $0x38;
	[tilespmem:$0x1D000] =	vst v63  }
0x163: {  	_ =	swait.ge [sflag:s19], $0x6000  }
0x164: {  	[sflag:s19] =	ssyncset.done $0x0  }
0x165: {  	[sflag:s19] =	ssyncadd.s32 $0xFFFFA000  }
0x166: {  	v5 =	vld [tilespmem:s3+$0xA8];
	_ =	sdelay $0x4  }
0x167: {  	v6 =	vshll.u32 v5, $0x3  }
0x168: {  	v5 =	vand.u32 $0x7, v5;
	v6 =	vand.u32 $0xFFFFFFC0, v6  }
0x169: {  	v5 =	vor.u32 v5, v6  }
0x16a: {  	v6 =	vperm.xlane v5, v2;
	_ =	sdelay $0x1  }
0x16b: {  	v6 =	vadd.s32 v3, v6;
	_ =	sdelay $0x4  }
0x16c: {  	[tilespmem:s9], [sflag:$0x5] =	stream.indirect_vreg.gather [hbm4b:s1+s5], $0x80, v6, vm0, $0xb8;
	[tilespmem:$0x1D000] =	vst v63  }
0x16d: {  	s30 =	simm.s32 $0x17800;
	v5 =	vperm.xlane v5, v4  }
0x16e: {  	[tilespmem:s30], [sflag:$0x5] =	stream.indirect_vreg.gather [hbm4b:s15+s5], $0x80, v6, vm0, $0xb8;
	[tilespmem:$0x1D000] =	vst v63  }
0x16f: {  	s20 =	simm.s32 $0x18000;
	v5 =	vadd.s32 v3, v5  }
0x170: {  	[tilespmem:s20], [sflag:$0x5] =	stream.indirect_vreg.gather [hbm4b:s0+s5], $0x80, v6, vm0, $0xb8;
	[tilespmem:$0x1D000] =	vst v63  }
0x171: {  	s21 =	simm.s32 $0x18800  }
0x172: {  	[tilespmem:s21], [sflag:$0x5] =	stream.indirect_vreg.gather [hbm4b:s6+s5], $0x80, v6, vm0, $0xb8;
	[tilespmem:$0x1D000] =	vst v63  }
0x173: {  	s22 =	simm.s32 $0x19000  }
0x174: {  	[tilespmem:s22], [sflag:$0x5] =	stream.indirect_vreg.gather [hbm4b:s1+s5], $0x80, v5, vm0, $0xb8;
	[tilespmem:$0x1D000] =	vst v63  }
0x175: {  	s24 =	simm.s32 $0x19800  }
0x176: {  	[tilespmem:s24], [sflag:$0x5] =	stream.indirect_vreg.gather [hbm4b:s15+s5], $0x80, v5, vm0, $0xb8;
	[tilespmem:$0x1D000] =	vst v63  }
0x177: {  	s25 =	simm.s32 $0x1A000  }
0x178: {  	[tilespmem:s25], [sflag:$0x5] =	stream.indirect_vreg.gather [hbm4b:s0+s5], $0x80, v5, vm0, $0xb8;
	[tilespmem:$0x1D000] =	vst v63  }
0x179: {  	s28 =	simm.s32 $0x1A800  }
0x17a: {  	[tilespmem:s28], [sflag:$0x5] =	stream.indirect_vreg.gather [hbm4b:s6+s5], $0x80, v5, vm0, $0xb8;
	[tilespmem:$0x1D000] =	vst v63  }
0x17b: {  	v5 =	vld.msk [tilespmem:s3+$0xB8], $0xff;
	_ =	sdelay $0x4  }
0x17c: {  	v6 =	vshll.u32 v5, $0x3  }
0x17d: {  	v5 =	vand.u32 $0x7, v5;
	v6 =	vand.u32 $0xFFFFFFC0, v6  }
0x17e: {  	v5 =	vor.u32 v5, v6  }
0x17f: {  	v5 =	vperm.xlane v5, v2;
	_ =	sdelay $0x1  }
0x180: {  	v5 =	vadd.s32 v3, v5;
	_ =	sdelay $0x3  }
0x181: {  	s29 =	simm.s32 $0x1B000  }
0x182: {  	[tilespmem:s29], [sflag:$0x5] =	stream.indirect_vreg.gather [hbm4b:s1+s5], $0x80, v5, vm0, $0xb8;
	[tilespmem:$0x1D000] =	vst v63  }
0x183: {  	s30 =	simm.s32 $0x1B800  }
0x184: {  	[tilespmem:s30], [sflag:$0x5] =	stream.indirect_vreg.gather [hbm4b:s15+s5], $0x80, v5, vm0, $0xb8;
	[tilespmem:$0x1D000] =	vst v63  }
0x185: {  	s20 =	simm.s32 $0x1C000  }
0x186: {  	[tilespmem:s20], [sflag:$0x5] =	stream.indirect_vreg.gather [hbm4b:s0+s5], $0x80, v5, vm0, $0xb8;
	[tilespmem:$0x1D000] =	vst v63  }
0x187: {  	s21 =	simm.s32 $0x1C800  }
0x188: {  	[tilespmem:s21], [sflag:$0x5] =	stream.indirect_vreg.gather [hbm4b:s6+s5], $0x80, v5, vm0, $0xb8;
	[tilespmem:$0x1D000] =	vst v63  }
0x189: {  	_ =	swait.ge [sflag:s16], $0x6000  }
0x18a: {  	[sflag:s16] =	ssyncset.done $0x0  }
0x18b: {  	s26 =	simm.s32 $0x5000;
	s22 =	rddreg [dreg:$0xa];
	[sflag:s16] =	ssyncadd.s32 $0xFFFFA000  }
0x18c: {  	[hbm4b:s22+s5] =	stream.linear.scatter [tilespmem:s26], [sflag:$0x6], $0x6000, $0x38;
	[tilespmem:$0x1D000] =	vst v63  }
0x18d: {  	_ =	swait.ge [sflag:s12], $0x6000  }
0x18e: {  	[sflag:s12] =	ssyncset.done $0x0  }
0x18f: {  	s24 =	rddreg [dreg:$0xb];
	[sflag:s12] =	ssyncadd.s32 $0xFFFFA000  }
0x190: {  	[hbm4b:s24+s5] =	stream.linear.scatter [tilespmem:s23], [sflag:$0x7], $0x6000, $0x38;
	[tilespmem:$0x1D000] =	vst v63  }
0x191: {  	_ =	swait.ge [sflag:s14], $0x6000  }
0x192: {  	[sflag:s14] =	ssyncset.done $0x0  }
0x193: {  	s25 =	rddreg [dreg:$0xc];
	[sflag:s14] =	ssyncadd.s32 $0xFFFFA000  }
0x194: {  	[hbm4b:s25+s5] =	stream.linear.scatter [tilespmem:s11], [sflag:$0x8], $0x6000, $0x38;
	[tilespmem:$0x1D000] =	vst v63  }
0x195: {  	_ =	swait.ge [sflag:s18], $0x6000  }
0x196: {  	[sflag:s18] =	ssyncset.done $0x0  }
0x197: {  	s28 =	rddreg [dreg:$0xd];
	[sflag:s18] =	ssyncadd.s32 $0xFFFFA000  }
0x198: {  	[hbm4b:s28+s5] =	stream.linear.scatter [tilespmem:s9], [sflag:$0x9], $0x6000, $0x38;
	[tilespmem:$0x1D000] =	vst v63  }
0x199: {  	_ =	swait.ge [sflag:s8], $0x6000  }
0x19a: {  	[sflag:s8] =	ssyncset.done $0x0  }
0x19b: {  	[sflag:s8] =	ssyncadd.s32 $0xFFFFA000  }
0x19c: {  	_ =	swait.ge [sflag:s13], $0x6000  }
0x19d: {  	[sflag:s13] =	ssyncset.done $0x0  }
0x19e: {  	[sflag:s13] =	ssyncadd.s32 $0xFFFFA000  }
0x19f: {  	_ =	swait.ge [sflag:s17], $0x6000  }
0x1a0: {  	[sflag:s17] =	ssyncset.done $0x0  }
0x1a1: {  	[sflag:s17] =	ssyncadd.s32 $0xFFFFA000  }
0x1a2: {  	_ =	swait.ge [sflag:s19], $0x6000  }
0x1a3: {  	[sflag:s19] =	ssyncset.done $0x0  }
0x1a4: {  	s29 =	simm.s32 $0xA;
	[sflag:s19] =	ssyncadd.s32 $0xFFFFA000  }
0x1a5: {  	_ =	swait.ge [sflag:s29], $0xC0  }
0x1a6: {  	[sflag:s29] =	ssyncset.done $0x0  }
0x1a7: {  	s24 =	simm.s32 $0x1;
	[sflag:s29] =	ssyncadd.s32 $0xFFFFFF40  }
0x1a8: {  	_ =	swait.ge [sflag:s24], $0x1000  }
0x1a9: {  	[sflag:s24] =	ssyncset.done $0x0  }
0x1aa: {  	[sflag:s24] =	ssyncadd.s32 $0xFFFFF000  }
0x1ab: {  	_ =	swait.ge [sflag:s24], $0x1000  }
0x1ac: {  	[sflag:s24] =	ssyncset.done $0x0  }
0x1ad: {  	s30 =	simm.s32 $0x3000;
	[sflag:s24] =	ssyncadd.s32 $0xFFFFF000  }
0x1ae: {  	v5 =	vld [tilespmem:s30+$0x0];
	_ =	sdelay $0x3  }
0x1af: {  	v6 =	vld [tilespmem:s4+$0x0];
	_ =	sdelay $0x1  }
0x1b0: {  	v7 =	vor.u32 s5, v0  }
0x1b1: {  	v7 =	vand.u32 $0x7FF, v7  }
0x1b2: {  	[tilespmem:v5+s2+$0x0] =	vst.idx.msk $0xffff, v7  }
0x1b3: {  	s31 =	simm.s32 $0x3010;
	[tilespmem:v5+s10+$0x0] =	vst.idx.msk $0xffff, v6  }
0x1b4: {  	v5 =	vld [tilespmem:s31+$0x0]  }
0x1b5: {  	s7 =	simm.s32 $0x20;
	s5 =	simm.s32 $0x10  }
.LBB2_6:
0x1b6: {  	p0 =	sne.s32 s7, $0xFF0  }
0x1b7: {  	s4 =	sadd.s32 $0x10, s4  }
0x1b8: {  	v6 =	vld [tilespmem:s4+$0x0];
	_ =	sdelay $0x1  }
0x1b9: {  	v7 =	vor.u32 s5, v0;
	s5 =	smov.u32 s7  }
.Ltmp2:
0x1ba: {  	v7 =	vand.u32 $0x7FF, v7;
	(pc) =	sbr.rel @p0 .LBB2_6-.Ltmp2, $4  }
0x1bb: {  	[tilespmem:v5+s2+$0x0] =	vst.idx.msk $0xffff, v7  }
0x1bc: {  	s31 =	sadd.s32 $0x10, s31;
	[tilespmem:v5+s10+$0x0] =	vst.idx.msk $0xffff, v6  }
0x1bd: {  	v5 =	vld [tilespmem:s31+$0x0]  }
0x1be: {  	s7 =	sadd.s32 $0x10, s7  }
0x1bf: {  	_ =	sdelay $0x1  }
0x1c0: {  	s4 =	sadd.s32 $0x10, s4  }
0x1c1: {  	v6 =	vld [tilespmem:s4+$0x0];
	_ =	sdelay $0x1  }
0x1c2: {  	v7 =	vor.u32 s5, v0  }
0x1c3: {  	v7 =	vand.u32 $0x7FF, v7  }
0x1c4: {  	s20 =	rddreg [dreg:$0x1b];
	[tilespmem:v5+s2+$0x0] =	vst.idx.msk $0xffff, v7  }
0x1c5: {  	s21 =	rddreg [dreg:$0x1d];
	[tilespmem:v5+s10+$0x0] =	vst.idx.msk $0xffff, v6  }
0x1c6: {  	[hbm4b:s20+s2] =	stream.linear.scatter [tilespmem:s21], [sflag:$0xA], $0xC0, $0x38;
	[tilespmem:$0x1D000] =	vst v63  }
0x1c7: {  	v5 =	vld [tilespmem:s3+$0x0];
	_ =	sdelay $0x4  }
0x1c8: {  	v6 =	vshll.u32 v5, $0x3  }
0x1c9: {  	v5 =	vand.u32 $0x7, v5;
	v6 =	vand.u32 $0xFFFFFFC0, v6  }
0x1ca: {  	v5 =	vor.u32 v5, v6  }
0x1cb: {  	v6 =	vperm.xlane v5, v2;
	_ =	sdelay $0x1  }
0x1cc: {  	v6 =	vadd.s32 v3, v6;
	_ =	sdelay $0x4  }
0x1cd: {  	[tilespmem:s26], [sflag:$0x2] =	stream.indirect_vreg.gather [hbm4b:s1+s2], $0x80, v6, vm0, $0xb8;
	[tilespmem:$0x1D000] =	vst v63  }
0x1ce: {  	s20 =	simm.s32 $0x5800;
	v5 =	vperm.xlane v5, v4  }
0x1cf: {  	[tilespmem:s20], [sflag:$0x2] =	stream.indirect_vreg.gather [hbm4b:s15+s2], $0x80, v6, vm0, $0xb8;
	[tilespmem:$0x1D000] =	vst v63  }
0x1d0: {  	s7 =	simm.s32 $0x6000;
	v5 =	vadd.s32 v3, v5  }
0x1d1: {  	[tilespmem:s7], [sflag:$0x2] =	stream.indirect_vreg.gather [hbm4b:s0+s2], $0x80, v6, vm0, $0xb8;
	[tilespmem:$0x1D000] =	vst v63  }
0x1d2: {  	s21 =	simm.s32 $0x6800  }
0x1d3: {  	[tilespmem:s21], [sflag:$0x2] =	stream.indirect_vreg.gather [hbm4b:s6+s2], $0x80, v6, vm0, $0xb8;
	[tilespmem:$0x1D000] =	vst v63  }
0x1d4: {  	s11 =	simm.s32 $0x7000  }
0x1d5: {  	[tilespmem:s11], [sflag:$0x2] =	stream.indirect_vreg.gather [hbm4b:s1+s2], $0x80, v5, vm0, $0xb8;
	[tilespmem:$0x1D000] =	vst v63  }
0x1d6: {  	s13 =	simm.s32 $0x7800  }
0x1d7: {  	[tilespmem:s13], [sflag:$0x2] =	stream.indirect_vreg.gather [hbm4b:s15+s2], $0x80, v5, vm0, $0xb8;
	[tilespmem:$0x1D000] =	vst v63  }
0x1d8: {  	s17 =	simm.s32 $0x8000  }
0x1d9: {  	[tilespmem:s17], [sflag:$0x2] =	stream.indirect_vreg.gather [hbm4b:s0+s2], $0x80, v5, vm0, $0xb8;
	[tilespmem:$0x1D000] =	vst v63  }
0x1da: {  	s12 =	simm.s32 $0x8800;
	s22 =	rddreg [dreg:$0x1f]  }
0x1db: {  	[tilespmem:s12], [sflag:$0x2] =	stream.indirect_vreg.gather [hbm4b:s6+s2], $0x80, v5, vm0, $0xb8;
	[tilespmem:$0x1D000] =	vst v63  }
0x1dc: {  	v5 =	vld.msk [tilespmem:s22+$0x0], $0xff;
	_ =	sdelay $0x4  }
0x1dd: {  	v6 =	vshll.u32 v5, $0x3  }
0x1de: {  	v5 =	vand.u32 $0x7, v5;
	v6 =	vand.u32 $0xFFFFFFC0, v6  }
0x1df: {  	v5 =	vor.u32 v5, v6  }
0x1e0: {  	v5 =	vperm.xlane v5, v2;
	_ =	sdelay $0x1  }
0x1e1: {  	v5 =	vadd.s32 v3, v5;
	_ =	sdelay $0x3  }
0x1e2: {  	s8 =	simm.s32 $0x9000  }
0x1e3: {  	[tilespmem:s8], [sflag:$0x2] =	stream.indirect_vreg.gather [hbm4b:s1+s2], $0x80, v5, vm0, $0xb8;
	[tilespmem:$0x1D000] =	vst v63  }
0x1e4: {  	s9 =	simm.s32 $0x9800  }
0x1e5: {  	[tilespmem:s9], [sflag:$0x2] =	stream.indirect_vreg.gather [hbm4b:s15+s2], $0x80, v5, vm0, $0xb8;
	[tilespmem:$0x1D000] =	vst v63  }
0x1e6: {  	s18 =	simm.s32 $0xA000  }
0x1e7: {  	[tilespmem:s18], [sflag:$0x2] =	stream.indirect_vreg.gather [hbm4b:s0+s2], $0x80, v5, vm0, $0xb8;
	[tilespmem:$0x1D000] =	vst v63  }
0x1e8: {  	s19 =	simm.s32 $0xA800;
	s23 =	rddreg [dreg:$0x4]  }
0x1e9: {  	[tilespmem:s19], [sflag:$0x2] =	stream.indirect_vreg.gather [hbm4b:s6+s2], $0x80, v5, vm0, $0xb8;
	[tilespmem:$0x1D000] =	vst v63  }
0x1ea: {  	v5 =	vld [tilespmem:s23+$0x0];
	_ =	sdelay $0x4  }
0x1eb: {  	v6 =	vshll.u32 v5, $0x3  }
0x1ec: {  	v5 =	vand.u32 $0x7, v5;
	v6 =	vand.u32 $0xFFFFFFC0, v6  }
0x1ed: {  	v5 =	vor.u32 v5, v6  }
0x1ee: {  	v6 =	vperm.xlane v5, v2;
	_ =	sdelay $0x1  }
0x1ef: {  	v6 =	vadd.s32 v3, v6;
	_ =	sdelay $0x3  }
0x1f0: {  	s23 =	simm.s32 $0xB000  }
0x1f1: {  	[tilespmem:s23], [sflag:$0x3] =	stream.indirect_vreg.gather [hbm4b:s1+s2], $0x80, v6, vm0, $0xb8;
	[tilespmem:$0x1D000] =	vst v63  }
0x1f2: {  	s25 =	simm.s32 $0xB800;
	v5 =	vperm.xlane v5, v4  }
0x1f3: {  	[tilespmem:s25], [sflag:$0x3] =	stream.indirect_vreg.gather [hbm4b:s15+s2], $0x80, v6, vm0, $0xb8;
	[tilespmem:$0x1D000] =	vst v63  }
0x1f4: {  	s28 =	simm.s32 $0xC000;
	v5 =	vadd.s32 v3, v5  }
0x1f5: {  	[tilespmem:s28], [sflag:$0x3] =	stream.indirect_vreg.gather [hbm4b:s0+s2], $0x80, v6, vm0, $0xb8;
	[tilespmem:$0x1D000] =	vst v63  }
0x1f6: {  	s29 =	simm.s32 $0xC800  }
0x1f7: {  	[tilespmem:s29], [sflag:$0x3] =	stream.indirect_vreg.gather [hbm4b:s6+s2], $0x80, v6, vm0, $0xb8;
	[tilespmem:$0x1D000] =	vst v63  }
0x1f8: {  	s30 =	simm.s32 $0xD000  }
0x1f9: {  	[tilespmem:s30], [sflag:$0x3] =	stream.indirect_vreg.gather [hbm4b:s1+s2], $0x80, v5, vm0, $0xb8;
	[tilespmem:$0x1D000] =	vst v63  }
0x1fa: {  	s31 =	simm.s32 $0xD800  }
0x1fb: {  	[tilespmem:s31], [sflag:$0x3] =	stream.indirect_vreg.gather [hbm4b:s15+s2], $0x80, v5, vm0, $0xb8;
	[tilespmem:$0x1D000] =	vst v63  }
0x1fc: {  	s14 =	sld [smem:$0x7FD];
	s28 =	simm.s32 $0xE000  }
0x1fd: {  	[tilespmem:s28], [sflag:$0x3] =	stream.indirect_vreg.gather [hbm4b:s0+s2], $0x80, v5, vm0, $0xb8;
	[tilespmem:$0x1D000] =	vst v63  }
0x1fe: {  	s29 =	simm.s32 $0xE800  }
0x1ff: {  	[tilespmem:s29], [sflag:$0x3] =	stream.indirect_vreg.gather [hbm4b:s6+s2], $0x80, v5, vm0, $0xb8;
	[tilespmem:$0x1D000] =	vst v63  }
0x200: {  	v5 =	vld.msk [tilespmem:s14+$0x0], $0xff;
	_ =	sdelay $0x4  }
0x201: {  	v6 =	vshll.u32 v5, $0x3  }
0x202: {  	v5 =	vand.u32 $0x7, v5;
	v6 =	vand.u32 $0xFFFFFFC0, v6  }
0x203: {  	v5 =	vor.u32 v5, v6  }
0x204: {  	v5 =	vperm.xlane v5, v2;
	_ =	sdelay $0x1  }
0x205: {  	v5 =	vadd.s32 v3, v5;
	_ =	sdelay $0x3  }
0x206: {  	s30 =	simm.s32 $0xF000  }
0x207: {  	[tilespmem:s30], [sflag:$0x3] =	stream.indirect_vreg.gather [hbm4b:s1+s2], $0x80, v5, vm0, $0xb8;
	[tilespmem:$0x1D000] =	vst v63  }
0x208: {  	s31 =	simm.s32 $0xF800  }
0x209: {  	[tilespmem:s31], [sflag:$0x3] =	stream.indirect_vreg.gather [hbm4b:s15+s2], $0x80, v5, vm0, $0xb8;
	[tilespmem:$0x1D000] =	vst v63  }
0x20a: {  	s5 =	simm.s32 $0x10000  }
0x20b: {  	[tilespmem:s5], [sflag:$0x3] =	stream.indirect_vreg.gather [hbm4b:s0+s2], $0x80, v5, vm0, $0xb8;
	[tilespmem:$0x1D000] =	vst v63  }
0x20c: {  	s16 =	simm.s32 $0x10800;
	s22 =	rddreg [dreg:$0x5]  }
0x20d: {  	[tilespmem:s16], [sflag:$0x3] =	stream.indirect_vreg.gather [hbm4b:s6+s2], $0x80, v5, vm0, $0xb8;
	[tilespmem:$0x1D000] =	vst v63  }
0x20e: {  	v5 =	vld [tilespmem:s22+$0x0];
	_ =	sdelay $0x4  }
0x20f: {  	v6 =	vshll.u32 v5, $0x3  }
0x210: {  	v5 =	vand.u32 $0x7, v5;
	v6 =	vand.u32 $0xFFFFFFC0, v6  }
0x211: {  	v5 =	vor.u32 v5, v6  }
0x212: {  	v6 =	vperm.xlane v5, v2;
	_ =	sdelay $0x1  }
0x213: {  	v6 =	vadd.s32 v3, v6;
	_ =	sdelay $0x3  }
0x214: {  	s5 =	simm.s32 $0x11000  }
0x215: {  	[tilespmem:s5], [sflag:$0x4] =	stream.indirect_vreg.gather [hbm4b:s1+s2], $0x80, v6, vm0, $0xb8;
	[tilespmem:$0x1D000] =	vst v63  }
0x216: {  	s25 =	simm.s32 $0x11800;
	v5 =	vperm.xlane v5, v4  }
0x217: {  	[tilespmem:s25], [sflag:$0x4] =	stream.indirect_vreg.gather [hbm4b:s15+s2], $0x80, v6, vm0, $0xb8;
	[tilespmem:$0x1D000] =	vst v63  }
0x218: {  	s16 =	simm.s32 $0x12000;
	v5 =	vadd.s32 v3, v5  }
0x219: {  	[tilespmem:s16], [sflag:$0x4] =	stream.indirect_vreg.gather [hbm4b:s0+s2], $0x80, v6, vm0, $0xb8;
	[tilespmem:$0x1D000] =	vst v63  }
0x21a: {  	s22 =	simm.s32 $0x12800  }
0x21b: {  	[tilespmem:s22], [sflag:$0x4] =	stream.indirect_vreg.gather [hbm4b:s6+s2], $0x80, v6, vm0, $0xb8;
	[tilespmem:$0x1D000] =	vst v63  }
0x21c: {  	s25 =	simm.s32 $0x13000  }
0x21d: {  	[tilespmem:s25], [sflag:$0x4] =	stream.indirect_vreg.gather [hbm4b:s1+s2], $0x80, v5, vm0, $0xb8;
	[tilespmem:$0x1D000] =	vst v63  }
0x21e: {  	s16 =	simm.s32 $0x13800  }
0x21f: {  	[tilespmem:s16], [sflag:$0x4] =	stream.indirect_vreg.gather [hbm4b:s15+s2], $0x80, v5, vm0, $0xb8;
	[tilespmem:$0x1D000] =	vst v63  }
0x220: {  	s22 =	simm.s32 $0x14000  }
0x221: {  	[tilespmem:s22], [sflag:$0x4] =	stream.indirect_vreg.gather [hbm4b:s0+s2], $0x80, v5, vm0, $0xb8;
	[tilespmem:$0x1D000] =	vst v63  }
0x222: {  	s25 =	simm.s32 $0x14800  }
0x223: {  	[tilespmem:s25], [sflag:$0x4] =	stream.indirect_vreg.gather [hbm4b:s6+s2], $0x80, v5, vm0, $0xb8;
	[tilespmem:$0x1D000] =	vst v63  }
0x224: {  	v5 =	vld.msk [tilespmem:s3+$0x40], $0xff;
	_ =	sdelay $0x4  }
0x225: {  	v6 =	vshll.u32 v5, $0x3  }
0x226: {  	v5 =	vand.u32 $0x7, v5;
	v6 =	vand.u32 $0xFFFFFFC0, v6  }
0x227: {  	v5 =	vor.u32 v5, v6  }
0x228: {  	v5 =	vperm.xlane v5, v2;
	_ =	sdelay $0x1  }
0x229: {  	v5 =	vadd.s32 v3, v5;
	_ =	sdelay $0x3  }
0x22a: {  	s16 =	simm.s32 $0x15000  }
0x22b: {  	[tilespmem:s16], [sflag:$0x4] =	stream.indirect_vreg.gather [hbm4b:s1+s2], $0x80, v5, vm0, $0xb8;
	[tilespmem:$0x1D000] =	vst v63  }
0x22c: {  	s22 =	simm.s32 $0x15800  }
0x22d: {  	[tilespmem:s22], [sflag:$0x4] =	stream.indirect_vreg.gather [hbm4b:s15+s2], $0x80, v5, vm0, $0xb8;
	[tilespmem:$0x1D000] =	vst v63  }
0x22e: {  	s25 =	simm.s32 $0x16000  }
0x22f: {  	[tilespmem:s25], [sflag:$0x4] =	stream.indirect_vreg.gather [hbm4b:s0+s2], $0x80, v5, vm0, $0xb8;
	[tilespmem:$0x1D000] =	vst v63  }
0x230: {  	s16 =	simm.s32 $0x16800  }
0x231: {  	[tilespmem:s16], [sflag:$0x4] =	stream.indirect_vreg.gather [hbm4b:s6+s2], $0x80, v5, vm0, $0xb8;
	[tilespmem:$0x1D000] =	vst v63  }
0x232: {  	v5 =	vld [tilespmem:s3+$0x48];
	_ =	sdelay $0x4  }
0x233: {  	v6 =	vshll.u32 v5, $0x3  }
0x234: {  	v5 =	vand.u32 $0x7, v5;
	v6 =	vand.u32 $0xFFFFFFC0, v6  }
0x235: {  	v5 =	vor.u32 v5, v6  }
0x236: {  	v6 =	vperm.xlane v5, v2;
	_ =	sdelay $0x1  }
0x237: {  	v6 =	vadd.s32 v3, v6;
	_ =	sdelay $0x3  }
0x238: {  	s16 =	simm.s32 $0x17000  }
0x239: {  	[tilespmem:s16], [sflag:$0x5] =	stream.indirect_vreg.gather [hbm4b:s1+s2], $0x80, v6, vm0, $0xb8;
	[tilespmem:$0x1D000] =	vst v63  }
0x23a: {  	s22 =	simm.s32 $0x17800;
	v5 =	vperm.xlane v5, v4  }
0x23b: {  	[tilespmem:s22], [sflag:$0x5] =	stream.indirect_vreg.gather [hbm4b:s15+s2], $0x80, v6, vm0, $0xb8;
	[tilespmem:$0x1D000] =	vst v63  }
0x23c: {  	s25 =	simm.s32 $0x18000;
	v5 =	vadd.s32 v3, v5  }
0x23d: {  	[tilespmem:s25], [sflag:$0x5] =	stream.indirect_vreg.gather [hbm4b:s0+s2], $0x80, v6, vm0, $0xb8;
	[tilespmem:$0x1D000] =	vst v63  }
0x23e: {  	s22 =	simm.s32 $0x18800  }
0x23f: {  	[tilespmem:s22], [sflag:$0x5] =	stream.indirect_vreg.gather [hbm4b:s6+s2], $0x80, v6, vm0, $0xb8;
	[tilespmem:$0x1D000] =	vst v63  }
0x240: {  	s25 =	simm.s32 $0x19000  }
0x241: {  	[tilespmem:s25], [sflag:$0x5] =	stream.indirect_vreg.gather [hbm4b:s1+s2], $0x80, v5, vm0, $0xb8;
	[tilespmem:$0x1D000] =	vst v63  }
0x242: {  	s22 =	simm.s32 $0x19800  }
0x243: {  	[tilespmem:s22], [sflag:$0x5] =	stream.indirect_vreg.gather [hbm4b:s15+s2], $0x80, v5, vm0, $0xb8;
	[tilespmem:$0x1D000] =	vst v63  }
0x244: {  	s25 =	simm.s32 $0x1A000  }
0x245: {  	[tilespmem:s25], [sflag:$0x5] =	stream.indirect_vreg.gather [hbm4b:s0+s2], $0x80, v5, vm0, $0xb8;
	[tilespmem:$0x1D000] =	vst v63  }
0x246: {  	s22 =	simm.s32 $0x1A800  }
0x247: {  	[tilespmem:s22], [sflag:$0x5] =	stream.indirect_vreg.gather [hbm4b:s6+s2], $0x80, v5, vm0, $0xb8;
	[tilespmem:$0x1D000] =	vst v63  }
0x248: {  	v5 =	vld.msk [tilespmem:s3+$0x58], $0xff;
	_ =	sdelay $0x4  }
0x249: {  	v6 =	vshll.u32 v5, $0x3  }
0x24a: {  	v5 =	vand.u32 $0x7, v5;
	v6 =	vand.u32 $0xFFFFFFC0, v6  }
0x24b: {  	v5 =	vor.u32 v5, v6  }
0x24c: {  	v5 =	vperm.xlane v5, v2;
	_ =	sdelay $0x1  }
0x24d: {  	v5 =	vadd.s32 v3, v5;
	_ =	sdelay $0x3  }
0x24e: {  	s25 =	simm.s32 $0x1B000  }
0x24f: {  	[tilespmem:s25], [sflag:$0x5] =	stream.indirect_vreg.gather [hbm4b:s1+s2], $0x80, v5, vm0, $0xb8;
	[tilespmem:$0x1D000] =	vst v63  }
0x250: {  	s22 =	simm.s32 $0x1B800  }
0x251: {  	[tilespmem:s22], [sflag:$0x5] =	stream.indirect_vreg.gather [hbm4b:s15+s2], $0x80, v5, vm0, $0xb8;
	[tilespmem:$0x1D000] =	vst v63  }
0x252: {  	s25 =	simm.s32 $0x1C000  }
0x253: {  	[tilespmem:s25], [sflag:$0x5] =	stream.indirect_vreg.gather [hbm4b:s0+s2], $0x80, v5, vm0, $0xb8;
	[tilespmem:$0x1D000] =	vst v63  }
0x254: {  	s22 =	simm.s32 $0x1C800  }
0x255: {  	[tilespmem:s22], [sflag:$0x5] =	stream.indirect_vreg.gather [hbm4b:s6+s2], $0x80, v5, vm0, $0xb8;
	[tilespmem:$0x1D000] =	vst v63  }
0x256: {  	s22 =	simm.s32 $0x2  }
0x257: {  	_ =	swait.ge [sflag:s22], $0x6000  }
0x258: {  	[sflag:s22] =	ssyncset.done $0x0  }
0x259: {  	s25 =	rddreg [dreg:$0xe];
	[sflag:s22] =	ssyncadd.s32 $0xFFFFA000  }
0x25a: {  	[hbm4b:s25+s2] =	stream.linear.scatter [tilespmem:s26], [sflag:$0x6], $0x6000, $0x38;
	[tilespmem:$0x1D000] =	vst v63  }
0x25b: {  	s25 =	simm.s32 $0x6  }
0x25c: {  	_ =	swait.ge [sflag:s25], $0x6000  }
0x25d: {  	[sflag:s25] =	ssyncset.done $0x0  }
0x25e: {  	[sflag:s25] =	ssyncadd.s32 $0xFFFFA000  }
0x25f: {  	v5 =	vld [tilespmem:s3+$0x60];
	_ =	sdelay $0x4  }
0x260: {  	v6 =	vshll.u32 v5, $0x3  }
0x261: {  	v5 =	vand.u32 $0x7, v5;
	v6 =	vand.u32 $0xFFFFFFC0, v6  }
0x262: {  	v5 =	vor.u32 v5, v6  }
0x263: {  	v6 =	vperm.xlane v5, v2;
	_ =	sdelay $0x1  }
0x264: {  	v6 =	vadd.s32 v3, v6;
	_ =	sdelay $0x4  }
0x265: {  	[tilespmem:s26], [sflag:$0x2] =	stream.indirect_vreg.gather [hbm4b:s1+s2], $0x80, v6, vm0, $0xb8;
	[tilespmem:$0x1D000] =	vst v63  }
0x266: {  	v5 =	vperm.xlane v5, v4  }
0x267: {  	[tilespmem:s20], [sflag:$0x2] =	stream.indirect_vreg.gather [hbm4b:s15+s2], $0x80, v6, vm0, $0xb8;
	[tilespmem:$0x1D000] =	vst v63  }
0x268: {  	v5 =	vadd.s32 v3, v5  }
0x269: {  	[tilespmem:s7], [sflag:$0x2] =	stream.indirect_vreg.gather [hbm4b:s0+s2], $0x80, v6, vm0, $0xb8;
	[tilespmem:$0x1D000] =	vst v63  }
0x26a: {  	_ = 	snop  }
0x26b: {  	[tilespmem:s21], [sflag:$0x2] =	stream.indirect_vreg.gather [hbm4b:s6+s2], $0x80, v6, vm0, $0xb8;
	[tilespmem:$0x1D000] =	vst v63  }
0x26c: {  	_ = 	snop  }
0x26d: {  	[tilespmem:s11], [sflag:$0x2] =	stream.indirect_vreg.gather [hbm4b:s1+s2], $0x80, v5, vm0, $0xb8;
	[tilespmem:$0x1D000] =	vst v63  }
0x26e: {  	_ = 	snop  }
0x26f: {  	[tilespmem:s13], [sflag:$0x2] =	stream.indirect_vreg.gather [hbm4b:s15+s2], $0x80, v5, vm0, $0xb8;
	[tilespmem:$0x1D000] =	vst v63  }
0x270: {  	_ = 	snop  }
0x271: {  	[tilespmem:s17], [sflag:$0x2] =	stream.indirect_vreg.gather [hbm4b:s0+s2], $0x80, v5, vm0, $0xb8;
	[tilespmem:$0x1D000] =	vst v63  }
0x272: {  	_ = 	snop  }
0x273: {  	[tilespmem:s12], [sflag:$0x2] =	stream.indirect_vreg.gather [hbm4b:s6+s2], $0x80, v5, vm0, $0xb8;
	[tilespmem:$0x1D000] =	vst v63  }
0x274: {  	v5 =	vld.msk [tilespmem:s3+$0x70], $0xff;
	_ =	sdelay $0x4  }
0x275: {  	v6 =	vshll.u32 v5, $0x3  }
0x276: {  	v5 =	vand.u32 $0x7, v5;
	v6 =	vand.u32 $0xFFFFFFC0, v6  }
0x277: {  	v5 =	vor.u32 v5, v6  }
0x278: {  	v5 =	vperm.xlane v5, v2;
	_ =	sdelay $0x1  }
0x279: {  	v5 =	vadd.s32 v3, v5;
	_ =	sdelay $0x4  }
0x27a: {  	[tilespmem:s8], [sflag:$0x2] =	stream.indirect_vreg.gather [hbm4b:s1+s2], $0x80, v5, vm0, $0xb8;
	[tilespmem:$0x1D000] =	vst v63  }
0x27b: {  	_ = 	snop  }
0x27c: {  	[tilespmem:s9], [sflag:$0x2] =	stream.indirect_vreg.gather [hbm4b:s15+s2], $0x80, v5, vm0, $0xb8;
	[tilespmem:$0x1D000] =	vst v63  }
0x27d: {  	_ = 	snop  }
0x27e: {  	[tilespmem:s18], [sflag:$0x2] =	stream.indirect_vreg.gather [hbm4b:s0+s2], $0x80, v5, vm0, $0xb8;
	[tilespmem:$0x1D000] =	vst v63  }
0x27f: {  	s7 =	simm.s32 $0x3  }
0x280: {  	[tilespmem:s19], [sflag:$0x2] =	stream.indirect_vreg.gather [hbm4b:s6+s2], $0x80, v5, vm0, $0xb8;
	[tilespmem:$0x1D000] =	vst v63  }
0x281: {  	_ =	swait.ge [sflag:s7], $0x6000  }
0x282: {  	[sflag:s7] =	ssyncset.done $0x0  }
0x283: {  	s8 =	simm.s32 $0x7;
	s18 =	rddreg [dreg:$0xf];
	[sflag:s7] =	ssyncadd.s32 $0xFFFFA000  }
0x284: {  	[hbm4b:s18+s2] =	stream.linear.scatter [tilespmem:s23], [sflag:$0x7], $0x6000, $0x38;
	[tilespmem:$0x1D000] =	vst v63  }
0x285: {  	_ =	swait.ge [sflag:s8], $0x6000  }
0x286: {  	[sflag:s8] =	ssyncset.done $0x0  }
0x287: {  	[sflag:s8] =	ssyncadd.s32 $0xFFFFA000  }
0x288: {  	v5 =	vld [tilespmem:s3+$0x78];
	_ =	sdelay $0x4  }
0x289: {  	v6 =	vshll.u32 v5, $0x3  }
0x28a: {  	v5 =	vand.u32 $0x7, v5;
	v6 =	vand.u32 $0xFFFFFFC0, v6  }
0x28b: {  	v5 =	vor.u32 v5, v6  }
0x28c: {  	v6 =	vperm.xlane v5, v2;
	_ =	sdelay $0x1  }
0x28d: {  	v6 =	vadd.s32 v3, v6;
	_ =	sdelay $0x4  }
0x28e: {  	[tilespmem:s23], [sflag:$0x3] =	stream.indirect_vreg.gather [hbm4b:s1+s2], $0x80, v6, vm0, $0xb8;
	[tilespmem:$0x1D000] =	vst v63  }
0x28f: {  	s19 =	simm.s32 $0xB800;
	v5 =	vperm.xlane v5, v4  }
0x290: {  	[tilespmem:s19], [sflag:$0x3] =	stream.indirect_vreg.gather [hbm4b:s15+s2], $0x80, v6, vm0, $0xb8;
	[tilespmem:$0x1D000] =	vst v63  }
0x291: {  	s20 =	simm.s32 $0xC000;
	v5 =	vadd.s32 v3, v5  }
0x292: {  	[tilespmem:s20], [sflag:$0x3] =	stream.indirect_vreg.gather [hbm4b:s0+s2], $0x80, v6, vm0, $0xb8;
	[tilespmem:$0x1D000] =	vst v63  }
0x293: {  	s21 =	simm.s32 $0xC800  }
0x294: {  	[tilespmem:s21], [sflag:$0x3] =	stream.indirect_vreg.gather [hbm4b:s6+s2], $0x80, v6, vm0, $0xb8;
	[tilespmem:$0x1D000] =	vst v63  }
0x295: {  	s9 =	simm.s32 $0xD000  }
0x296: {  	[tilespmem:s9], [sflag:$0x3] =	stream.indirect_vreg.gather [hbm4b:s1+s2], $0x80, v5, vm0, $0xb8;
	[tilespmem:$0x1D000] =	vst v63  }
0x297: {  	s11 =	simm.s32 $0xD800  }
0x298: {  	[tilespmem:s11], [sflag:$0x3] =	stream.indirect_vreg.gather [hbm4b:s15+s2], $0x80, v5, vm0, $0xb8;
	[tilespmem:$0x1D000] =	vst v63  }
0x299: {  	_ = 	snop  }
0x29a: {  	[tilespmem:s28], [sflag:$0x3] =	stream.indirect_vreg.gather [hbm4b:s0+s2], $0x80, v5, vm0, $0xb8;
	[tilespmem:$0x1D000] =	vst v63  }
0x29b: {  	_ = 	snop  }
0x29c: {  	[tilespmem:s29], [sflag:$0x3] =	stream.indirect_vreg.gather [hbm4b:s6+s2], $0x80, v5, vm0, $0xb8;
	[tilespmem:$0x1D000] =	vst v63  }
0x29d: {  	v5 =	vld.msk [tilespmem:s3+$0x88], $0xff;
	_ =	sdelay $0x4  }
0x29e: {  	v6 =	vshll.u32 v5, $0x3  }
0x29f: {  	v5 =	vand.u32 $0x7, v5;
	v6 =	vand.u32 $0xFFFFFFC0, v6  }
0x2a0: {  	v5 =	vor.u32 v5, v6  }
0x2a1: {  	v5 =	vperm.xlane v5, v2;
	_ =	sdelay $0x1  }
0x2a2: {  	v5 =	vadd.s32 v3, v5;
	_ =	sdelay $0x4  }
0x2a3: {  	[tilespmem:s30], [sflag:$0x3] =	stream.indirect_vreg.gather [hbm4b:s1+s2], $0x80, v5, vm0, $0xb8;
	[tilespmem:$0x1D000] =	vst v63  }
0x2a4: {  	_ = 	snop  }
0x2a5: {  	[tilespmem:s31], [sflag:$0x3] =	stream.indirect_vreg.gather [hbm4b:s15+s2], $0x80, v5, vm0, $0xb8;
	[tilespmem:$0x1D000] =	vst v63  }
0x2a6: {  	s12 =	simm.s32 $0x10000  }
0x2a7: {  	[tilespmem:s12], [sflag:$0x3] =	stream.indirect_vreg.gather [hbm4b:s0+s2], $0x80, v5, vm0, $0xb8;
	[tilespmem:$0x1D000] =	vst v63  }
0x2a8: {  	s13 =	simm.s32 $0x10800;
	s9 =	simm.s32 $0x4  }
0x2a9: {  	[tilespmem:s13], [sflag:$0x3] =	stream.indirect_vreg.gather [hbm4b:s6+s2], $0x80, v5, vm0, $0xb8;
	[tilespmem:$0x1D000] =	vst v63  }
0x2aa: {  	_ =	swait.ge [sflag:s9], $0x6000  }
0x2ab: {  	[sflag:s9] =	ssyncset.done $0x0  }
0x2ac: {  	s11 =	simm.s32 $0x8;
	s17 =	rddreg [dreg:$0x10];
	[sflag:s9] =	ssyncadd.s32 $0xFFFFA000  }
0x2ad: {  	[hbm4b:s17+s2] =	stream.linear.scatter [tilespmem:s5], [sflag:$0x8], $0x6000, $0x38;
	[tilespmem:$0x1D000] =	vst v63  }
0x2ae: {  	_ =	swait.ge [sflag:s11], $0x6000  }
0x2af: {  	[sflag:s11] =	ssyncset.done $0x0  }
0x2b0: {  	[sflag:s11] =	ssyncadd.s32 $0xFFFFA000  }
0x2b1: {  	v5 =	vld [tilespmem:s3+$0x90];
	_ =	sdelay $0x4  }
0x2b2: {  	v6 =	vshll.u32 v5, $0x3  }
0x2b3: {  	v5 =	vand.u32 $0x7, v5;
	v6 =	vand.u32 $0xFFFFFFC0, v6  }
0x2b4: {  	v5 =	vor.u32 v5, v6  }
0x2b5: {  	v6 =	vperm.xlane v5, v2;
	_ =	sdelay $0x1  }
0x2b6: {  	v6 =	vadd.s32 v3, v6;
	_ =	sdelay $0x4  }
0x2b7: {  	[tilespmem:s5], [sflag:$0x4] =	stream.indirect_vreg.gather [hbm4b:s1+s2], $0x80, v6, vm0, $0xb8;
	[tilespmem:$0x1D000] =	vst v63  }
0x2b8: {  	s18 =	simm.s32 $0x11800;
	v5 =	vperm.xlane v5, v4  }
0x2b9: {  	[tilespmem:s18], [sflag:$0x4] =	stream.indirect_vreg.gather [hbm4b:s15+s2], $0x80, v6, vm0, $0xb8;
	[tilespmem:$0x1D000] =	vst v63  }
0x2ba: {  	s19 =	simm.s32 $0x12000;
	v5 =	vadd.s32 v3, v5  }
0x2bb: {  	[tilespmem:s19], [sflag:$0x4] =	stream.indirect_vreg.gather [hbm4b:s0+s2], $0x80, v6, vm0, $0xb8;
	[tilespmem:$0x1D000] =	vst v63  }
0x2bc: {  	s20 =	simm.s32 $0x12800  }
0x2bd: {  	[tilespmem:s20], [sflag:$0x4] =	stream.indirect_vreg.gather [hbm4b:s6+s2], $0x80, v6, vm0, $0xb8;
	[tilespmem:$0x1D000] =	vst v63  }
0x2be: {  	s21 =	simm.s32 $0x13000  }
0x2bf: {  	[tilespmem:s21], [sflag:$0x4] =	stream.indirect_vreg.gather [hbm4b:s1+s2], $0x80, v5, vm0, $0xb8;
	[tilespmem:$0x1D000] =	vst v63  }
0x2c0: {  	s28 =	simm.s32 $0x13800  }
0x2c1: {  	[tilespmem:s28], [sflag:$0x4] =	stream.indirect_vreg.gather [hbm4b:s15+s2], $0x80, v5, vm0, $0xb8;
	[tilespmem:$0x1D000] =	vst v63  }
0x2c2: {  	s29 =	simm.s32 $0x14000  }
0x2c3: {  	[tilespmem:s29], [sflag:$0x4] =	stream.indirect_vreg.gather [hbm4b:s0+s2], $0x80, v5, vm0, $0xb8;
	[tilespmem:$0x1D000] =	vst v63  }
0x2c4: {  	s30 =	simm.s32 $0x14800  }
0x2c5: {  	[tilespmem:s30], [sflag:$0x4] =	stream.indirect_vreg.gather [hbm4b:s6+s2], $0x80, v5, vm0, $0xb8;
	[tilespmem:$0x1D000] =	vst v63  }
0x2c6: {  	v5 =	vld.msk [tilespmem:s3+$0xA0], $0xff;
	_ =	sdelay $0x4  }
0x2c7: {  	v6 =	vshll.u32 v5, $0x3  }
0x2c8: {  	v5 =	vand.u32 $0x7, v5;
	v6 =	vand.u32 $0xFFFFFFC0, v6  }
0x2c9: {  	v5 =	vor.u32 v5, v6  }
0x2ca: {  	v5 =	vperm.xlane v5, v2;
	_ =	sdelay $0x1  }
0x2cb: {  	v5 =	vadd.s32 v3, v5;
	_ =	sdelay $0x3  }
0x2cc: {  	s31 =	simm.s32 $0x15000  }
0x2cd: {  	[tilespmem:s31], [sflag:$0x4] =	stream.indirect_vreg.gather [hbm4b:s1+s2], $0x80, v5, vm0, $0xb8;
	[tilespmem:$0x1D000] =	vst v63  }
0x2ce: {  	s12 =	simm.s32 $0x15800  }
0x2cf: {  	[tilespmem:s12], [sflag:$0x4] =	stream.indirect_vreg.gather [hbm4b:s15+s2], $0x80, v5, vm0, $0xb8;
	[tilespmem:$0x1D000] =	vst v63  }
0x2d0: {  	s13 =	simm.s32 $0x16000  }
0x2d1: {  	[tilespmem:s13], [sflag:$0x4] =	stream.indirect_vreg.gather [hbm4b:s0+s2], $0x80, v5, vm0, $0xb8;
	[tilespmem:$0x1D000] =	vst v63  }
0x2d2: {  	s17 =	simm.s32 $0x16800;
	s12 =	simm.s32 $0x5  }
0x2d3: {  	[tilespmem:s17], [sflag:$0x4] =	stream.indirect_vreg.gather [hbm4b:s6+s2], $0x80, v5, vm0, $0xb8;
	[tilespmem:$0x1D000] =	vst v63  }
0x2d4: {  	_ =	swait.ge [sflag:s12], $0x6000  }
0x2d5: {  	[sflag:s12] =	ssyncset.done $0x0  }
0x2d6: {  	s13 =	simm.s32 $0x9;
	s18 =	rddreg [dreg:$0x11];
	[sflag:s12] =	ssyncadd.s32 $0xFFFFA000  }
0x2d7: {  	[hbm4b:s18+s2] =	stream.linear.scatter [tilespmem:s16], [sflag:$0x9], $0x6000, $0x38;
	[tilespmem:$0x1D000] =	vst v63  }
0x2d8: {  	_ =	swait.ge [sflag:s13], $0x6000  }
0x2d9: {  	[sflag:s13] =	ssyncset.done $0x0  }
0x2da: {  	[sflag:s13] =	ssyncadd.s32 $0xFFFFA000  }
0x2db: {  	v5 =	vld [tilespmem:s3+$0xA8];
	_ =	sdelay $0x4  }
0x2dc: {  	v6 =	vshll.u32 v5, $0x3  }
0x2dd: {  	v5 =	vand.u32 $0x7, v5;
	v6 =	vand.u32 $0xFFFFFFC0, v6  }
0x2de: {  	v5 =	vor.u32 v5, v6  }
0x2df: {  	v6 =	vperm.xlane v5, v2;
	_ =	sdelay $0x1  }
0x2e0: {  	v6 =	vadd.s32 v3, v6;
	_ =	sdelay $0x4  }
0x2e1: {  	[tilespmem:s16], [sflag:$0x5] =	stream.indirect_vreg.gather [hbm4b:s1+s2], $0x80, v6, vm0, $0xb8;
	[tilespmem:$0x1D000] =	vst v63  }
0x2e2: {  	s19 =	simm.s32 $0x17800;
	v5 =	vperm.xlane v5, v4  }
0x2e3: {  	[tilespmem:s19], [sflag:$0x5] =	stream.indirect_vreg.gather [hbm4b:s15+s2], $0x80, v6, vm0, $0xb8;
	[tilespmem:$0x1D000] =	vst v63  }
0x2e4: {  	s20 =	simm.s32 $0x18000;
	v5 =	vadd.s32 v3, v5  }
0x2e5: {  	[tilespmem:s20], [sflag:$0x5] =	stream.indirect_vreg.gather [hbm4b:s0+s2], $0x80, v6, vm0, $0xb8;
	[tilespmem:$0x1D000] =	vst v63  }
0x2e6: {  	s21 =	simm.s32 $0x18800  }
0x2e7: {  	[tilespmem:s21], [sflag:$0x5] =	stream.indirect_vreg.gather [hbm4b:s6+s2], $0x80, v6, vm0, $0xb8;
	[tilespmem:$0x1D000] =	vst v63  }
0x2e8: {  	s28 =	simm.s32 $0x19000  }
0x2e9: {  	[tilespmem:s28], [sflag:$0x5] =	stream.indirect_vreg.gather [hbm4b:s1+s2], $0x80, v5, vm0, $0xb8;
	[tilespmem:$0x1D000] =	vst v63  }
0x2ea: {  	s29 =	simm.s32 $0x19800  }
0x2eb: {  	[tilespmem:s29], [sflag:$0x5] =	stream.indirect_vreg.gather [hbm4b:s15+s2], $0x80, v5, vm0, $0xb8;
	[tilespmem:$0x1D000] =	vst v63  }
0x2ec: {  	s30 =	simm.s32 $0x1A000  }
0x2ed: {  	[tilespmem:s30], [sflag:$0x5] =	stream.indirect_vreg.gather [hbm4b:s0+s2], $0x80, v5, vm0, $0xb8;
	[tilespmem:$0x1D000] =	vst v63  }
0x2ee: {  	s31 =	simm.s32 $0x1A800  }
0x2ef: {  	[tilespmem:s31], [sflag:$0x5] =	stream.indirect_vreg.gather [hbm4b:s6+s2], $0x80, v5, vm0, $0xb8;
	[tilespmem:$0x1D000] =	vst v63  }
0x2f0: {  	v5 =	vld.msk [tilespmem:s3+$0xB8], $0xff;
	_ =	sdelay $0x4  }
0x2f1: {  	v6 =	vshll.u32 v5, $0x3  }
0x2f2: {  	v5 =	vand.u32 $0x7, v5;
	v6 =	vand.u32 $0xFFFFFFC0, v6  }
0x2f3: {  	v5 =	vor.u32 v5, v6  }
0x2f4: {  	v5 =	vperm.xlane v5, v2;
	_ =	sdelay $0x1  }
0x2f5: {  	v5 =	vadd.s32 v3, v5;
	_ =	sdelay $0x3  }
0x2f6: {  	s17 =	simm.s32 $0x1B000  }
0x2f7: {  	[tilespmem:s17], [sflag:$0x5] =	stream.indirect_vreg.gather [hbm4b:s1+s2], $0x80, v5, vm0, $0xb8;
	[tilespmem:$0x1D000] =	vst v63  }
0x2f8: {  	s18 =	simm.s32 $0x1B800  }
0x2f9: {  	[tilespmem:s18], [sflag:$0x5] =	stream.indirect_vreg.gather [hbm4b:s15+s2], $0x80, v5, vm0, $0xb8;
	[tilespmem:$0x1D000] =	vst v63  }
0x2fa: {  	s19 =	simm.s32 $0x1C000  }
0x2fb: {  	[tilespmem:s19], [sflag:$0x5] =	stream.indirect_vreg.gather [hbm4b:s0+s2], $0x80, v5, vm0, $0xb8;
	[tilespmem:$0x1D000] =	vst v63  }
0x2fc: {  	s20 =	simm.s32 $0x1C800  }
0x2fd: {  	[tilespmem:s20], [sflag:$0x5] =	stream.indirect_vreg.gather [hbm4b:s6+s2], $0x80, v5, vm0, $0xb8;
	[tilespmem:$0x1D000] =	vst v63  }
0x2fe: {  	_ =	swait.ge [sflag:s22], $0x6000  }
0x2ff: {  	[sflag:s22] =	ssyncset.done $0x0  }
0x300: {  	s21 =	rddreg [dreg:$0x12];
	[sflag:s22] =	ssyncadd.s32 $0xFFFFA000  }
0x301: {  	[hbm4b:s21+s2] =	stream.linear.scatter [tilespmem:s26], [sflag:$0x6], $0x6000, $0x38;
	[tilespmem:$0x1D000] =	vst v63  }
0x302: {  	_ =	swait.ge [sflag:s7], $0x6000  }
0x303: {  	[sflag:s7] =	ssyncset.done $0x0  }
0x304: {  	s22 =	rddreg [dreg:$0x13];
	[sflag:s7] =	ssyncadd.s32 $0xFFFFA000  }
0x305: {  	[hbm4b:s22+s2] =	stream.linear.scatter [tilespmem:s23], [sflag:$0x7], $0x6000, $0x38;
	[tilespmem:$0x1D000] =	vst v63  }
0x306: {  	_ =	swait.ge [sflag:s9], $0x6000  }
0x307: {  	[sflag:s9] =	ssyncset.done $0x0  }
0x308: {  	s23 =	rddreg [dreg:$0x14];
	[sflag:s9] =	ssyncadd.s32 $0xFFFFA000  }
0x309: {  	[hbm4b:s23+s2] =	stream.linear.scatter [tilespmem:s5], [sflag:$0x8], $0x6000, $0x38;
	[tilespmem:$0x1D000] =	vst v63  }
0x30a: {  	_ =	swait.ge [sflag:s12], $0x6000  }
0x30b: {  	[sflag:s12] =	ssyncset.done $0x0  }
0x30c: {  	s28 =	rddreg [dreg:$0x15];
	[sflag:s12] =	ssyncadd.s32 $0xFFFFA000  }
0x30d: {  	[hbm4b:s28+s2] =	stream.linear.scatter [tilespmem:s16], [sflag:$0x9], $0x6000, $0x38;
	[tilespmem:$0x1D000] =	vst v63  }
0x30e: {  	_ =	swait.ge [sflag:s25], $0x6000  }
0x30f: {  	[sflag:s25] =	ssyncset.done $0x0  }
0x310: {  	[sflag:s25] =	ssyncadd.s32 $0xFFFFA000  }
0x311: {  	_ =	swait.ge [sflag:s8], $0x6000  }
0x312: {  	[sflag:s8] =	ssyncset.done $0x0  }
0x313: {  	[sflag:s8] =	ssyncadd.s32 $0xFFFFA000  }
0x314: {  	_ =	swait.ge [sflag:s11], $0x6000  }
0x315: {  	[sflag:s11] =	ssyncset.done $0x0  }
0x316: {  	[sflag:s11] =	ssyncadd.s32 $0xFFFFA000  }
0x317: {  	_ =	swait.ge [sflag:s13], $0x6000  }
0x318: {  	[sflag:s13] =	ssyncset.done $0x0  }
0x319: {  	s29 =	simm.s32 $0xA;
	[sflag:s13] =	ssyncadd.s32 $0xFFFFA000  }
0x31a: {  	_ =	swait.ge [sflag:s29], $0xC0  }
0x31b: {  	s30 =	rddreg [dreg:$0x1e]  }
0x31c: {  	s31 =	rddreg [dreg:$0x1c];
	s7 =	sadd.s32 $0x1, s30  }
0x31d: {  	p0 =	sne.s32 s7, s31  }
.Ltmp3:
0x31e: {  	_ = 	snop;
	(pc) =	sbr.rel @p0 .LBB2_1-.Ltmp3, $3  }
0x31f: {  	_ =	sdelay $0x1  }
0x320: {  	[sflag:s29] =	ssyncset.done $0x0  }
0x321: {  	[sflag:s29] =	ssyncadd.s32 $0xFFFFFF40  }
0x322: {  	_ =	sfence.sel $0x180000  }
0x323: {  	[bflag:$0x0] =	sbarrier.arrive $0xFFFF  }
0x324: {  	_ =	strace $0x90000047  }
0x325: {  	s0 =	stileid.u32;
	[bflag:$0x2] =	sbarrier.arrive $0xFFFF  }
0x326: {  	p0 =	sne.s32 s0, $0x0;
	s0 =	rddreg [dreg:$0x3]  }
0x327: {  	s0 =	sadd.s32 @!p0 $0x100000, s0  }
0x328: {  	[sflag:s0] =	ssyncadd.tile.s32 @!p0 $0x1;
	_ =	shalt  }
.Lfunc_end2:
_tile_overlayer_lowered:
.L_overlay_start_2:
0x329: {  	(tag) =	ssettag $0x2  }
0x32a: {  	s0 =	rddreg [dreg:$0x0];
	s2 =	stileid.u32  }
0x32b: {  	s1 =	rddreg [dreg:$0x1];
	p0 =	sne.s32 s2, $0x0  }
0x32c: {  	s3 =	rddreg [dreg:$0x2];
	[bflag:$0x3] =	sbarrier.arrive $0xFFFF;
	s2 =	simm.s32 @!p0 $0x1C0B  }
0x32d: {  	[timem:s3], [sflag:s2] =	dma.local @!p0 [hbm:s0], s1  }
0x32e: {  	s0 =	simm.s32 @!p0 $0xB  }
0x32f: {  	_ =	swait.ge @!p0 [sflag:s0], s1  }
0x330: {  	s1 =	ssub.s32 @!p0 $0x0, s1;
	[sflag:s0] =	ssyncset.done @!p0 $0x0  }
0x331: {  	[sflag:s0] =	ssyncadd.s32 @!p0 s1  }
0x332: {  	[bflag:$0x3] =	sbarrier.arrive $0xFFFF  }
0x333: {  	_ =	shalt  }

</sc_bundles>
